<compile_context>
chip_gen: v7x
topology: tpu7x:2x2x1
jax: 0.10.2.dev20260603
libtpu: 0.0.44.dev20260713+nightly
codegen_flags: <defaults>
</compile_context>

<pallas_src>
import functools

import jax
import jax.numpy as jnp
from jax import lax
from jax.experimental import pallas as pl
from jax.experimental.pallas import tpu as pltpu
from jax.experimental.pallas import tpu_sc as plsc

SEQ_LEN = 200
BATCH = 4096
EMBED_DIM = 32
N_CLASSES = 2
VOCAB = 1000000

NC = 2
NS = 16
NW = NC * NS
COLS = BATCH // NW
JOFF = (0, 104)
JLEN = (104, 96)
NCH = 2
LANES = 16
PW = 8
PACK = 128 // PW
BR = 4096
GRID = 16
R = BR * GRID
VP = R * PACK
NBUF = 8



def _compress_body(*refs):
    xrefs = refs[:PACK]
    b2_ref = refs[PACK]
    p_ref = refs[PACK + 1]
    a = jnp.concatenate([x[...] for x in xrefs], axis=0)
    p_ref[...] = jax.lax.dot_general(
        a, b2_ref[...],
        dimension_numbers=(((0,), (0,)), ((), ())),
        preferred_element_type=jnp.float32,
    )


def _compress(embT, B2):
    last_ok = pl.cdiv(VOCAB, BR) - 1
    in_specs = [
        pl.BlockSpec(
            (EMBED_DIM, BR),
            functools.partial(
                lambda q, i: (0, jnp.minimum(q * GRID + i, last_ok)), q))
        for q in range(PACK)
    ]
    in_specs.append(
        pl.BlockSpec((PACK * EMBED_DIM, 128), lambda i: (0, 0)))
    return pl.pallas_call(
        _compress_body,
        grid=(GRID,),
        in_specs=in_specs,
        out_specs=pl.BlockSpec((BR, 128), lambda i: (i, 0)),
        out_shape=jax.ShapeDtypeStruct((R, 128), jnp.float32),
    )(*([embT] * PACK), B2)



def _sc_body(text_hbm, p_hbm, out_hbm, idx_v, *rest):
    bufs = rest[:NBUF]
    acc_v = rest[NBUF]
    sems = rest[NBUF + 1:NBUF + 1 + NBUF]

    wid = lax.axis_index("s") * NC + lax.axis_index("c")
    base = wid * COLS
    pltpu.sync_copy(text_hbm.at[pl.ds(base, COLS)], idx_v)

    def start(c, j, buf, sem):
        pltpu.async_copy(
            p_hbm.at[idx_v.at[c, pl.ds(JOFF[j], JLEN[j])]], buf, sem)

    def wait(j, buf, sem):
        pltpu.make_async_copy(
            p_hbm.at[idx_v.at[0, pl.ds(JOFF[j], JLEN[j])]], buf, sem).wait()

    def reduce_into(j, buf, acc):
        lane = lax.iota(jnp.int32, LANES)
        col = lane % PW
        rpar = lax.shift_right_logical(lane, 3)
        for k in range(JLEN[j] // 2):
            acc = acc + plsc.load_gather(buf, [2 * k + rpar, col])
        return acc

    NSTEP = COLS * NCH
    for k in range(NBUF - 1):
        start(k >> 1, k & 1, bufs[k], sems[k])

    def group(g, _):
        acc = jnp.zeros((LANES,), jnp.float32)
        for b in range(NBUF):
            s_next = g * NBUF + b + NBUF - 1

            @pl.when(s_next < NSTEP)
            def _(s_next=s_next, b=b):
                start(lax.shift_right_logical(s_next, 1),
                      (b + NBUF - 1) & 1,
                      bufs[(b - 1) % NBUF], sems[(b - 1) % NBUF])

            wait(b & 1, bufs[b], sems[b])
            if b % 2 == 0:
                acc = reduce_into(0, bufs[b],
                                  jnp.zeros((LANES,), jnp.float32))
            else:
                acc = reduce_into(1, bufs[b], acc)
                acc_v[g * (NBUF // 2) + b // 2, :] = acc
        return 0

    lax.fori_loop(0, NSTEP // NBUF, group, 0)
    pltpu.sync_copy(acc_v, out_hbm.at[pl.ds(base, COLS)])


def _make_sc_sum():
    mesh = plsc.VectorSubcoreMesh(core_axis_name="c", subcore_axis_name="s")
    return pl.kernel(
        _sc_body,
        mesh=mesh,
        compiler_params=pltpu.CompilerParams(
            use_tc_tiling_on_sc=False, needs_layout_passes=False),
        out_type=jax.ShapeDtypeStruct((BATCH, LANES), jnp.float32),
        scratch_types=(
            [pltpu.VMEM((COLS, SEQ_LEN), jnp.int32)]
            + [pltpu.VMEM((JLEN[b & 1], PW), jnp.float32)
               for b in range(NBUF)]
            + [pltpu.VMEM((COLS, LANES), jnp.float32)]
            + [pltpu.SemaphoreType.DMA for _ in range(NBUF)]
        ),
    )



def _head_body(acc_ref, len_ref, b_ref, out_ref):
    a = acc_ref[...]
    s0 = a[:, 0:1] + a[:, 8:9]
    s1 = a[:, 1:2] + a[:, 9:10]
    s = jnp.concatenate([s0, s1], axis=1)
    lenf = len_ref[...].astype(jnp.float32)
    out_ref[...] = s / (lenf + 1.0) + b_ref[...]


def _head(acc, length2d, b2d):
    return pl.pallas_call(
        _head_body,
        out_shape=jax.ShapeDtypeStruct((BATCH, N_CLASSES), jnp.float32),
    )(acc, length2d, b2d)


def kernel(text, length, embeddings, W, b):
    text_packed = (text % R) * PACK + text // R
    textT = jnp.transpose(text_packed)
    embT = jnp.transpose(embeddings)
    Wpad = jnp.concatenate(
        [W, jnp.zeros((EMBED_DIM, PW - N_CLASSES), jnp.float32)], axis=1)
    eye = jnp.eye(PACK, dtype=jnp.float32)
    B2 = jnp.einsum("pq,dc->pdqc", eye, Wpad).reshape(
        PACK * EMBED_DIM, PACK * PW)
    P_pack = _compress(embT, B2)
    P = jnp.reshape(P_pack, (VP, PW))
    acc = _make_sc_sum()(textT, P)
    length2d = jnp.reshape(length, (BATCH, 1))
    b2d = jnp.reshape(b, (1, N_CLASSES))
    return _head(acc, length2d, b2d)

# --- scband reference (transcript-rebuilt; emitter-appended) ---
"""Pipeline reference for scband-lr-82798379532375 (READ-ONLY COPY).

The authoritative reference and input builder live on the scoring server;
editing this copy changes nothing except your own understanding.
"""

import jax, jax.numpy as jnp
import numpy as np

VOCAB = 1000000
EMBED_DIM = 32
N_CLASSES = 2
SEQ_LEN = 200
BATCH = 4096


def setup_inputs(seed: int = 0) -> dict:
    key = jax.random.key(seed)
    k1, k2, k3, k4 = jax.random.split(key, 4)
    # text: [seq_len, batch] token ids (sum is over dim 0 -> seq dim first)
    text = jax.random.randint(k1, (SEQ_LEN, BATCH), 0, VOCAB, dtype=jnp.int32)
    # length: [batch] true sequence lengths
    length = jax.random.randint(k2, (BATCH,), 0, SEQ_LEN, dtype=jnp.int32)
    # learned parameters
    embeddings = jax.random.normal(k3, (VOCAB, EMBED_DIM), dtype=jnp.float32) * 0.02
    W = jax.random.normal(k4, (EMBED_DIM, N_CLASSES), dtype=jnp.float32) * 0.1
    b = jnp.zeros((N_CLASSES,), dtype=jnp.float32)
    return {"text": text, "length": length, "embeddings": embeddings, "W": W, "b": b}


def reference(text, length, embeddings, W, b):
    # nn.Embedding lookup -> gather rows of the table
    text_embed = jnp.take(embeddings, text, axis=0)  # [L, B, D]
    # sum over sequence dim, divide by (length + 1)
    mean_embed = text_embed.sum(axis=0)  # [B, D]
    mean_embed = mean_embed / (length.astype(jnp.float32)[:, None] + 1.0)
    # classifier: single Linear layer
    logits = mean_embed @ W + b  # [B, n_classes]
    return logits

if __name__ == "__main__":
    import jax
    _d = setup_inputs()
    print(jax.jit(kernel)(*tuple(_d.values())))

</pallas_src>

<mosaic_0001>
#map = affine_map<(d0, d1) -> (0, 0)>
module attributes {stable_mosaic.version = 14 : i64} {
  func.func @_sc_body(%arg0: i32, %arg1: i32, %arg2: memref<4096x200xi32, #tpu.memory_space<hbm>>, %arg3: memref<1048576x8xf32, #tpu.memory_space<hbm>>, %arg4: memref<4096x16xf32, #tpu.memory_space<hbm>>, %arg5: memref<128x200xi32, #tpu.memory_space<vmem>>, %arg6: memref<104x8xf32, #tpu.memory_space<vmem>>, %arg7: memref<96x8xf32, #tpu.memory_space<vmem>>, %arg8: memref<104x8xf32, #tpu.memory_space<vmem>>, %arg9: memref<96x8xf32, #tpu.memory_space<vmem>>, %arg10: memref<104x8xf32, #tpu.memory_space<vmem>>, %arg11: memref<96x8xf32, #tpu.memory_space<vmem>>, %arg12: memref<104x8xf32, #tpu.memory_space<vmem>>, %arg13: memref<96x8xf32, #tpu.memory_space<vmem>>, %arg14: memref<128x16xf32, #tpu.memory_space<vmem>>, %arg15: memref<!tpu.dma_semaphore, #tpu.memory_space<semaphore_mem>>, %arg16: memref<!tpu.dma_semaphore, #tpu.memory_space<semaphore_mem>>, %arg17: memref<!tpu.dma_semaphore, #tpu.memory_space<semaphore_mem>>, %arg18: memref<!tpu.dma_semaphore, #tpu.memory_space<semaphore_mem>>, %arg19: memref<!tpu.dma_semaphore, #tpu.memory_space<semaphore_mem>>, %arg20: memref<!tpu.dma_semaphore, #tpu.memory_space<semaphore_mem>>, %arg21: memref<!tpu.dma_semaphore, #tpu.memory_space<semaphore_mem>>, %arg22: memref<!tpu.dma_semaphore, #tpu.memory_space<semaphore_mem>>) attributes {dimension_semantics = [#tpu.dimension_semantics<core_parallel>, #tpu.dimension_semantics<subcore_parallel>], iteration_bounds = array<i64: 2, 16>, scalar_prefetch = 0 : i64, scratch_operands = 18 : i64, tpu.core_type = #tpu.core_type<sc_vector_subcore>, window_params = [{transform_indices = #map}, {transform_indices = #map}, {transform_indices = #map}]} {
    %mul3A = arith.constant 2 : i32
    %mul3A_0 = arith.muli %arg1, %mul3A : i32
    %add3A = arith.addi %mul3A_0, %arg0 : i32
    %mul3A_1 = arith.constant 128 : i32
    %mul3A_2 = arith.muli %add3A, %mul3A_1 : i32
    "tpu.region"() ({
      %run_scoped3A = tpu.sem_alloc : memref<!tpu.dma_semaphore, #tpu.memory_space<semaphore_mem>>
      %dma_start3A_57 = arith.constant 0 : i32
      %dma_start3A_58 = tpu.memref_slice %arg2[%mul3A_2, %dma_start3A_57] : memref<4096x200xi32, #tpu.memory_space<hbm>> -> memref<128x200xi32, #tpu.memory_space<hbm>>
      %dma_start3A_59 = arith.constant 0 : i32
      %dma_start3A_60 = tpu.memref_slice %arg2[%mul3A_2, %dma_start3A_59] : memref<4096x200xi32, #tpu.memory_space<hbm>> -> memref<128x200xi32, #tpu.memory_space<hbm>>
      tpu.enqueue_dma source(%dma_start3A_60 : memref<128x200xi32, #tpu.memory_space<hbm>>) target(%arg5 : memref<128x200xi32, #tpu.memory_space<vmem>>) target_semaphore(%run_scoped3A : memref<!tpu.dma_semaphore, #tpu.memory_space<semaphore_mem>>)
      %dma_wait3A = arith.constant 0 : i32
      %dma_wait3A_61 = tpu.memref_slice %arg2[%mul3A_2, %dma_wait3A] : memref<4096x200xi32, #tpu.memory_space<hbm>> -> memref<128x200xi32, #tpu.memory_space<hbm>>
      %dma_wait3A_62 = arith.constant 0 : i32
      %dma_wait3A_63 = tpu.memref_slice %arg2[%mul3A_2, %dma_wait3A_62] : memref<4096x200xi32, #tpu.memory_space<hbm>> -> memref<128x200xi32, #tpu.memory_space<hbm>>
      tpu.wait_dma2 semaphore(%run_scoped3A : memref<!tpu.dma_semaphore, #tpu.memory_space<semaphore_mem>>) src(%dma_wait3A_63 : memref<128x200xi32, #tpu.memory_space<hbm>>) dst(%arg5 : memref<128x200xi32, #tpu.memory_space<vmem>>)
      tpu.yield
    }) : () -> ()
    %dma_start3A = arith.constant 0 : i32
    %dma_start3A_3 = arith.constant 0 : i32
    %dma_start3A_4 = tpu.memref_slice %arg5[%dma_start3A, %dma_start3A_3] : memref<128x200xi32, #tpu.memory_space<vmem>> -> memref<1x104xi32, #tpu.memory_space<vmem>>
    %dma_start3A_5 = tpu.memref_squeeze %dma_start3A_4 : memref<1x104xi32, #tpu.memory_space<vmem>> -> memref<104xi32, #tpu.memory_space<vmem>>
    %dma_start3A_6 = arith.constant 0 : i32
    %dma_start3A_7 = arith.constant 0 : i32
    %dma_start3A_8 = tpu.memref_slice %arg3[%dma_start3A_6, %dma_start3A_7] : memref<1048576x8xf32, #tpu.memory_space<hbm>> -> memref<1048576x8xf32, #tpu.memory_space<hbm>>
    tpu.enqueue_indirect_dma source(%dma_start3A_8 : memref<1048576x8xf32, #tpu.memory_space<hbm>>) target(%arg6 : memref<104x8xf32, #tpu.memory_space<vmem>>) offsets(%dma_start3A_5 : memref<104xi32, #tpu.memory_space<vmem>>) semaphore(%arg15 : memref<!tpu.dma_semaphore, #tpu.memory_space<semaphore_mem>>)
    %dma_start3A_9 = arith.constant 0 : i32
    %dma_start3A_10 = arith.constant 104 : i32
    %dma_start3A_11 = tpu.memref_slice %arg5[%dma_start3A_9, %dma_start3A_10] : memref<128x200xi32, #tpu.memory_space<vmem>> -> memref<1x96xi32, #tpu.memory_space<vmem>>
    %dma_start3A_12 = tpu.memref_squeeze %dma_start3A_11 : memref<1x96xi32, #tpu.memory_space<vmem>> -> memref<96xi32, #tpu.memory_space<vmem>>
    %dma_start3A_13 = arith.constant 0 : i32
    %dma_start3A_14 = arith.constant 0 : i32
    %dma_start3A_15 = tpu.memref_slice %arg3[%dma_start3A_13, %dma_start3A_14] : memref<1048576x8xf32, #tpu.memory_space<hbm>> -> memref<1048576x8xf32, #tpu.memory_space<hbm>>
    tpu.enqueue_indirect_dma source(%dma_start3A_15 : memref<1048576x8xf32, #tpu.memory_space<hbm>>) target(%arg7 : memref<96x8xf32, #tpu.memory_space<vmem>>) offsets(%dma_start3A_12 : memref<96xi32, #tpu.memory_space<vmem>>) semaphore(%arg16 : memref<!tpu.dma_semaphore, #tpu.memory_space<semaphore_mem>>)
    %dma_start3A_16 = arith.constant 1 : i32
    %dma_start3A_17 = arith.constant 0 : i32
    %dma_start3A_18 = tpu.memref_slice %arg5[%dma_start3A_16, %dma_start3A_17] : memref<128x200xi32, #tpu.memory_space<vmem>> -> memref<1x104xi32, #tpu.memory_space<vmem>>
    %dma_start3A_19 = tpu.memref_squeeze %dma_start3A_18 : memref<1x104xi32, #tpu.memory_space<vmem>> -> memref<104xi32, #tpu.memory_space<vmem>>
    %dma_start3A_20 = arith.constant 0 : i32
    %dma_start3A_21 = arith.constant 0 : i32
    %dma_start3A_22 = tpu.memref_slice %arg3[%dma_start3A_20, %dma_start3A_21] : memref<1048576x8xf32, #tpu.memory_space<hbm>> -> memref<1048576x8xf32, #tpu.memory_space<hbm>>
    tpu.enqueue_indirect_dma source(%dma_start3A_22 : memref<1048576x8xf32, #tpu.memory_space<hbm>>) target(%arg8 : memref<104x8xf32, #tpu.memory_space<vmem>>) offsets(%dma_start3A_19 : memref<104xi32, #tpu.memory_space<vmem>>) semaphore(%arg17 : memref<!tpu.dma_semaphore, #tpu.memory_space<semaphore_mem>>)
    %dma_start3A_23 = arith.constant 1 : i32
    %dma_start3A_24 = arith.constant 104 : i32
    %dma_start3A_25 = tpu.memref_slice %arg5[%dma_start3A_23, %dma_start3A_24] : memref<128x200xi32, #tpu.memory_space<vmem>> -> memref<1x96xi32, #tpu.memory_space<vmem>>
    %dma_start3A_26 = tpu.memref_squeeze %dma_start3A_25 : memref<1x96xi32, #tpu.memory_space<vmem>> -> memref<96xi32, #tpu.memory_space<vmem>>
    %dma_start3A_27 = arith.constant 0 : i32
    %dma_start3A_28 = arith.constant 0 : i32
    %dma_start3A_29 = tpu.memref_slice %arg3[%dma_start3A_27, %dma_start3A_28] : memref<1048576x8xf32, #tpu.memory_space<hbm>> -> memref<1048576x8xf32, #tpu.memory_space<hbm>>
    tpu.enqueue_indirect_dma source(%dma_start3A_29 : memref<1048576x8xf32, #tpu.memory_space<hbm>>) target(%arg9 : memref<96x8xf32, #tpu.memory_space<vmem>>) offsets(%dma_start3A_26 : memref<96xi32, #tpu.memory_space<vmem>>) semaphore(%arg18 : memref<!tpu.dma_semaphore, #tpu.memory_space<semaphore_mem>>)
    %dma_start3A_30 = arith.constant 2 : i32
    %dma_start3A_31 = arith.constant 0 : i32
    %dma_start3A_32 = tpu.memref_slice %arg5[%dma_start3A_30, %dma_start3A_31] : memref<128x200xi32, #tpu.memory_space<vmem>> -> memref<1x104xi32, #tpu.memory_space<vmem>>
    %dma_start3A_33 = tpu.memref_squeeze %dma_start3A_32 : memref<1x104xi32, #tpu.memory_space<vmem>> -> memref<104xi32, #tpu.memory_space<vmem>>
    %dma_start3A_34 = arith.constant 0 : i32
    %dma_start3A_35 = arith.constant 0 : i32
    %dma_start3A_36 = tpu.memref_slice %arg3[%dma_start3A_34, %dma_start3A_35] : memref<1048576x8xf32, #tpu.memory_space<hbm>> -> memref<1048576x8xf32, #tpu.memory_space<hbm>>
    tpu.enqueue_indirect_dma source(%dma_start3A_36 : memref<1048576x8xf32, #tpu.memory_space<hbm>>) target(%arg10 : memref<104x8xf32, #tpu.memory_space<vmem>>) offsets(%dma_start3A_33 : memref<104xi32, #tpu.memory_space<vmem>>) semaphore(%arg19 : memref<!tpu.dma_semaphore, #tpu.memory_space<semaphore_mem>>)
    %dma_start3A_37 = arith.constant 2 : i32
    %dma_start3A_38 = arith.constant 104 : i32
    %dma_start3A_39 = tpu.memref_slice %arg5[%dma_start3A_37, %dma_start3A_38] : memref<128x200xi32, #tpu.memory_space<vmem>> -> memref<1x96xi32, #tpu.memory_space<vmem>>
    %dma_start3A_40 = tpu.memref_squeeze %dma_start3A_39 : memref<1x96xi32, #tpu.memory_space<vmem>> -> memref<96xi32, #tpu.memory_space<vmem>>
    %dma_start3A_41 = arith.constant 0 : i32
    %dma_start3A_42 = arith.constant 0 : i32
    %dma_start3A_43 = tpu.memref_slice %arg3[%dma_start3A_41, %dma_start3A_42] : memref<1048576x8xf32, #tpu.memory_space<hbm>> -> memref<1048576x8xf32, #tpu.memory_space<hbm>>
    tpu.enqueue_indirect_dma source(%dma_start3A_43 : memref<1048576x8xf32, #tpu.memory_space<hbm>>) target(%arg11 : memref<96x8xf32, #tpu.memory_space<vmem>>) offsets(%dma_start3A_40 : memref<96xi32, #tpu.memory_space<vmem>>) semaphore(%arg20 : memref<!tpu.dma_semaphore, #tpu.memory_space<semaphore_mem>>)
    %dma_start3A_44 = arith.constant 3 : i32
    %dma_start3A_45 = arith.constant 0 : i32
    %dma_start3A_46 = tpu.memref_slice %arg5[%dma_start3A_44, %dma_start3A_45] : memref<128x200xi32, #tpu.memory_space<vmem>> -> memref<1x104xi32, #tpu.memory_space<vmem>>
    %dma_start3A_47 = tpu.memref_squeeze %dma_start3A_46 : memref<1x104xi32, #tpu.memory_space<vmem>> -> memref<104xi32, #tpu.memory_space<vmem>>
    %dma_start3A_48 = arith.constant 0 : i32
    %dma_start3A_49 = arith.constant 0 : i32
    %dma_start3A_50 = tpu.memref_slice %arg3[%dma_start3A_48, %dma_start3A_49] : memref<1048576x8xf32, #tpu.memory_space<hbm>> -> memref<1048576x8xf32, #tpu.memory_space<hbm>>
    tpu.enqueue_indirect_dma source(%dma_start3A_50 : memref<1048576x8xf32, #tpu.memory_space<hbm>>) target(%arg12 : memref<104x8xf32, #tpu.memory_space<vmem>>) offsets(%dma_start3A_47 : memref<104xi32, #tpu.memory_space<vmem>>) semaphore(%arg21 : memref<!tpu.dma_semaphore, #tpu.memory_space<semaphore_mem>>)
    %scan3A = arith.constant 0 : i32
    %scan3A_51 = arith.constant 0 : i32
    %scan3A_52 = arith.constant 32 : i32
    %scan3A_53 = arith.addi %scan3A_51, %scan3A_52 : i32
    %scan3A_54 = arith.constant 1 : i32
    %scan3A_55 = scf.for %scan3A_57 = %scan3A_51 to %scan3A_53 step %scan3A_54 iter_args(%scan3A_58 = %scan3A) -> (i32)  : i32 {
      %broadcast_in_dim3A = arith.constant 0.000000e+00 : f32
      %broadcast_in_dim3A_59 = vector.broadcast %broadcast_in_dim3A : f32 to vector<16xf32>
      %mul3A_60 = arith.constant 8 : i32
      %mul3A_61 = arith.muli %scan3A_57, %mul3A_60 : i32
      %add3A_62 = arith.constant 0 : i32
      %add3A_63 = arith.addi %mul3A_61, %add3A_62 : i32
      %add3A_64 = arith.constant 8 : i32
      %add3A_65 = arith.addi %add3A_63, %add3A_64 : i32
      %sub3A = arith.constant 1 : i32
      %sub3A_66 = arith.subi %add3A_65, %sub3A : i32
      %lt3A = arith.constant 256 : i32
      %lt3A_67 = arith.cmpi slt, %sub3A_66, %lt3A : i32
      %convert_element_type3A = arith.extui %lt3A_67 : i1 to i32
      %cond3A = arith.constant 0 : i32
      %cond3A_68 = arith.cmpi ne, %convert_element_type3A, %cond3A : i32
      scf.if %cond3A_68 {
        %shift_right_logical3A_2450 = arith.constant 1 : i32
        %shift_right_logical3A_2451 = arith.shrui %sub3A_66, %shift_right_logical3A_2450 : i32
        %dma_start3A_2452 = arith.constant 104 : i32
        %dma_start3A_2453 = tpu.memref_slice %arg5[%shift_right_logical3A_2451, %dma_start3A_2452] : memref<128x200xi32, #tpu.memory_space<vmem>> -> memref<1x96xi32, #tpu.memory_space<vmem>>
        %dma_start3A_2454 = tpu.memref_squeeze %dma_start3A_2453 : memref<1x96xi32, #tpu.memory_space<vmem>> -> memref<96xi32, #tpu.memory_space<vmem>>
        %dma_start3A_2455 = arith.constant 0 : i32
        %dma_start3A_2456 = arith.constant 0 : i32
        %dma_start3A_2457 = tpu.memref_slice %arg3[%dma_start3A_2455, %dma_start3A_2456] : memref<1048576x8xf32, #tpu.memory_space<hbm>> -> memref<1048576x8xf32, #tpu.memory_space<hbm>>
        tpu.enqueue_indirect_dma source(%dma_start3A_2457 : memref<1048576x8xf32, #tpu.memory_space<hbm>>) target(%arg13 : memref<96x8xf32, #tpu.memory_space<vmem>>) offsets(%dma_start3A_2454 : memref<96xi32, #tpu.memory_space<vmem>>) semaphore(%arg22 : memref<!tpu.dma_semaphore, #tpu.memory_space<semaphore_mem>>)
      } else {
      }
      %dma_wait3A = arith.constant 0 : i32
      %dma_wait3A_69 = arith.constant 0 : i32
      %dma_wait3A_70 = tpu.memref_slice %arg5[%dma_wait3A, %dma_wait3A_69] : memref<128x200xi32, #tpu.memory_space<vmem>> -> memref<1x104xi32, #tpu.memory_space<vmem>>
      %dma_wait3A_71 = tpu.memref_squeeze %dma_wait3A_70 : memref<1x104xi32, #tpu.memory_space<vmem>> -> memref<104xi32, #tpu.memory_space<vmem>>
      %dma_wait3A_72 = arith.constant 0 : i32
      %dma_wait3A_73 = arith.constant 0 : i32
      %dma_wait3A_74 = tpu.memref_slice %arg3[%dma_wait3A_72, %dma_wait3A_73] : memref<1048576x8xf32, #tpu.memory_space<hbm>> -> memref<1048576x8xf32, #tpu.memory_space<hbm>>
      tpu.wait_indirect_dma semaphore(%arg15 : memref<!tpu.dma_semaphore, #tpu.memory_space<semaphore_mem>>) src(%dma_wait3A_74 : memref<1048576x8xf32, #tpu.memory_space<hbm>>) dst(%arg6 : memref<104x8xf32, #tpu.memory_space<vmem>>)
      %broadcast_in_dim3A_75 = arith.constant 0.000000e+00 : f32
      %broadcast_in_dim3A_76 = vector.broadcast %broadcast_in_dim3A_75 : f32 to vector<16xf32>
      %iota3A = tpu.iota {dimensions = array<i32: 0>} : vector<16xi32>
      %jit3A = arith.constant 8 : i32
      %eq3A = arith.constant 0 : i32
      %eq3A_77 = arith.cmpi eq, %jit3A, %eq3A : i32
      %jit3A_78 = arith.constant 1 : i32
      %select_n3A = arith.select %eq3A_77, %jit3A_78, %jit3A : i32
      %rem3A = vector.broadcast %select_n3A : i32 to vector<16xi32>
      %rem3A_79 = arith.remsi %iota3A, %rem3A : vector<16xi32>
      %ne3A = arith.constant 0 : i32
      %ne3A_80 = vector.broadcast %ne3A : i32 to vector<16xi32>
      %ne3A_81 = arith.cmpi ne, %rem3A_79, %ne3A_80 : vector<16xi32>
      %lt3A_82 = arith.constant 0 : i32
      %lt3A_83 = vector.broadcast %lt3A_82 : i32 to vector<16xi32>
      %lt3A_84 = arith.cmpi slt, %rem3A_79, %lt3A_83 : vector<16xi32>
      %lt3A_85 = arith.constant 0 : i32
      %lt3A_86 = arith.cmpi slt, %select_n3A, %lt3A_85 : i32
      %ne3A_87 = vector.broadcast %lt3A_86 : i1 to vector<16xi1>
      %ne3A_88 = vector.broadcast %ne3A_87 : vector<16xi1> to vector<16xi1>
      %ne3A_89 = arith.xori %lt3A_84, %ne3A_88 : vector<16xi1>
      %and3A = arith.andi %ne3A_89, %ne3A_81 : vector<16xi1>
      %add3A_90 = vector.broadcast %select_n3A : i32 to vector<16xi32>
      %add3A_91 = arith.addi %rem3A_79, %add3A_90 : vector<16xi32>
      %select_n3A_92 = arith.select %and3A, %add3A_91, %rem3A_79 : vector<16xi1>, vector<16xi32>
      %shift_right_logical3A = arith.constant 3 : i32
      %shift_right_logical3A_93 = vector.broadcast %shift_right_logical3A : i32 to vector<16xi32>
      %shift_right_logical3A_94 = arith.shrui %iota3A, %shift_right_logical3A_93 : vector<16xi32>
      %add3A_95 = arith.constant 0 : i32
      %add3A_96 = vector.broadcast %add3A_95 : i32 to vector<16xi32>
      %add3A_97 = arith.addi %add3A_96, %shift_right_logical3A_94 : vector<16xi32>
      %gather3A = tpu.vector_load_idx %arg6[%add3A_97, %select_n3A_92] : memref<104x8xf32, #tpu.memory_space<vmem>>[vector<16xi32>, vector<16xi32>], vector<16xf32>,
      %add3A_98 = arith.addf %broadcast_in_dim3A_76, %gather3A : vector<16xf32>
      %add3A_99 = arith.constant 2 : i32
      %add3A_100 = vector.broadcast %add3A_99 : i32 to vector<16xi32>
      %add3A_101 = arith.addi %add3A_100, %shift_right_logical3A_94 : vector<16xi32>
      %gather3A_102 = tpu.vector_load_idx %arg6[%add3A_101, %select_n3A_92] : memref<104x8xf32, #tpu.memory_space<vmem>>[vector<16xi32>, vector<16xi32>], vector<16xf32>,
      %add3A_103 = arith.addf %add3A_98, %gather3A_102 : vector<16xf32>
      %add3A_104 = arith.constant 4 : i32
      %add3A_105 = vector.broadcast %add3A_104 : i32 to vector<16xi32>
      %add3A_106 = arith.addi %add3A_105, %shift_right_logical3A_94 : vector<16xi32>
      %gather3A_107 = tpu.vector_load_idx %arg6[%add3A_106, %select_n3A_92] : memref<104x8xf32, #tpu.memory_space<vmem>>[vector<16xi32>, vector<16xi32>], vector<16xf32>,
      %add3A_108 = arith.addf %add3A_103, %gather3A_107 : vector<16xf32>
      %add3A_109 = arith.constant 6 : i32
      %add3A_110 = vector.broadcast %add3A_109 : i32 to vector<16xi32>
      %add3A_111 = arith.addi %add3A_110, %shift_right_logical3A_94 : vector<16xi32>
      %gather3A_112 = tpu.vector_load_idx %arg6[%add3A_111, %select_n3A_92] : memref<104x8xf32, #tpu.memory_space<vmem>>[vector<16xi32>, vector<16xi32>], vector<16xf32>,
      %add3A_113 = arith.addf %add3A_108, %gather3A_112 : vector<16xf32>
      %add3A_114 = arith.constant 8 : i32
      %add3A_115 = vector.broadcast %add3A_114 : i32 to vector<16xi32>
      %add3A_116 = arith.addi %add3A_115, %shift_right_logical3A_94 : vector<16xi32>
      %gather3A_117 = tpu.vector_load_idx %arg6[%add3A_116, %select_n3A_92] : memref<104x8xf32, #tpu.memory_space<vmem>>[vector<16xi32>, vector<16xi32>], vector<16xf32>,
      %add3A_118 = arith.addf %add3A_113, %gather3A_117 : vector<16xf32>
      %add3A_119 = arith.constant 10 : i32
      %add3A_120 = vector.broadcast %add3A_119 : i32 to vector<16xi32>
      %add3A_121 = arith.addi %add3A_120, %shift_right_logical3A_94 : vector<16xi32>
      %gather3A_122 = tpu.vector_load_idx %arg6[%add3A_121, %select_n3A_92] : memref<104x8xf32, #tpu.memory_space<vmem>>[vector<16xi32>, vector<16xi32>], vector<16xf32>,
      %add3A_123 = arith.addf %add3A_118, %gather3A_122 : vector<16xf32>
      %add3A_124 = arith.constant 12 : i32
      %add3A_125 = vector.broadcast %add3A_124 : i32 to vector<16xi32>
      %add3A_126 = arith.addi %add3A_125, %shift_right_logical3A_94 : vector<16xi32>
      %gather3A_127 = tpu.vector_load_idx %arg6[%add3A_126, %select_n3A_92] : memref<104x8xf32, #tpu.memory_space<vmem>>[vector<16xi32>, vector<16xi32>], vector<16xf32>,
      %add3A_128 = arith.addf %add3A_123, %gather3A_127 : vector<16xf32>
      %add3A_129 = arith.constant 14 : i32
      %add3A_130 = vector.broadcast %add3A_129 : i32 to vector<16xi32>
      %add3A_131 = arith.addi %add3A_130, %shift_right_logical3A_94 : vector<16xi32>
      %gather3A_132 = tpu.vector_load_idx %arg6[%add3A_131, %select_n3A_92] : memref<104x8xf32, #tpu.memory_space<vmem>>[vector<16xi32>, vector<16xi32>], vector<16xf32>,
      %add3A_133 = arith.addf %add3A_128, %gather3A_132 : vector<16xf32>
      %add3A_134 = arith.constant 16 : i32
      %add3A_135 = vector.broadcast %add3A_134 : i32 to vector<16xi32>
      %add3A_136 = arith.addi %add3A_135, %shift_right_logical3A_94 : vector<16xi32>
      %gather3A_137 = tpu.vector_load_idx %arg6[%add3A_136, %select_n3A_92] : memref<104x8xf32, #tpu.memory_space<vmem>>[vector<16xi32>, vector<16xi32>], vector<16xf32>,
      %add3A_138 = arith.addf %add3A_133, %gather3A_137 : vector<16xf32>
      %add3A_139 = arith.constant 18 : i32
      %add3A_140 = vector.broadcast %add3A_139 : i32 to vector<16xi32>
      %add3A_141 = arith.addi %add3A_140, %shift_right_logical3A_94 : vector<16xi32>
      %gather3A_142 = tpu.vector_load_idx %arg6[%add3A_141, %select_n3A_92] : memref<104x8xf32, #tpu.memory_space<vmem>>[vector<16xi32>, vector<16xi32>], vector<16xf32>,
      %add3A_143 = arith.addf %add3A_138, %gather3A_142 : vector<16xf32>
      %add3A_144 = arith.constant 20 : i32
      %add3A_145 = vector.broadcast %add3A_144 : i32 to vector<16xi32>
      %add3A_146 = arith.addi %add3A_145, %shift_right_logical3A_94 : vector<16xi32>
      %gather3A_147 = tpu.vector_load_idx %arg6[%add3A_146, %select_n3A_92] : memref<104x8xf32, #tpu.memory_space<vmem>>[vector<16xi32>, vector<16xi32>], vector<16xf32>,
      %add3A_148 = arith.addf %add3A_143, %gather3A_147 : vector<16xf32>
      %add3A_149 = arith.constant 22 : i32
      %add3A_150 = vector.broadcast %add3A_149 : i32 to vector<16xi32>
      %add3A_151 = arith.addi %add3A_150, %shift_right_logical3A_94 : vector<16xi32>
      %gather3A_152 = tpu.vector_load_idx %arg6[%add3A_151, %select_n3A_92] : memref<104x8xf32, #tpu.memory_space<vmem>>[vector<16xi32>, vector<16xi32>], vector<16xf32>,
      %add3A_153 = arith.addf %add3A_148, %gather3A_152 : vector<16xf32>
      %add3A_154 = arith.constant 24 : i32
      %add3A_155 = vector.broadcast %add3A_154 : i32 to vector<16xi32>
      %add3A_156 = arith.addi %add3A_155, %shift_right_logical3A_94 : vector<16xi32>
      %gather3A_157 = tpu.vector_load_idx %arg6[%add3A_156, %select_n3A_92] : memref<104x8xf32, #tpu.memory_space<vmem>>[vector<16xi32>, vector<16xi32>], vector<16xf32>,
      %add3A_158 = arith.addf %add3A_153, %gather3A_157 : vector<16xf32>
      %add3A_159 = arith.constant 26 : i32
      %add3A_160 = vector.broadcast %add3A_159 : i32 to vector<16xi32>
      %add3A_161 = arith.addi %add3A_160, %shift_right_logical3A_94 : vector<16xi32>
      %gather3A_162 = tpu.vector_load_idx %arg6[%add3A_161, %select_n3A_92] : memref<104x8xf32, #tpu.memory_space<vmem>>[vector<16xi32>, vector<16xi32>], vector<16xf32>,
      %add3A_163 = arith.addf %add3A_158, %gather3A_162 : vector<16xf32>
      %add3A_164 = arith.constant 28 : i32
      %add3A_165 = vector.broadcast %add3A_164 : i32 to vector<16xi32>
      %add3A_166 = arith.addi %add3A_165, %shift_right_logical3A_94 : vector<16xi32>
      %gather3A_167 = tpu.vector_load_idx %arg6[%add3A_166, %select_n3A_92] : memref<104x8xf32, #tpu.memory_space<vmem>>[vector<16xi32>, vector<16xi32>], vector<16xf32>,
      %add3A_168 = arith.addf %add3A_163, %gather3A_167 : vector<16xf32>
      %add3A_169 = arith.constant 30 : i32
      %add3A_170 = vector.broadcast %add3A_169 : i32 to vector<16xi32>
      %add3A_171 = arith.addi %add3A_170, %shift_right_logical3A_94 : vector<16xi32>
      %gather3A_172 = tpu.vector_load_idx %arg6[%add3A_171, %select_n3A_92] : memref<104x8xf32, #tpu.memory_space<vmem>>[vector<16xi32>, vector<16xi32>], vector<16xf32>,
      %add3A_173 = arith.addf %add3A_168, %gather3A_172 : vector<16xf32>
      %add3A_174 = arith.constant 32 : i32
      %add3A_175 = vector.broadcast %add3A_174 : i32 to vector<16xi32>
      %add3A_176 = arith.addi %add3A_175, %shift_right_logical3A_94 : vector<16xi32>
      %gather3A_177 = tpu.vector_load_idx %arg6[%add3A_176, %select_n3A_92] : memref<104x8xf32, #tpu.memory_space<vmem>>[vector<16xi32>, vector<16xi32>], vector<16xf32>,
      %add3A_178 = arith.addf %add3A_173, %gather3A_177 : vector<16xf32>
      %add3A_179 = arith.constant 34 : i32
      %add3A_180 = vector.broadcast %add3A_179 : i32 to vector<16xi32>
      %add3A_181 = arith.addi %add3A_180, %shift_right_logical3A_94 : vector<16xi32>
      %gather3A_182 = tpu.vector_load_idx %arg6[%add3A_181, %select_n3A_92] : memref<104x8xf32, #tpu.memory_space<vmem>>[vector<16xi32>, vector<16xi32>], vector<16xf32>,
      %add3A_183 = arith.addf %add3A_178, %gather3A_182 : vector<16xf32>
      %add3A_184 = arith.constant 36 : i32
      %add3A_185 = vector.broadcast %add3A_184 : i32 to vector<16xi32>
      %add3A_186 = arith.addi %add3A_185, %shift_right_logical3A_94 : vector<16xi32>
      %gather3A_187 = tpu.vector_load_idx %arg6[%add3A_186, %select_n3A_92] : memref<104x8xf32, #tpu.memory_space<vmem>>[vector<16xi32>, vector<16xi32>], vector<16xf32>,
      %add3A_188 = arith.addf %add3A_183, %gather3A_187 : vector<16xf32>
      %add3A_189 = arith.constant 38 : i32
      %add3A_190 = vector.broadcast %add3A_189 : i32 to vector<16xi32>
      %add3A_191 = arith.addi %add3A_190, %shift_right_logical3A_94 : vector<16xi32>
      %gather3A_192 = tpu.vector_load_idx %arg6[%add3A_191, %select_n3A_92] : memref<104x8xf32, #tpu.memory_space<vmem>>[vector<16xi32>, vector<16xi32>], vector<16xf32>,
      %add3A_193 = arith.addf %add3A_188, %gather3A_192 : vector<16xf32>
      %add3A_194 = arith.constant 40 : i32
      %add3A_195 = vector.broadcast %add3A_194 : i32 to vector<16xi32>
      %add3A_196 = arith.addi %add3A_195, %shift_right_logical3A_94 : vector<16xi32>
      %gather3A_197 = tpu.vector_load_idx %arg6[%add3A_196, %select_n3A_92] : memref<104x8xf32, #tpu.memory_space<vmem>>[vector<16xi32>, vector<16xi32>], vector<16xf32>,
      %add3A_198 = arith.addf %add3A_193, %gather3A_197 : vector<16xf32>
      %add3A_199 = arith.constant 42 : i32
      %add3A_200 = vector.broadcast %add3A_199 : i32 to vector<16xi32>
      %add3A_201 = arith.addi %add3A_200, %shift_right_logical3A_94 : vector<16xi32>
      %gather3A_202 = tpu.vector_load_idx %arg6[%add3A_201, %select_n3A_92] : memref<104x8xf32, #tpu.memory_space<vmem>>[vector<16xi32>, vector<16xi32>], vector<16xf32>,
      %add3A_203 = arith.addf %add3A_198, %gather3A_202 : vector<16xf32>
      %add3A_204 = arith.constant 44 : i32
      %add3A_205 = vector.broadcast %add3A_204 : i32 to vector<16xi32>
      %add3A_206 = arith.addi %add3A_205, %shift_right_logical3A_94 : vector<16xi32>
      %gather3A_207 = tpu.vector_load_idx %arg6[%add3A_206, %select_n3A_92] : memref<104x8xf32, #tpu.memory_space<vmem>>[vector<16xi32>, vector<16xi32>], vector<16xf32>,
      %add3A_208 = arith.addf %add3A_203, %gather3A_207 : vector<16xf32>
      %add3A_209 = arith.constant 46 : i32
      %add3A_210 = vector.broadcast %add3A_209 : i32 to vector<16xi32>
      %add3A_211 = arith.addi %add3A_210, %shift_right_logical3A_94 : vector<16xi32>
      %gather3A_212 = tpu.vector_load_idx %arg6[%add3A_211, %select_n3A_92] : memref<104x8xf32, #tpu.memory_space<vmem>>[vector<16xi32>, vector<16xi32>], vector<16xf32>,
      %add3A_213 = arith.addf %add3A_208, %gather3A_212 : vector<16xf32>
      %add3A_214 = arith.constant 48 : i32
      %add3A_215 = vector.broadcast %add3A_214 : i32 to vector<16xi32>
      %add3A_216 = arith.addi %add3A_215, %shift_right_logical3A_94 : vector<16xi32>
      %gather3A_217 = tpu.vector_load_idx %arg6[%add3A_216, %select_n3A_92] : memref<104x8xf32, #tpu.memory_space<vmem>>[vector<16xi32>, vector<16xi32>], vector<16xf32>,
      %add3A_218 = arith.addf %add3A_213, %gather3A_217 : vector<16xf32>
      %add3A_219 = arith.constant 50 : i32
      %add3A_220 = vector.broadcast %add3A_219 : i32 to vector<16xi32>
      %add3A_221 = arith.addi %add3A_220, %shift_right_logical3A_94 : vector<16xi32>
      %gather3A_222 = tpu.vector_load_idx %arg6[%add3A_221, %select_n3A_92] : memref<104x8xf32, #tpu.memory_space<vmem>>[vector<16xi32>, vector<16xi32>], vector<16xf32>,
      %add3A_223 = arith.addf %add3A_218, %gather3A_222 : vector<16xf32>
      %add3A_224 = arith.constant 52 : i32
      %add3A_225 = vector.broadcast %add3A_224 : i32 to vector<16xi32>
      %add3A_226 = arith.addi %add3A_225, %shift_right_logical3A_94 : vector<16xi32>
      %gather3A_227 = tpu.vector_load_idx %arg6[%add3A_226, %select_n3A_92] : memref<104x8xf32, #tpu.memory_space<vmem>>[vector<16xi32>, vector<16xi32>], vector<16xf32>,
      %add3A_228 = arith.addf %add3A_223, %gather3A_227 : vector<16xf32>
      %add3A_229 = arith.constant 54 : i32
      %add3A_230 = vector.broadcast %add3A_229 : i32 to vector<16xi32>
      %add3A_231 = arith.addi %add3A_230, %shift_right_logical3A_94 : vector<16xi32>
      %gather3A_232 = tpu.vector_load_idx %arg6[%add3A_231, %select_n3A_92] : memref<104x8xf32, #tpu.memory_space<vmem>>[vector<16xi32>, vector<16xi32>], vector<16xf32>,
      %add3A_233 = arith.addf %add3A_228, %gather3A_232 : vector<16xf32>
      %add3A_234 = arith.constant 56 : i32
      %add3A_235 = vector.broadcast %add3A_234 : i32 to vector<16xi32>
      %add3A_236 = arith.addi %add3A_235, %shift_right_logical3A_94 : vector<16xi32>
      %gather3A_237 = tpu.vector_load_idx %arg6[%add3A_236, %select_n3A_92] : memref<104x8xf32, #tpu.memory_space<vmem>>[vector<16xi32>, vector<16xi32>], vector<16xf32>,
      %add3A_238 = arith.addf %add3A_233, %gather3A_237 : vector<16xf32>
      %add3A_239 = arith.constant 58 : i32
      %add3A_240 = vector.broadcast %add3A_239 : i32 to vector<16xi32>
      %add3A_241 = arith.addi %add3A_240, %shift_right_logical3A_94 : vector<16xi32>
      %gather3A_242 = tpu.vector_load_idx %arg6[%add3A_241, %select_n3A_92] : memref<104x8xf32, #tpu.memory_space<vmem>>[vector<16xi32>, vector<16xi32>], vector<16xf32>,
      %add3A_243 = arith.addf %add3A_238, %gather3A_242 : vector<16xf32>
      %add3A_244 = arith.constant 60 : i32
      %add3A_245 = vector.broadcast %add3A_244 : i32 to vector<16xi32>
      %add3A_246 = arith.addi %add3A_245, %shift_right_logical3A_94 : vector<16xi32>
      %gather3A_247 = tpu.vector_load_idx %arg6[%add3A_246, %select_n3A_92] : memref<104x8xf32, #tpu.memory_space<vmem>>[vector<16xi32>, vector<16xi32>], vector<16xf32>,
      %add3A_248 = arith.addf %add3A_243, %gather3A_247 : vector<16xf32>
      %add3A_249 = arith.constant 62 : i32
      %add3A_250 = vector.broadcast %add3A_249 : i32 to vector<16xi32>
      %add3A_251 = arith.addi %add3A_250, %shift_right_logical3A_94 : vector<16xi32>
      %gather3A_252 = tpu.vector_load_idx %arg6[%add3A_251, %select_n3A_92] : memref<104x8xf32, #tpu.memory_space<vmem>>[vector<16xi32>, vector<16xi32>], vector<16xf32>,
      %add3A_253 = arith.addf %add3A_248, %gather3A_252 : vector<16xf32>
      %add3A_254 = arith.constant 64 : i32
      %add3A_255 = vector.broadcast %add3A_254 : i32 to vector<16xi32>
      %add3A_256 = arith.addi %add3A_255, %shift_right_logical3A_94 : vector<16xi32>
      %gather3A_257 = tpu.vector_load_idx %arg6[%add3A_256, %select_n3A_92] : memref<104x8xf32, #tpu.memory_space<vmem>>[vector<16xi32>, vector<16xi32>], vector<16xf32>,
      %add3A_258 = arith.addf %add3A_253, %gather3A_257 : vector<16xf32>
      %add3A_259 = arith.constant 66 : i32
      %add3A_260 = vector.broadcast %add3A_259 : i32 to vector<16xi32>
      %add3A_261 = arith.addi %add3A_260, %shift_right_logical3A_94 : vector<16xi32>
      %gather3A_262 = tpu.vector_load_idx %arg6[%add3A_261, %select_n3A_92] : memref<104x8xf32, #tpu.memory_space<vmem>>[vector<16xi32>, vector<16xi32>], vector<16xf32>,
      %add3A_263 = arith.addf %add3A_258, %gather3A_262 : vector<16xf32>
      %add3A_264 = arith.constant 68 : i32
      %add3A_265 = vector.broadcast %add3A_264 : i32 to vector<16xi32>
      %add3A_266 = arith.addi %add3A_265, %shift_right_logical3A_94 : vector<16xi32>
      %gather3A_267 = tpu.vector_load_idx %arg6[%add3A_266, %select_n3A_92] : memref<104x8xf32, #tpu.memory_space<vmem>>[vector<16xi32>, vector<16xi32>], vector<16xf32>,
      %add3A_268 = arith.addf %add3A_263, %gather3A_267 : vector<16xf32>
      %add3A_269 = arith.constant 70 : i32
      %add3A_270 = vector.broadcast %add3A_269 : i32 to vector<16xi32>
      %add3A_271 = arith.addi %add3A_270, %shift_right_logical3A_94 : vector<16xi32>
      %gather3A_272 = tpu.vector_load_idx %arg6[%add3A_271, %select_n3A_92] : memref<104x8xf32, #tpu.memory_space<vmem>>[vector<16xi32>, vector<16xi32>], vector<16xf32>,
      %add3A_273 = arith.addf %add3A_268, %gather3A_272 : vector<16xf32>
      %add3A_274 = arith.constant 72 : i32
      %add3A_275 = vector.broadcast %add3A_274 : i32 to vector<16xi32>
      %add3A_276 = arith.addi %add3A_275, %shift_right_logical3A_94 : vector<16xi32>
      %gather3A_277 = tpu.vector_load_idx %arg6[%add3A_276, %select_n3A_92] : memref<104x8xf32, #tpu.memory_space<vmem>>[vector<16xi32>, vector<16xi32>], vector<16xf32>,
      %add3A_278 = arith.addf %add3A_273, %gather3A_277 : vector<16xf32>
      %add3A_279 = arith.constant 74 : i32
      %add3A_280 = vector.broadcast %add3A_279 : i32 to vector<16xi32>
      %add3A_281 = arith.addi %add3A_280, %shift_right_logical3A_94 : vector<16xi32>
      %gather3A_282 = tpu.vector_load_idx %arg6[%add3A_281, %select_n3A_92] : memref<104x8xf32, #tpu.memory_space<vmem>>[vector<16xi32>, vector<16xi32>], vector<16xf32>,
      %add3A_283 = arith.addf %add3A_278, %gather3A_282 : vector<16xf32>
      %add3A_284 = arith.constant 76 : i32
      %add3A_285 = vector.broadcast %add3A_284 : i32 to vector<16xi32>
      %add3A_286 = arith.addi %add3A_285, %shift_right_logical3A_94 : vector<16xi32>
      %gather3A_287 = tpu.vector_load_idx %arg6[%add3A_286, %select_n3A_92] : memref<104x8xf32, #tpu.memory_space<vmem>>[vector<16xi32>, vector<16xi32>], vector<16xf32>,
      %add3A_288 = arith.addf %add3A_283, %gather3A_287 : vector<16xf32>
      %add3A_289 = arith.constant 78 : i32
      %add3A_290 = vector.broadcast %add3A_289 : i32 to vector<16xi32>
      %add3A_291 = arith.addi %add3A_290, %shift_right_logical3A_94 : vector<16xi32>
      %gather3A_292 = tpu.vector_load_idx %arg6[%add3A_291, %select_n3A_92] : memref<104x8xf32, #tpu.memory_space<vmem>>[vector<16xi32>, vector<16xi32>], vector<16xf32>,
      %add3A_293 = arith.addf %add3A_288, %gather3A_292 : vector<16xf32>
      %add3A_294 = arith.constant 80 : i32
      %add3A_295 = vector.broadcast %add3A_294 : i32 to vector<16xi32>
      %add3A_296 = arith.addi %add3A_295, %shift_right_logical3A_94 : vector<16xi32>
      %gather3A_297 = tpu.vector_load_idx %arg6[%add3A_296, %select_n3A_92] : memref<104x8xf32, #tpu.memory_space<vmem>>[vector<16xi32>, vector<16xi32>], vector<16xf32>,
      %add3A_298 = arith.addf %add3A_293, %gather3A_297 : vector<16xf32>
      %add3A_299 = arith.constant 82 : i32
      %add3A_300 = vector.broadcast %add3A_299 : i32 to vector<16xi32>
      %add3A_301 = arith.addi %add3A_300, %shift_right_logical3A_94 : vector<16xi32>
      %gather3A_302 = tpu.vector_load_idx %arg6[%add3A_301, %select_n3A_92] : memref<104x8xf32, #tpu.memory_space<vmem>>[vector<16xi32>, vector<16xi32>], vector<16xf32>,
      %add3A_303 = arith.addf %add3A_298, %gather3A_302 : vector<16xf32>
      %add3A_304 = arith.constant 84 : i32
      %add3A_305 = vector.broadcast %add3A_304 : i32 to vector<16xi32>
      %add3A_306 = arith.addi %add3A_305, %shift_right_logical3A_94 : vector<16xi32>
      %gather3A_307 = tpu.vector_load_idx %arg6[%add3A_306, %select_n3A_92] : memref<104x8xf32, #tpu.memory_space<vmem>>[vector<16xi32>, vector<16xi32>], vector<16xf32>,
      %add3A_308 = arith.addf %add3A_303, %gather3A_307 : vector<16xf32>
      %add3A_309 = arith.constant 86 : i32
      %add3A_310 = vector.broadcast %add3A_309 : i32 to vector<16xi32>
      %add3A_311 = arith.addi %add3A_310, %shift_right_logical3A_94 : vector<16xi32>
      %gather3A_312 = tpu.vector_load_idx %arg6[%add3A_311, %select_n3A_92] : memref<104x8xf32, #tpu.memory_space<vmem>>[vector<16xi32>, vector<16xi32>], vector<16xf32>,
      %add3A_313 = arith.addf %add3A_308, %gather3A_312 : vector<16xf32>
      %add3A_314 = arith.constant 88 : i32
      %add3A_315 = vector.broadcast %add3A_314 : i32 to vector<16xi32>
      %add3A_316 = arith.addi %add3A_315, %shift_right_logical3A_94 : vector<16xi32>
      %gather3A_317 = tpu.vector_load_idx %arg6[%add3A_316, %select_n3A_92] : memref<104x8xf32, #tpu.memory_space<vmem>>[vector<16xi32>, vector<16xi32>], vector<16xf32>,
      %add3A_318 = arith.addf %add3A_313, %gather3A_317 : vector<16xf32>
      %add3A_319 = arith.constant 90 : i32
      %add3A_320 = vector.broadcast %add3A_319 : i32 to vector<16xi32>
      %add3A_321 = arith.addi %add3A_320, %shift_right_logical3A_94 : vector<16xi32>
      %gather3A_322 = tpu.vector_load_idx %arg6[%add3A_321, %select_n3A_92] : memref<104x8xf32, #tpu.memory_space<vmem>>[vector<16xi32>, vector<16xi32>], vector<16xf32>,
      %add3A_323 = arith.addf %add3A_318, %gather3A_322 : vector<16xf32>
      %add3A_324 = arith.constant 92 : i32
      %add3A_325 = vector.broadcast %add3A_324 : i32 to vector<16xi32>
      %add3A_326 = arith.addi %add3A_325, %shift_right_logical3A_94 : vector<16xi32>
      %gather3A_327 = tpu.vector_load_idx %arg6[%add3A_326, %select_n3A_92] : memref<104x8xf32, #tpu.memory_space<vmem>>[vector<16xi32>, vector<16xi32>], vector<16xf32>,
      %add3A_328 = arith.addf %add3A_323, %gather3A_327 : vector<16xf32>
      %add3A_329 = arith.constant 94 : i32
      %add3A_330 = vector.broadcast %add3A_329 : i32 to vector<16xi32>
      %add3A_331 = arith.addi %add3A_330, %shift_right_logical3A_94 : vector<16xi32>
      %gather3A_332 = tpu.vector_load_idx %arg6[%add3A_331, %select_n3A_92] : memref<104x8xf32, #tpu.memory_space<vmem>>[vector<16xi32>, vector<16xi32>], vector<16xf32>,
      %add3A_333 = arith.addf %add3A_328, %gather3A_332 : vector<16xf32>
      %add3A_334 = arith.constant 96 : i32
      %add3A_335 = vector.broadcast %add3A_334 : i32 to vector<16xi32>
      %add3A_336 = arith.addi %add3A_335, %shift_right_logical3A_94 : vector<16xi32>
      %gather3A_337 = tpu.vector_load_idx %arg6[%add3A_336, %select_n3A_92] : memref<104x8xf32, #tpu.memory_space<vmem>>[vector<16xi32>, vector<16xi32>], vector<16xf32>,
      %add3A_338 = arith.addf %add3A_333, %gather3A_337 : vector<16xf32>
      %add3A_339 = arith.constant 98 : i32
      %add3A_340 = vector.broadcast %add3A_339 : i32 to vector<16xi32>
      %add3A_341 = arith.addi %add3A_340, %shift_right_logical3A_94 : vector<16xi32>
      %gather3A_342 = tpu.vector_load_idx %arg6[%add3A_341, %select_n3A_92] : memref<104x8xf32, #tpu.memory_space<vmem>>[vector<16xi32>, vector<16xi32>], vector<16xf32>,
      %add3A_343 = arith.addf %add3A_338, %gather3A_342 : vector<16xf32>
      %add3A_344 = arith.constant 100 : i32
      %add3A_345 = vector.broadcast %add3A_344 : i32 to vector<16xi32>
      %add3A_346 = arith.addi %add3A_345, %shift_right_logical3A_94 : vector<16xi32>
      %gather3A_347 = tpu.vector_load_idx %arg6[%add3A_346, %select_n3A_92] : memref<104x8xf32, #tpu.memory_space<vmem>>[vector<16xi32>, vector<16xi32>], vector<16xf32>,
      %add3A_348 = arith.addf %add3A_343, %gather3A_347 : vector<16xf32>
      %add3A_349 = arith.constant 102 : i32
      %add3A_350 = vector.broadcast %add3A_349 : i32 to vector<16xi32>
      %add3A_351 = arith.addi %add3A_350, %shift_right_logical3A_94 : vector<16xi32>
      %gather3A_352 = tpu.vector_load_idx %arg6[%add3A_351, %select_n3A_92] : memref<104x8xf32, #tpu.memory_space<vmem>>[vector<16xi32>, vector<16xi32>], vector<16xf32>,
      %add3A_353 = arith.addf %add3A_348, %gather3A_352 : vector<16xf32>
      %mul3A_354 = arith.constant 8 : i32
      %mul3A_355 = arith.muli %scan3A_57, %mul3A_354 : i32
      %add3A_356 = arith.constant 1 : i32
      %add3A_357 = arith.addi %mul3A_355, %add3A_356 : i32
      %add3A_358 = arith.constant 8 : i32
      %add3A_359 = arith.addi %add3A_357, %add3A_358 : i32
      %sub3A_360 = arith.constant 1 : i32
      %sub3A_361 = arith.subi %add3A_359, %sub3A_360 : i32
      %lt3A_362 = arith.constant 256 : i32
      %lt3A_363 = arith.cmpi slt, %sub3A_361, %lt3A_362 : i32
      %convert_element_type3A_364 = arith.extui %lt3A_363 : i1 to i32
      %cond3A_365 = arith.constant 0 : i32
      %cond3A_366 = arith.cmpi ne, %convert_element_type3A_364, %cond3A_365 : i32
      scf.if %cond3A_366 {
        %shift_right_logical3A_2450 = arith.constant 1 : i32
        %shift_right_logical3A_2451 = arith.shrui %sub3A_361, %shift_right_logical3A_2450 : i32
        %dma_start3A_2452 = arith.constant 0 : i32
        %dma_start3A_2453 = tpu.memref_slice %arg5[%shift_right_logical3A_2451, %dma_start3A_2452] : memref<128x200xi32, #tpu.memory_space<vmem>> -> memref<1x104xi32, #tpu.memory_space<vmem>>
        %dma_start3A_2454 = tpu.memref_squeeze %dma_start3A_2453 : memref<1x104xi32, #tpu.memory_space<vmem>> -> memref<104xi32, #tpu.memory_space<vmem>>
        %dma_start3A_2455 = arith.constant 0 : i32
        %dma_start3A_2456 = arith.constant 0 : i32
        %dma_start3A_2457 = tpu.memref_slice %arg3[%dma_start3A_2455, %dma_start3A_2456] : memref<1048576x8xf32, #tpu.memory_space<hbm>> -> memref<1048576x8xf32, #tpu.memory_space<hbm>>
        tpu.enqueue_indirect_dma source(%dma_start3A_2457 : memref<1048576x8xf32, #tpu.memory_space<hbm>>) target(%arg6 : memref<104x8xf32, #tpu.memory_space<vmem>>) offsets(%dma_start3A_2454 : memref<104xi32, #tpu.memory_space<vmem>>) semaphore(%arg15 : memref<!tpu.dma_semaphore, #tpu.memory_space<semaphore_mem>>)
      } else {
      }
      %dma_wait3A_367 = arith.constant 0 : i32
      %dma_wait3A_368 = arith.constant 104 : i32
      %dma_wait3A_369 = tpu.memref_slice %arg5[%dma_wait3A_367, %dma_wait3A_368] : memref<128x200xi32, #tpu.memory_space<vmem>> -> memref<1x96xi32, #tpu.memory_space<vmem>>
      %dma_wait3A_370 = tpu.memref_squeeze %dma_wait3A_369 : memref<1x96xi32, #tpu.memory_space<vmem>> -> memref<96xi32, #tpu.memory_space<vmem>>
      %dma_wait3A_371 = arith.constant 0 : i32
      %dma_wait3A_372 = arith.constant 0 : i32
      %dma_wait3A_373 = tpu.memref_slice %arg3[%dma_wait3A_371, %dma_wait3A_372] : memref<1048576x8xf32, #tpu.memory_space<hbm>> -> memref<1048576x8xf32, #tpu.memory_space<hbm>>
      tpu.wait_indirect_dma semaphore(%arg16 : memref<!tpu.dma_semaphore, #tpu.memory_space<semaphore_mem>>) src(%dma_wait3A_373 : memref<1048576x8xf32, #tpu.memory_space<hbm>>) dst(%arg7 : memref<96x8xf32, #tpu.memory_space<vmem>>)
      %iota3A_374 = tpu.iota {dimensions = array<i32: 0>} : vector<16xi32>
      %jit3A_375 = arith.constant 8 : i32
      %eq3A_376 = arith.constant 0 : i32
      %eq3A_377 = arith.cmpi eq, %jit3A_375, %eq3A_376 : i32
      %jit3A_378 = arith.constant 1 : i32
      %select_n3A_379 = arith.select %eq3A_377, %jit3A_378, %jit3A_375 : i32
      %rem3A_380 = vector.broadcast %select_n3A_379 : i32 to vector<16xi32>
      %rem3A_381 = arith.remsi %iota3A_374, %rem3A_380 : vector<16xi32>
      %ne3A_382 = arith.constant 0 : i32
      %ne3A_383 = vector.broadcast %ne3A_382 : i32 to vector<16xi32>
      %ne3A_384 = arith.cmpi ne, %rem3A_381, %ne3A_383 : vector<16xi32>
      %lt3A_385 = arith.constant 0 : i32
      %lt3A_386 = vector.broadcast %lt3A_385 : i32 to vector<16xi32>
      %lt3A_387 = arith.cmpi slt, %rem3A_381, %lt3A_386 : vector<16xi32>
      %lt3A_388 = arith.constant 0 : i32
      %lt3A_389 = arith.cmpi slt, %select_n3A_379, %lt3A_388 : i32
      %ne3A_390 = vector.broadcast %lt3A_389 : i1 to vector<16xi1>
      %ne3A_391 = vector.broadcast %ne3A_390 : vector<16xi1> to vector<16xi1>
      %ne3A_392 = arith.xori %lt3A_387, %ne3A_391 : vector<16xi1>
      %and3A_393 = arith.andi %ne3A_392, %ne3A_384 : vector<16xi1>
      %add3A_394 = vector.broadcast %select_n3A_379 : i32 to vector<16xi32>
      %add3A_395 = arith.addi %rem3A_381, %add3A_394 : vector<16xi32>
      %select_n3A_396 = arith.select %and3A_393, %add3A_395, %rem3A_381 : vector<16xi1>, vector<16xi32>
      %shift_right_logical3A_397 = arith.constant 3 : i32
      %shift_right_logical3A_398 = vector.broadcast %shift_right_logical3A_397 : i32 to vector<16xi32>
      %shift_right_logical3A_399 = arith.shrui %iota3A_374, %shift_right_logical3A_398 : vector<16xi32>
      %add3A_400 = arith.constant 0 : i32
      %add3A_401 = vector.broadcast %add3A_400 : i32 to vector<16xi32>
      %add3A_402 = arith.addi %add3A_401, %shift_right_logical3A_399 : vector<16xi32>
      %gather3A_403 = tpu.vector_load_idx %arg7[%add3A_402, %select_n3A_396] : memref<96x8xf32, #tpu.memory_space<vmem>>[vector<16xi32>, vector<16xi32>], vector<16xf32>,
      %add3A_404 = arith.addf %add3A_353, %gather3A_403 : vector<16xf32>
      %add3A_405 = arith.constant 2 : i32
      %add3A_406 = vector.broadcast %add3A_405 : i32 to vector<16xi32>
      %add3A_407 = arith.addi %add3A_406, %shift_right_logical3A_399 : vector<16xi32>
      %gather3A_408 = tpu.vector_load_idx %arg7[%add3A_407, %select_n3A_396] : memref<96x8xf32, #tpu.memory_space<vmem>>[vector<16xi32>, vector<16xi32>], vector<16xf32>,
      %add3A_409 = arith.addf %add3A_404, %gather3A_408 : vector<16xf32>
      %add3A_410 = arith.constant 4 : i32
      %add3A_411 = vector.broadcast %add3A_410 : i32 to vector<16xi32>
      %add3A_412 = arith.addi %add3A_411, %shift_right_logical3A_399 : vector<16xi32>
      %gather3A_413 = tpu.vector_load_idx %arg7[%add3A_412, %select_n3A_396] : memref<96x8xf32, #tpu.memory_space<vmem>>[vector<16xi32>, vector<16xi32>], vector<16xf32>,
      %add3A_414 = arith.addf %add3A_409, %gather3A_413 : vector<16xf32>
      %add3A_415 = arith.constant 6 : i32
      %add3A_416 = vector.broadcast %add3A_415 : i32 to vector<16xi32>
      %add3A_417 = arith.addi %add3A_416, %shift_right_logical3A_399 : vector<16xi32>
      %gather3A_418 = tpu.vector_load_idx %arg7[%add3A_417, %select_n3A_396] : memref<96x8xf32, #tpu.memory_space<vmem>>[vector<16xi32>, vector<16xi32>], vector<16xf32>,
      %add3A_419 = arith.addf %add3A_414, %gather3A_418 : vector<16xf32>
      %add3A_420 = arith.constant 8 : i32
      %add3A_421 = vector.broadcast %add3A_420 : i32 to vector<16xi32>
      %add3A_422 = arith.addi %add3A_421, %shift_right_logical3A_399 : vector<16xi32>
      %gather3A_423 = tpu.vector_load_idx %arg7[%add3A_422, %select_n3A_396] : memref<96x8xf32, #tpu.memory_space<vmem>>[vector<16xi32>, vector<16xi32>], vector<16xf32>,
      %add3A_424 = arith.addf %add3A_419, %gather3A_423 : vector<16xf32>
      %add3A_425 = arith.constant 10 : i32
      %add3A_426 = vector.broadcast %add3A_425 : i32 to vector<16xi32>
      %add3A_427 = arith.addi %add3A_426, %shift_right_logical3A_399 : vector<16xi32>
      %gather3A_428 = tpu.vector_load_idx %arg7[%add3A_427, %select_n3A_396] : memref<96x8xf32, #tpu.memory_space<vmem>>[vector<16xi32>, vector<16xi32>], vector<16xf32>,
      %add3A_429 = arith.addf %add3A_424, %gather3A_428 : vector<16xf32>
      %add3A_430 = arith.constant 12 : i32
      %add3A_431 = vector.broadcast %add3A_430 : i32 to vector<16xi32>
      %add3A_432 = arith.addi %add3A_431, %shift_right_logical3A_399 : vector<16xi32>
      %gather3A_433 = tpu.vector_load_idx %arg7[%add3A_432, %select_n3A_396] : memref<96x8xf32, #tpu.memory_space<vmem>>[vector<16xi32>, vector<16xi32>], vector<16xf32>,
      %add3A_434 = arith.addf %add3A_429, %gather3A_433 : vector<16xf32>
      %add3A_435 = arith.constant 14 : i32
      %add3A_436 = vector.broadcast %add3A_435 : i32 to vector<16xi32>
      %add3A_437 = arith.addi %add3A_436, %shift_right_logical3A_399 : vector<16xi32>
      %gather3A_438 = tpu.vector_load_idx %arg7[%add3A_437, %select_n3A_396] : memref<96x8xf32, #tpu.memory_space<vmem>>[vector<16xi32>, vector<16xi32>], vector<16xf32>,
      %add3A_439 = arith.addf %add3A_434, %gather3A_438 : vector<16xf32>
      %add3A_440 = arith.constant 16 : i32
      %add3A_441 = vector.broadcast %add3A_440 : i32 to vector<16xi32>
      %add3A_442 = arith.addi %add3A_441, %shift_right_logical3A_399 : vector<16xi32>
      %gather3A_443 = tpu.vector_load_idx %arg7[%add3A_442, %select_n3A_396] : memref<96x8xf32, #tpu.memory_space<vmem>>[vector<16xi32>, vector<16xi32>], vector<16xf32>,
      %add3A_444 = arith.addf %add3A_439, %gather3A_443 : vector<16xf32>
      %add3A_445 = arith.constant 18 : i32
      %add3A_446 = vector.broadcast %add3A_445 : i32 to vector<16xi32>
      %add3A_447 = arith.addi %add3A_446, %shift_right_logical3A_399 : vector<16xi32>
      %gather3A_448 = tpu.vector_load_idx %arg7[%add3A_447, %select_n3A_396] : memref<96x8xf32, #tpu.memory_space<vmem>>[vector<16xi32>, vector<16xi32>], vector<16xf32>,
      %add3A_449 = arith.addf %add3A_444, %gather3A_448 : vector<16xf32>
      %add3A_450 = arith.constant 20 : i32
      %add3A_451 = vector.broadcast %add3A_450 : i32 to vector<16xi32>
      %add3A_452 = arith.addi %add3A_451, %shift_right_logical3A_399 : vector<16xi32>
      %gather3A_453 = tpu.vector_load_idx %arg7[%add3A_452, %select_n3A_396] : memref<96x8xf32, #tpu.memory_space<vmem>>[vector<16xi32>, vector<16xi32>], vector<16xf32>,
      %add3A_454 = arith.addf %add3A_449, %gather3A_453 : vector<16xf32>
      %add3A_455 = arith.constant 22 : i32
      %add3A_456 = vector.broadcast %add3A_455 : i32 to vector<16xi32>
      %add3A_457 = arith.addi %add3A_456, %shift_right_logical3A_399 : vector<16xi32>
      %gather3A_458 = tpu.vector_load_idx %arg7[%add3A_457, %select_n3A_396] : memref<96x8xf32, #tpu.memory_space<vmem>>[vector<16xi32>, vector<16xi32>], vector<16xf32>,
      %add3A_459 = arith.addf %add3A_454, %gather3A_458 : vector<16xf32>
      %add3A_460 = arith.constant 24 : i32
      %add3A_461 = vector.broadcast %add3A_460 : i32 to vector<16xi32>
      %add3A_462 = arith.addi %add3A_461, %shift_right_logical3A_399 : vector<16xi32>
      %gather3A_463 = tpu.vector_load_idx %arg7[%add3A_462, %select_n3A_396] : memref<96x8xf32, #tpu.memory_space<vmem>>[vector<16xi32>, vector<16xi32>], vector<16xf32>,
      %add3A_464 = arith.addf %add3A_459, %gather3A_463 : vector<16xf32>
      %add3A_465 = arith.constant 26 : i32
      %add3A_466 = vector.broadcast %add3A_465 : i32 to vector<16xi32>
      %add3A_467 = arith.addi %add3A_466, %shift_right_logical3A_399 : vector<16xi32>
      %gather3A_468 = tpu.vector_load_idx %arg7[%add3A_467, %select_n3A_396] : memref<96x8xf32, #tpu.memory_space<vmem>>[vector<16xi32>, vector<16xi32>], vector<16xf32>,
      %add3A_469 = arith.addf %add3A_464, %gather3A_468 : vector<16xf32>
      %add3A_470 = arith.constant 28 : i32
      %add3A_471 = vector.broadcast %add3A_470 : i32 to vector<16xi32>
      %add3A_472 = arith.addi %add3A_471, %shift_right_logical3A_399 : vector<16xi32>
      %gather3A_473 = tpu.vector_load_idx %arg7[%add3A_472, %select_n3A_396] : memref<96x8xf32, #tpu.memory_space<vmem>>[vector<16xi32>, vector<16xi32>], vector<16xf32>,
      %add3A_474 = arith.addf %add3A_469, %gather3A_473 : vector<16xf32>
      %add3A_475 = arith.constant 30 : i32
      %add3A_476 = vector.broadcast %add3A_475 : i32 to vector<16xi32>
      %add3A_477 = arith.addi %add3A_476, %shift_right_logical3A_399 : vector<16xi32>
      %gather3A_478 = tpu.vector_load_idx %arg7[%add3A_477, %select_n3A_396] : memref<96x8xf32, #tpu.memory_space<vmem>>[vector<16xi32>, vector<16xi32>], vector<16xf32>,
      %add3A_479 = arith.addf %add3A_474, %gather3A_478 : vector<16xf32>
      %add3A_480 = arith.constant 32 : i32
      %add3A_481 = vector.broadcast %add3A_480 : i32 to vector<16xi32>
      %add3A_482 = arith.addi %add3A_481, %shift_right_logical3A_399 : vector<16xi32>
      %gather3A_483 = tpu.vector_load_idx %arg7[%add3A_482, %select_n3A_396] : memref<96x8xf32, #tpu.memory_space<vmem>>[vector<16xi32>, vector<16xi32>], vector<16xf32>,
      %add3A_484 = arith.addf %add3A_479, %gather3A_483 : vector<16xf32>
      %add3A_485 = arith.constant 34 : i32
      %add3A_486 = vector.broadcast %add3A_485 : i32 to vector<16xi32>
      %add3A_487 = arith.addi %add3A_486, %shift_right_logical3A_399 : vector<16xi32>
      %gather3A_488 = tpu.vector_load_idx %arg7[%add3A_487, %select_n3A_396] : memref<96x8xf32, #tpu.memory_space<vmem>>[vector<16xi32>, vector<16xi32>], vector<16xf32>,
      %add3A_489 = arith.addf %add3A_484, %gather3A_488 : vector<16xf32>
      %add3A_490 = arith.constant 36 : i32
      %add3A_491 = vector.broadcast %add3A_490 : i32 to vector<16xi32>
      %add3A_492 = arith.addi %add3A_491, %shift_right_logical3A_399 : vector<16xi32>
      %gather3A_493 = tpu.vector_load_idx %arg7[%add3A_492, %select_n3A_396] : memref<96x8xf32, #tpu.memory_space<vmem>>[vector<16xi32>, vector<16xi32>], vector<16xf32>,
      %add3A_494 = arith.addf %add3A_489, %gather3A_493 : vector<16xf32>
      %add3A_495 = arith.constant 38 : i32
      %add3A_496 = vector.broadcast %add3A_495 : i32 to vector<16xi32>
      %add3A_497 = arith.addi %add3A_496, %shift_right_logical3A_399 : vector<16xi32>
      %gather3A_498 = tpu.vector_load_idx %arg7[%add3A_497, %select_n3A_396] : memref<96x8xf32, #tpu.memory_space<vmem>>[vector<16xi32>, vector<16xi32>], vector<16xf32>,
      %add3A_499 = arith.addf %add3A_494, %gather3A_498 : vector<16xf32>
      %add3A_500 = arith.constant 40 : i32
      %add3A_501 = vector.broadcast %add3A_500 : i32 to vector<16xi32>
      %add3A_502 = arith.addi %add3A_501, %shift_right_logical3A_399 : vector<16xi32>
      %gather3A_503 = tpu.vector_load_idx %arg7[%add3A_502, %select_n3A_396] : memref<96x8xf32, #tpu.memory_space<vmem>>[vector<16xi32>, vector<16xi32>], vector<16xf32>,
      %add3A_504 = arith.addf %add3A_499, %gather3A_503 : vector<16xf32>
      %add3A_505 = arith.constant 42 : i32
      %add3A_506 = vector.broadcast %add3A_505 : i32 to vector<16xi32>
      %add3A_507 = arith.addi %add3A_506, %shift_right_logical3A_399 : vector<16xi32>
      %gather3A_508 = tpu.vector_load_idx %arg7[%add3A_507, %select_n3A_396] : memref<96x8xf32, #tpu.memory_space<vmem>>[vector<16xi32>, vector<16xi32>], vector<16xf32>,
      %add3A_509 = arith.addf %add3A_504, %gather3A_508 : vector<16xf32>
      %add3A_510 = arith.constant 44 : i32
      %add3A_511 = vector.broadcast %add3A_510 : i32 to vector<16xi32>
      %add3A_512 = arith.addi %add3A_511, %shift_right_logical3A_399 : vector<16xi32>
      %gather3A_513 = tpu.vector_load_idx %arg7[%add3A_512, %select_n3A_396] : memref<96x8xf32, #tpu.memory_space<vmem>>[vector<16xi32>, vector<16xi32>], vector<16xf32>,
      %add3A_514 = arith.addf %add3A_509, %gather3A_513 : vector<16xf32>
      %add3A_515 = arith.constant 46 : i32
      %add3A_516 = vector.broadcast %add3A_515 : i32 to vector<16xi32>
      %add3A_517 = arith.addi %add3A_516, %shift_right_logical3A_399 : vector<16xi32>
      %gather3A_518 = tpu.vector_load_idx %arg7[%add3A_517, %select_n3A_396] : memref<96x8xf32, #tpu.memory_space<vmem>>[vector<16xi32>, vector<16xi32>], vector<16xf32>,
      %add3A_519 = arith.addf %add3A_514, %gather3A_518 : vector<16xf32>
      %add3A_520 = arith.constant 48 : i32
      %add3A_521 = vector.broadcast %add3A_520 : i32 to vector<16xi32>
      %add3A_522 = arith.addi %add3A_521, %shift_right_logical3A_399 : vector<16xi32>
      %gather3A_523 = tpu.vector_load_idx %arg7[%add3A_522, %select_n3A_396] : memref<96x8xf32, #tpu.memory_space<vmem>>[vector<16xi32>, vector<16xi32>], vector<16xf32>,
      %add3A_524 = arith.addf %add3A_519, %gather3A_523 : vector<16xf32>
      %add3A_525 = arith.constant 50 : i32
      %add3A_526 = vector.broadcast %add3A_525 : i32 to vector<16xi32>
      %add3A_527 = arith.addi %add3A_526, %shift_right_logical3A_399 : vector<16xi32>
      %gather3A_528 = tpu.vector_load_idx %arg7[%add3A_527, %select_n3A_396] : memref<96x8xf32, #tpu.memory_space<vmem>>[vector<16xi32>, vector<16xi32>], vector<16xf32>,
      %add3A_529 = arith.addf %add3A_524, %gather3A_528 : vector<16xf32>
      %add3A_530 = arith.constant 52 : i32
      %add3A_531 = vector.broadcast %add3A_530 : i32 to vector<16xi32>
      %add3A_532 = arith.addi %add3A_531, %shift_right_logical3A_399 : vector<16xi32>
      %gather3A_533 = tpu.vector_load_idx %arg7[%add3A_532, %select_n3A_396] : memref<96x8xf32, #tpu.memory_space<vmem>>[vector<16xi32>, vector<16xi32>], vector<16xf32>,
      %add3A_534 = arith.addf %add3A_529, %gather3A_533 : vector<16xf32>
      %add3A_535 = arith.constant 54 : i32
      %add3A_536 = vector.broadcast %add3A_535 : i32 to vector<16xi32>
      %add3A_537 = arith.addi %add3A_536, %shift_right_logical3A_399 : vector<16xi32>
      %gather3A_538 = tpu.vector_load_idx %arg7[%add3A_537, %select_n3A_396] : memref<96x8xf32, #tpu.memory_space<vmem>>[vector<16xi32>, vector<16xi32>], vector<16xf32>,
      %add3A_539 = arith.addf %add3A_534, %gather3A_538 : vector<16xf32>
      %add3A_540 = arith.constant 56 : i32
      %add3A_541 = vector.broadcast %add3A_540 : i32 to vector<16xi32>
      %add3A_542 = arith.addi %add3A_541, %shift_right_logical3A_399 : vector<16xi32>
      %gather3A_543 = tpu.vector_load_idx %arg7[%add3A_542, %select_n3A_396] : memref<96x8xf32, #tpu.memory_space<vmem>>[vector<16xi32>, vector<16xi32>], vector<16xf32>,
      %add3A_544 = arith.addf %add3A_539, %gather3A_543 : vector<16xf32>
      %add3A_545 = arith.constant 58 : i32
      %add3A_546 = vector.broadcast %add3A_545 : i32 to vector<16xi32>
      %add3A_547 = arith.addi %add3A_546, %shift_right_logical3A_399 : vector<16xi32>
      %gather3A_548 = tpu.vector_load_idx %arg7[%add3A_547, %select_n3A_396] : memref<96x8xf32, #tpu.memory_space<vmem>>[vector<16xi32>, vector<16xi32>], vector<16xf32>,
      %add3A_549 = arith.addf %add3A_544, %gather3A_548 : vector<16xf32>
      %add3A_550 = arith.constant 60 : i32
      %add3A_551 = vector.broadcast %add3A_550 : i32 to vector<16xi32>
      %add3A_552 = arith.addi %add3A_551, %shift_right_logical3A_399 : vector<16xi32>
      %gather3A_553 = tpu.vector_load_idx %arg7[%add3A_552, %select_n3A_396] : memref<96x8xf32, #tpu.memory_space<vmem>>[vector<16xi32>, vector<16xi32>], vector<16xf32>,
      %add3A_554 = arith.addf %add3A_549, %gather3A_553 : vector<16xf32>
      %add3A_555 = arith.constant 62 : i32
      %add3A_556 = vector.broadcast %add3A_555 : i32 to vector<16xi32>
      %add3A_557 = arith.addi %add3A_556, %shift_right_logical3A_399 : vector<16xi32>
      %gather3A_558 = tpu.vector_load_idx %arg7[%add3A_557, %select_n3A_396] : memref<96x8xf32, #tpu.memory_space<vmem>>[vector<16xi32>, vector<16xi32>], vector<16xf32>,
      %add3A_559 = arith.addf %add3A_554, %gather3A_558 : vector<16xf32>
      %add3A_560 = arith.constant 64 : i32
      %add3A_561 = vector.broadcast %add3A_560 : i32 to vector<16xi32>
      %add3A_562 = arith.addi %add3A_561, %shift_right_logical3A_399 : vector<16xi32>
      %gather3A_563 = tpu.vector_load_idx %arg7[%add3A_562, %select_n3A_396] : memref<96x8xf32, #tpu.memory_space<vmem>>[vector<16xi32>, vector<16xi32>], vector<16xf32>,
      %add3A_564 = arith.addf %add3A_559, %gather3A_563 : vector<16xf32>
      %add3A_565 = arith.constant 66 : i32
      %add3A_566 = vector.broadcast %add3A_565 : i32 to vector<16xi32>
      %add3A_567 = arith.addi %add3A_566, %shift_right_logical3A_399 : vector<16xi32>
      %gather3A_568 = tpu.vector_load_idx %arg7[%add3A_567, %select_n3A_396] : memref<96x8xf32, #tpu.memory_space<vmem>>[vector<16xi32>, vector<16xi32>], vector<16xf32>,
      %add3A_569 = arith.addf %add3A_564, %gather3A_568 : vector<16xf32>
      %add3A_570 = arith.constant 68 : i32
      %add3A_571 = vector.broadcast %add3A_570 : i32 to vector<16xi32>
      %add3A_572 = arith.addi %add3A_571, %shift_right_logical3A_399 : vector<16xi32>
      %gather3A_573 = tpu.vector_load_idx %arg7[%add3A_572, %select_n3A_396] : memref<96x8xf32, #tpu.memory_space<vmem>>[vector<16xi32>, vector<16xi32>], vector<16xf32>,
      %add3A_574 = arith.addf %add3A_569, %gather3A_573 : vector<16xf32>
      %add3A_575 = arith.constant 70 : i32
      %add3A_576 = vector.broadcast %add3A_575 : i32 to vector<16xi32>
      %add3A_577 = arith.addi %add3A_576, %shift_right_logical3A_399 : vector<16xi32>
      %gather3A_578 = tpu.vector_load_idx %arg7[%add3A_577, %select_n3A_396] : memref<96x8xf32, #tpu.memory_space<vmem>>[vector<16xi32>, vector<16xi32>], vector<16xf32>,
      %add3A_579 = arith.addf %add3A_574, %gather3A_578 : vector<16xf32>
      %add3A_580 = arith.constant 72 : i32
      %add3A_581 = vector.broadcast %add3A_580 : i32 to vector<16xi32>
      %add3A_582 = arith.addi %add3A_581, %shift_right_logical3A_399 : vector<16xi32>
      %gather3A_583 = tpu.vector_load_idx %arg7[%add3A_582, %select_n3A_396] : memref<96x8xf32, #tpu.memory_space<vmem>>[vector<16xi32>, vector<16xi32>], vector<16xf32>,
      %add3A_584 = arith.addf %add3A_579, %gather3A_583 : vector<16xf32>
      %add3A_585 = arith.constant 74 : i32
      %add3A_586 = vector.broadcast %add3A_585 : i32 to vector<16xi32>
      %add3A_587 = arith.addi %add3A_586, %shift_right_logical3A_399 : vector<16xi32>
      %gather3A_588 = tpu.vector_load_idx %arg7[%add3A_587, %select_n3A_396] : memref<96x8xf32, #tpu.memory_space<vmem>>[vector<16xi32>, vector<16xi32>], vector<16xf32>,
      %add3A_589 = arith.addf %add3A_584, %gather3A_588 : vector<16xf32>
      %add3A_590 = arith.constant 76 : i32
      %add3A_591 = vector.broadcast %add3A_590 : i32 to vector<16xi32>
      %add3A_592 = arith.addi %add3A_591, %shift_right_logical3A_399 : vector<16xi32>
      %gather3A_593 = tpu.vector_load_idx %arg7[%add3A_592, %select_n3A_396] : memref<96x8xf32, #tpu.memory_space<vmem>>[vector<16xi32>, vector<16xi32>], vector<16xf32>,
      %add3A_594 = arith.addf %add3A_589, %gather3A_593 : vector<16xf32>
      %add3A_595 = arith.constant 78 : i32
      %add3A_596 = vector.broadcast %add3A_595 : i32 to vector<16xi32>
      %add3A_597 = arith.addi %add3A_596, %shift_right_logical3A_399 : vector<16xi32>
      %gather3A_598 = tpu.vector_load_idx %arg7[%add3A_597, %select_n3A_396] : memref<96x8xf32, #tpu.memory_space<vmem>>[vector<16xi32>, vector<16xi32>], vector<16xf32>,
      %add3A_599 = arith.addf %add3A_594, %gather3A_598 : vector<16xf32>
      %add3A_600 = arith.constant 80 : i32
      %add3A_601 = vector.broadcast %add3A_600 : i32 to vector<16xi32>
      %add3A_602 = arith.addi %add3A_601, %shift_right_logical3A_399 : vector<16xi32>
      %gather3A_603 = tpu.vector_load_idx %arg7[%add3A_602, %select_n3A_396] : memref<96x8xf32, #tpu.memory_space<vmem>>[vector<16xi32>, vector<16xi32>], vector<16xf32>,
      %add3A_604 = arith.addf %add3A_599, %gather3A_603 : vector<16xf32>
      %add3A_605 = arith.constant 82 : i32
      %add3A_606 = vector.broadcast %add3A_605 : i32 to vector<16xi32>
      %add3A_607 = arith.addi %add3A_606, %shift_right_logical3A_399 : vector<16xi32>
      %gather3A_608 = tpu.vector_load_idx %arg7[%add3A_607, %select_n3A_396] : memref<96x8xf32, #tpu.memory_space<vmem>>[vector<16xi32>, vector<16xi32>], vector<16xf32>,
      %add3A_609 = arith.addf %add3A_604, %gather3A_608 : vector<16xf32>
      %add3A_610 = arith.constant 84 : i32
      %add3A_611 = vector.broadcast %add3A_610 : i32 to vector<16xi32>
      %add3A_612 = arith.addi %add3A_611, %shift_right_logical3A_399 : vector<16xi32>
      %gather3A_613 = tpu.vector_load_idx %arg7[%add3A_612, %select_n3A_396] : memref<96x8xf32, #tpu.memory_space<vmem>>[vector<16xi32>, vector<16xi32>], vector<16xf32>,
      %add3A_614 = arith.addf %add3A_609, %gather3A_613 : vector<16xf32>
      %add3A_615 = arith.constant 86 : i32
      %add3A_616 = vector.broadcast %add3A_615 : i32 to vector<16xi32>
      %add3A_617 = arith.addi %add3A_616, %shift_right_logical3A_399 : vector<16xi32>
      %gather3A_618 = tpu.vector_load_idx %arg7[%add3A_617, %select_n3A_396] : memref<96x8xf32, #tpu.memory_space<vmem>>[vector<16xi32>, vector<16xi32>], vector<16xf32>,
      %add3A_619 = arith.addf %add3A_614, %gather3A_618 : vector<16xf32>
      %add3A_620 = arith.constant 88 : i32
      %add3A_621 = vector.broadcast %add3A_620 : i32 to vector<16xi32>
      %add3A_622 = arith.addi %add3A_621, %shift_right_logical3A_399 : vector<16xi32>
      %gather3A_623 = tpu.vector_load_idx %arg7[%add3A_622, %select_n3A_396] : memref<96x8xf32, #tpu.memory_space<vmem>>[vector<16xi32>, vector<16xi32>], vector<16xf32>,
      %add3A_624 = arith.addf %add3A_619, %gather3A_623 : vector<16xf32>
      %add3A_625 = arith.constant 90 : i32
      %add3A_626 = vector.broadcast %add3A_625 : i32 to vector<16xi32>
      %add3A_627 = arith.addi %add3A_626, %shift_right_logical3A_399 : vector<16xi32>
      %gather3A_628 = tpu.vector_load_idx %arg7[%add3A_627, %select_n3A_396] : memref<96x8xf32, #tpu.memory_space<vmem>>[vector<16xi32>, vector<16xi32>], vector<16xf32>,
      %add3A_629 = arith.addf %add3A_624, %gather3A_628 : vector<16xf32>
      %add3A_630 = arith.constant 92 : i32
      %add3A_631 = vector.broadcast %add3A_630 : i32 to vector<16xi32>
      %add3A_632 = arith.addi %add3A_631, %shift_right_logical3A_399 : vector<16xi32>
      %gather3A_633 = tpu.vector_load_idx %arg7[%add3A_632, %select_n3A_396] : memref<96x8xf32, #tpu.memory_space<vmem>>[vector<16xi32>, vector<16xi32>], vector<16xf32>,
      %add3A_634 = arith.addf %add3A_629, %gather3A_633 : vector<16xf32>
      %add3A_635 = arith.constant 94 : i32
      %add3A_636 = vector.broadcast %add3A_635 : i32 to vector<16xi32>
      %add3A_637 = arith.addi %add3A_636, %shift_right_logical3A_399 : vector<16xi32>
      %gather3A_638 = tpu.vector_load_idx %arg7[%add3A_637, %select_n3A_396] : memref<96x8xf32, #tpu.memory_space<vmem>>[vector<16xi32>, vector<16xi32>], vector<16xf32>,
      %add3A_639 = arith.addf %add3A_634, %gather3A_638 : vector<16xf32>
      %mul3A_640 = arith.constant 4 : i32
      %mul3A_641 = arith.muli %scan3A_57, %mul3A_640 : i32
      %add3A_642 = arith.constant 0 : i32
      %add3A_643 = arith.addi %mul3A_641, %add3A_642 : i32
      %swap3A = arith.index_cast %add3A_643 : i32 to index
      %swap3A_644 = arith.constant 0 : index
      %swap3A_645 = tpu.vector_load %arg14[%swap3A, %swap3A_644] {strides = array<i32>} : memref<128x16xf32, #tpu.memory_space<vmem>>, vector<16xf32>,
      tpu.vector_store %arg14[%swap3A, %swap3A_644], %add3A_639 {strides = array<i32>} : memref<128x16xf32, #tpu.memory_space<vmem>>, vector<16xf32>,
      %mul3A_646 = arith.constant 8 : i32
      %mul3A_647 = arith.muli %scan3A_57, %mul3A_646 : i32
      %add3A_648 = arith.constant 2 : i32
      %add3A_649 = arith.addi %mul3A_647, %add3A_648 : i32
      %add3A_650 = arith.constant 8 : i32
      %add3A_651 = arith.addi %add3A_649, %add3A_650 : i32
      %sub3A_652 = arith.constant 1 : i32
      %sub3A_653 = arith.subi %add3A_651, %sub3A_652 : i32
      %lt3A_654 = arith.constant 256 : i32
      %lt3A_655 = arith.cmpi slt, %sub3A_653, %lt3A_654 : i32
      %convert_element_type3A_656 = arith.extui %lt3A_655 : i1 to i32
      %cond3A_657 = arith.constant 0 : i32
      %cond3A_658 = arith.cmpi ne, %convert_element_type3A_656, %cond3A_657 : i32
      scf.if %cond3A_658 {
        %shift_right_logical3A_2450 = arith.constant 1 : i32
        %shift_right_logical3A_2451 = arith.shrui %sub3A_653, %shift_right_logical3A_2450 : i32
        %dma_start3A_2452 = arith.constant 104 : i32
        %dma_start3A_2453 = tpu.memref_slice %arg5[%shift_right_logical3A_2451, %dma_start3A_2452] : memref<128x200xi32, #tpu.memory_space<vmem>> -> memref<1x96xi32, #tpu.memory_space<vmem>>
        %dma_start3A_2454 = tpu.memref_squeeze %dma_start3A_2453 : memref<1x96xi32, #tpu.memory_space<vmem>> -> memref<96xi32, #tpu.memory_space<vmem>>
        %dma_start3A_2455 = arith.constant 0 : i32
        %dma_start3A_2456 = arith.constant 0 : i32
        %dma_start3A_2457 = tpu.memref_slice %arg3[%dma_start3A_2455, %dma_start3A_2456] : memref<1048576x8xf32, #tpu.memory_space<hbm>> -> memref<1048576x8xf32, #tpu.memory_space<hbm>>
        tpu.enqueue_indirect_dma source(%dma_start3A_2457 : memref<1048576x8xf32, #tpu.memory_space<hbm>>) target(%arg7 : memref<96x8xf32, #tpu.memory_space<vmem>>) offsets(%dma_start3A_2454 : memref<96xi32, #tpu.memory_space<vmem>>) semaphore(%arg16 : memref<!tpu.dma_semaphore, #tpu.memory_space<semaphore_mem>>)
      } else {
      }
      %dma_wait3A_659 = arith.constant 0 : i32
      %dma_wait3A_660 = arith.constant 0 : i32
      %dma_wait3A_661 = tpu.memref_slice %arg5[%dma_wait3A_659, %dma_wait3A_660] : memref<128x200xi32, #tpu.memory_space<vmem>> -> memref<1x104xi32, #tpu.memory_space<vmem>>
      %dma_wait3A_662 = tpu.memref_squeeze %dma_wait3A_661 : memref<1x104xi32, #tpu.memory_space<vmem>> -> memref<104xi32, #tpu.memory_space<vmem>>
      %dma_wait3A_663 = arith.constant 0 : i32
      %dma_wait3A_664 = arith.constant 0 : i32
      %dma_wait3A_665 = tpu.memref_slice %arg3[%dma_wait3A_663, %dma_wait3A_664] : memref<1048576x8xf32, #tpu.memory_space<hbm>> -> memref<1048576x8xf32, #tpu.memory_space<hbm>>
      tpu.wait_indirect_dma semaphore(%arg17 : memref<!tpu.dma_semaphore, #tpu.memory_space<semaphore_mem>>) src(%dma_wait3A_665 : memref<1048576x8xf32, #tpu.memory_space<hbm>>) dst(%arg8 : memref<104x8xf32, #tpu.memory_space<vmem>>)
      %broadcast_in_dim3A_666 = arith.constant 0.000000e+00 : f32
      %broadcast_in_dim3A_667 = vector.broadcast %broadcast_in_dim3A_666 : f32 to vector<16xf32>
      %iota3A_668 = tpu.iota {dimensions = array<i32: 0>} : vector<16xi32>
      %jit3A_669 = arith.constant 8 : i32
      %eq3A_670 = arith.constant 0 : i32
      %eq3A_671 = arith.cmpi eq, %jit3A_669, %eq3A_670 : i32
      %jit3A_672 = arith.constant 1 : i32
      %select_n3A_673 = arith.select %eq3A_671, %jit3A_672, %jit3A_669 : i32
      %rem3A_674 = vector.broadcast %select_n3A_673 : i32 to vector<16xi32>
      %rem3A_675 = arith.remsi %iota3A_668, %rem3A_674 : vector<16xi32>
      %ne3A_676 = arith.constant 0 : i32
      %ne3A_677 = vector.broadcast %ne3A_676 : i32 to vector<16xi32>
      %ne3A_678 = arith.cmpi ne, %rem3A_675, %ne3A_677 : vector<16xi32>
      %lt3A_679 = arith.constant 0 : i32
      %lt3A_680 = vector.broadcast %lt3A_679 : i32 to vector<16xi32>
      %lt3A_681 = arith.cmpi slt, %rem3A_675, %lt3A_680 : vector<16xi32>
      %lt3A_682 = arith.constant 0 : i32
      %lt3A_683 = arith.cmpi slt, %select_n3A_673, %lt3A_682 : i32
      %ne3A_684 = vector.broadcast %lt3A_683 : i1 to vector<16xi1>
      %ne3A_685 = vector.broadcast %ne3A_684 : vector<16xi1> to vector<16xi1>
      %ne3A_686 = arith.xori %lt3A_681, %ne3A_685 : vector<16xi1>
      %and3A_687 = arith.andi %ne3A_686, %ne3A_678 : vector<16xi1>
      %add3A_688 = vector.broadcast %select_n3A_673 : i32 to vector<16xi32>
      %add3A_689 = arith.addi %rem3A_675, %add3A_688 : vector<16xi32>
      %select_n3A_690 = arith.select %and3A_687, %add3A_689, %rem3A_675 : vector<16xi1>, vector<16xi32>
      %shift_right_logical3A_691 = arith.constant 3 : i32
      %shift_right_logical3A_692 = vector.broadcast %shift_right_logical3A_691 : i32 to vector<16xi32>
      %shift_right_logical3A_693 = arith.shrui %iota3A_668, %shift_right_logical3A_692 : vector<16xi32>
      %add3A_694 = arith.constant 0 : i32
      %add3A_695 = vector.broadcast %add3A_694 : i32 to vector<16xi32>
      %add3A_696 = arith.addi %add3A_695, %shift_right_logical3A_693 : vector<16xi32>
      %gather3A_697 = tpu.vector_load_idx %arg8[%add3A_696, %select_n3A_690] : memref<104x8xf32, #tpu.memory_space<vmem>>[vector<16xi32>, vector<16xi32>], vector<16xf32>,
      %add3A_698 = arith.addf %broadcast_in_dim3A_667, %gather3A_697 : vector<16xf32>
      %add3A_699 = arith.constant 2 : i32
      %add3A_700 = vector.broadcast %add3A_699 : i32 to vector<16xi32>
      %add3A_701 = arith.addi %add3A_700, %shift_right_logical3A_693 : vector<16xi32>
      %gather3A_702 = tpu.vector_load_idx %arg8[%add3A_701, %select_n3A_690] : memref<104x8xf32, #tpu.memory_space<vmem>>[vector<16xi32>, vector<16xi32>], vector<16xf32>,
      %add3A_703 = arith.addf %add3A_698, %gather3A_702 : vector<16xf32>
      %add3A_704 = arith.constant 4 : i32
      %add3A_705 = vector.broadcast %add3A_704 : i32 to vector<16xi32>
      %add3A_706 = arith.addi %add3A_705, %shift_right_logical3A_693 : vector<16xi32>
      %gather3A_707 = tpu.vector_load_idx %arg8[%add3A_706, %select_n3A_690] : memref<104x8xf32, #tpu.memory_space<vmem>>[vector<16xi32>, vector<16xi32>], vector<16xf32>,
      %add3A_708 = arith.addf %add3A_703, %gather3A_707 : vector<16xf32>
      %add3A_709 = arith.constant 6 : i32
      %add3A_710 = vector.broadcast %add3A_709 : i32 to vector<16xi32>
      %add3A_711 = arith.addi %add3A_710, %shift_right_logical3A_693 : vector<16xi32>
      %gather3A_712 = tpu.vector_load_idx %arg8[%add3A_711, %select_n3A_690] : memref<104x8xf32, #tpu.memory_space<vmem>>[vector<16xi32>, vector<16xi32>], vector<16xf32>,
      %add3A_713 = arith.addf %add3A_708, %gather3A_712 : vector<16xf32>
      %add3A_714 = arith.constant 8 : i32
      %add3A_715 = vector.broadcast %add3A_714 : i32 to vector<16xi32>
      %add3A_716 = arith.addi %add3A_715, %shift_right_logical3A_693 : vector<16xi32>
      %gather3A_717 = tpu.vector_load_idx %arg8[%add3A_716, %select_n3A_690] : memref<104x8xf32, #tpu.memory_space<vmem>>[vector<16xi32>, vector<16xi32>], vector<16xf32>,
      %add3A_718 = arith.addf %add3A_713, %gather3A_717 : vector<16xf32>
      %add3A_719 = arith.constant 10 : i32
      %add3A_720 = vector.broadcast %add3A_719 : i32 to vector<16xi32>
      %add3A_721 = arith.addi %add3A_720, %shift_right_logical3A_693 : vector<16xi32>
      %gather3A_722 = tpu.vector_load_idx %arg8[%add3A_721, %select_n3A_690] : memref<104x8xf32, #tpu.memory_space<vmem>>[vector<16xi32>, vector<16xi32>], vector<16xf32>,
      %add3A_723 = arith.addf %add3A_718, %gather3A_722 : vector<16xf32>
      %add3A_724 = arith.constant 12 : i32
      %add3A_725 = vector.broadcast %add3A_724 : i32 to vector<16xi32>
      %add3A_726 = arith.addi %add3A_725, %shift_right_logical3A_693 : vector<16xi32>
      %gather3A_727 = tpu.vector_load_idx %arg8[%add3A_726, %select_n3A_690] : memref<104x8xf32, #tpu.memory_space<vmem>>[vector<16xi32>, vector<16xi32>], vector<16xf32>,
      %add3A_728 = arith.addf %add3A_723, %gather3A_727 : vector<16xf32>
      %add3A_729 = arith.constant 14 : i32
      %add3A_730 = vector.broadcast %add3A_729 : i32 to vector<16xi32>
      %add3A_731 = arith.addi %add3A_730, %shift_right_logical3A_693 : vector<16xi32>
      %gather3A_732 = tpu.vector_load_idx %arg8[%add3A_731, %select_n3A_690] : memref<104x8xf32, #tpu.memory_space<vmem>>[vector<16xi32>, vector<16xi32>], vector<16xf32>,
      %add3A_733 = arith.addf %add3A_728, %gather3A_732 : vector<16xf32>
      %add3A_734 = arith.constant 16 : i32
      %add3A_735 = vector.broadcast %add3A_734 : i32 to vector<16xi32>
      %add3A_736 = arith.addi %add3A_735, %shift_right_logical3A_693 : vector<16xi32>
      %gather3A_737 = tpu.vector_load_idx %arg8[%add3A_736, %select_n3A_690] : memref<104x8xf32, #tpu.memory_space<vmem>>[vector<16xi32>, vector<16xi32>], vector<16xf32>,
      %add3A_738 = arith.addf %add3A_733, %gather3A_737 : vector<16xf32>
      %add3A_739 = arith.constant 18 : i32
      %add3A_740 = vector.broadcast %add3A_739 : i32 to vector<16xi32>
      %add3A_741 = arith.addi %add3A_740, %shift_right_logical3A_693 : vector<16xi32>
      %gather3A_742 = tpu.vector_load_idx %arg8[%add3A_741, %select_n3A_690] : memref<104x8xf32, #tpu.memory_space<vmem>>[vector<16xi32>, vector<16xi32>], vector<16xf32>,
      %add3A_743 = arith.addf %add3A_738, %gather3A_742 : vector<16xf32>
      %add3A_744 = arith.constant 20 : i32
      %add3A_745 = vector.broadcast %add3A_744 : i32 to vector<16xi32>
      %add3A_746 = arith.addi %add3A_745, %shift_right_logical3A_693 : vector<16xi32>
      %gather3A_747 = tpu.vector_load_idx %arg8[%add3A_746, %select_n3A_690] : memref<104x8xf32, #tpu.memory_space<vmem>>[vector<16xi32>, vector<16xi32>], vector<16xf32>,
      %add3A_748 = arith.addf %add3A_743, %gather3A_747 : vector<16xf32>
      %add3A_749 = arith.constant 22 : i32
      %add3A_750 = vector.broadcast %add3A_749 : i32 to vector<16xi32>
      %add3A_751 = arith.addi %add3A_750, %shift_right_logical3A_693 : vector<16xi32>
      %gather3A_752 = tpu.vector_load_idx %arg8[%add3A_751, %select_n3A_690] : memref<104x8xf32, #tpu.memory_space<vmem>>[vector<16xi32>, vector<16xi32>], vector<16xf32>,
      %add3A_753 = arith.addf %add3A_748, %gather3A_752 : vector<16xf32>
      %add3A_754 = arith.constant 24 : i32
      %add3A_755 = vector.broadcast %add3A_754 : i32 to vector<16xi32>
      %add3A_756 = arith.addi %add3A_755, %shift_right_logical3A_693 : vector<16xi32>
      %gather3A_757 = tpu.vector_load_idx %arg8[%add3A_756, %select_n3A_690] : memref<104x8xf32, #tpu.memory_space<vmem>>[vector<16xi32>, vector<16xi32>], vector<16xf32>,
      %add3A_758 = arith.addf %add3A_753, %gather3A_757 : vector<16xf32>
      %add3A_759 = arith.constant 26 : i32
      %add3A_760 = vector.broadcast %add3A_759 : i32 to vector<16xi32>
      %add3A_761 = arith.addi %add3A_760, %shift_right_logical3A_693 : vector<16xi32>
      %gather3A_762 = tpu.vector_load_idx %arg8[%add3A_761, %select_n3A_690] : memref<104x8xf32, #tpu.memory_space<vmem>>[vector<16xi32>, vector<16xi32>], vector<16xf32>,
      %add3A_763 = arith.addf %add3A_758, %gather3A_762 : vector<16xf32>
      %add3A_764 = arith.constant 28 : i32
      %add3A_765 = vector.broadcast %add3A_764 : i32 to vector<16xi32>
      %add3A_766 = arith.addi %add3A_765, %shift_right_logical3A_693 : vector<16xi32>
      %gather3A_767 = tpu.vector_load_idx %arg8[%add3A_766, %select_n3A_690] : memref<104x8xf32, #tpu.memory_space<vmem>>[vector<16xi32>, vector<16xi32>], vector<16xf32>,
      %add3A_768 = arith.addf %add3A_763, %gather3A_767 : vector<16xf32>
      %add3A_769 = arith.constant 30 : i32
      %add3A_770 = vector.broadcast %add3A_769 : i32 to vector<16xi32>
      %add3A_771 = arith.addi %add3A_770, %shift_right_logical3A_693 : vector<16xi32>
      %gather3A_772 = tpu.vector_load_idx %arg8[%add3A_771, %select_n3A_690] : memref<104x8xf32, #tpu.memory_space<vmem>>[vector<16xi32>, vector<16xi32>], vector<16xf32>,
      %add3A_773 = arith.addf %add3A_768, %gather3A_772 : vector<16xf32>
      %add3A_774 = arith.constant 32 : i32
      %add3A_775 = vector.broadcast %add3A_774 : i32 to vector<16xi32>
      %add3A_776 = arith.addi %add3A_775, %shift_right_logical3A_693 : vector<16xi32>
      %gather3A_777 = tpu.vector_load_idx %arg8[%add3A_776, %select_n3A_690] : memref<104x8xf32, #tpu.memory_space<vmem>>[vector<16xi32>, vector<16xi32>], vector<16xf32>,
      %add3A_778 = arith.addf %add3A_773, %gather3A_777 : vector<16xf32>
      %add3A_779 = arith.constant 34 : i32
      %add3A_780 = vector.broadcast %add3A_779 : i32 to vector<16xi32>
      %add3A_781 = arith.addi %add3A_780, %shift_right_logical3A_693 : vector<16xi32>
      %gather3A_782 = tpu.vector_load_idx %arg8[%add3A_781, %select_n3A_690] : memref<104x8xf32, #tpu.memory_space<vmem>>[vector<16xi32>, vector<16xi32>], vector<16xf32>,
      %add3A_783 = arith.addf %add3A_778, %gather3A_782 : vector<16xf32>
      %add3A_784 = arith.constant 36 : i32
      %add3A_785 = vector.broadcast %add3A_784 : i32 to vector<16xi32>
      %add3A_786 = arith.addi %add3A_785, %shift_right_logical3A_693 : vector<16xi32>
      %gather3A_787 = tpu.vector_load_idx %arg8[%add3A_786, %select_n3A_690] : memref<104x8xf32, #tpu.memory_space<vmem>>[vector<16xi32>, vector<16xi32>], vector<16xf32>,
      %add3A_788 = arith.addf %add3A_783, %gather3A_787 : vector<16xf32>
      %add3A_789 = arith.constant 38 : i32
      %add3A_790 = vector.broadcast %add3A_789 : i32 to vector<16xi32>
      %add3A_791 = arith.addi %add3A_790, %shift_right_logical3A_693 : vector<16xi32>
      %gather3A_792 = tpu.vector_load_idx %arg8[%add3A_791, %select_n3A_690] : memref<104x8xf32, #tpu.memory_space<vmem>>[vector<16xi32>, vector<16xi32>], vector<16xf32>,
      %add3A_793 = arith.addf %add3A_788, %gather3A_792 : vector<16xf32>
      %add3A_794 = arith.constant 40 : i32
      %add3A_795 = vector.broadcast %add3A_794 : i32 to vector<16xi32>
      %add3A_796 = arith.addi %add3A_795, %shift_right_logical3A_693 : vector<16xi32>
      %gather3A_797 = tpu.vector_load_idx %arg8[%add3A_796, %select_n3A_690] : memref<104x8xf32, #tpu.memory_space<vmem>>[vector<16xi32>, vector<16xi32>], vector<16xf32>,
      %add3A_798 = arith.addf %add3A_793, %gather3A_797 : vector<16xf32>
      %add3A_799 = arith.constant 42 : i32
      %add3A_800 = vector.broadcast %add3A_799 : i32 to vector<16xi32>
      %add3A_801 = arith.addi %add3A_800, %shift_right_logical3A_693 : vector<16xi32>
      %gather3A_802 = tpu.vector_load_idx %arg8[%add3A_801, %select_n3A_690] : memref<104x8xf32, #tpu.memory_space<vmem>>[vector<16xi32>, vector<16xi32>], vector<16xf32>,
      %add3A_803 = arith.addf %add3A_798, %gather3A_802 : vector<16xf32>
      %add3A_804 = arith.constant 44 : i32
      %add3A_805 = vector.broadcast %add3A_804 : i32 to vector<16xi32>
      %add3A_806 = arith.addi %add3A_805, %shift_right_logical3A_693 : vector<16xi32>
      %gather3A_807 = tpu.vector_load_idx %arg8[%add3A_806, %select_n3A_690] : memref<104x8xf32, #tpu.memory_space<vmem>>[vector<16xi32>, vector<16xi32>], vector<16xf32>,
      %add3A_808 = arith.addf %add3A_803, %gather3A_807 : vector<16xf32>
      %add3A_809 = arith.constant 46 : i32
      %add3A_810 = vector.broadcast %add3A_809 : i32 to vector<16xi32>
      %add3A_811 = arith.addi %add3A_810, %shift_right_logical3A_693 : vector<16xi32>
      %gather3A_812 = tpu.vector_load_idx %arg8[%add3A_811, %select_n3A_690] : memref<104x8xf32, #tpu.memory_space<vmem>>[vector<16xi32>, vector<16xi32>], vector<16xf32>,
      %add3A_813 = arith.addf %add3A_808, %gather3A_812 : vector<16xf32>
      %add3A_814 = arith.constant 48 : i32
      %add3A_815 = vector.broadcast %add3A_814 : i32 to vector<16xi32>
      %add3A_816 = arith.addi %add3A_815, %shift_right_logical3A_693 : vector<16xi32>
      %gather3A_817 = tpu.vector_load_idx %arg8[%add3A_816, %select_n3A_690] : memref<104x8xf32, #tpu.memory_space<vmem>>[vector<16xi32>, vector<16xi32>], vector<16xf32>,
      %add3A_818 = arith.addf %add3A_813, %gather3A_817 : vector<16xf32>
      %add3A_819 = arith.constant 50 : i32
      %add3A_820 = vector.broadcast %add3A_819 : i32 to vector<16xi32>
      %add3A_821 = arith.addi %add3A_820, %shift_right_logical3A_693 : vector<16xi32>
      %gather3A_822 = tpu.vector_load_idx %arg8[%add3A_821, %select_n3A_690] : memref<104x8xf32, #tpu.memory_space<vmem>>[vector<16xi32>, vector<16xi32>], vector<16xf32>,
      %add3A_823 = arith.addf %add3A_818, %gather3A_822 : vector<16xf32>
      %add3A_824 = arith.constant 52 : i32
      %add3A_825 = vector.broadcast %add3A_824 : i32 to vector<16xi32>
      %add3A_826 = arith.addi %add3A_825, %shift_right_logical3A_693 : vector<16xi32>
      %gather3A_827 = tpu.vector_load_idx %arg8[%add3A_826, %select_n3A_690] : memref<104x8xf32, #tpu.memory_space<vmem>>[vector<16xi32>, vector<16xi32>], vector<16xf32>,
      %add3A_828 = arith.addf %add3A_823, %gather3A_827 : vector<16xf32>
      %add3A_829 = arith.constant 54 : i32
      %add3A_830 = vector.broadcast %add3A_829 : i32 to vector<16xi32>
      %add3A_831 = arith.addi %add3A_830, %shift_right_logical3A_693 : vector<16xi32>
      %gather3A_832 = tpu.vector_load_idx %arg8[%add3A_831, %select_n3A_690] : memref<104x8xf32, #tpu.memory_space<vmem>>[vector<16xi32>, vector<16xi32>], vector<16xf32>,
      %add3A_833 = arith.addf %add3A_828, %gather3A_832 : vector<16xf32>
      %add3A_834 = arith.constant 56 : i32
      %add3A_835 = vector.broadcast %add3A_834 : i32 to vector<16xi32>
      %add3A_836 = arith.addi %add3A_835, %shift_right_logical3A_693 : vector<16xi32>
      %gather3A_837 = tpu.vector_load_idx %arg8[%add3A_836, %select_n3A_690] : memref<104x8xf32, #tpu.memory_space<vmem>>[vector<16xi32>, vector<16xi32>], vector<16xf32>,
      %add3A_838 = arith.addf %add3A_833, %gather3A_837 : vector<16xf32>
      %add3A_839 = arith.constant 58 : i32
      %add3A_840 = vector.broadcast %add3A_839 : i32 to vector<16xi32>
      %add3A_841 = arith.addi %add3A_840, %shift_right_logical3A_693 : vector<16xi32>
      %gather3A_842 = tpu.vector_load_idx %arg8[%add3A_841, %select_n3A_690] : memref<104x8xf32, #tpu.memory_space<vmem>>[vector<16xi32>, vector<16xi32>], vector<16xf32>,
      %add3A_843 = arith.addf %add3A_838, %gather3A_842 : vector<16xf32>
      %add3A_844 = arith.constant 60 : i32
      %add3A_845 = vector.broadcast %add3A_844 : i32 to vector<16xi32>
      %add3A_846 = arith.addi %add3A_845, %shift_right_logical3A_693 : vector<16xi32>
      %gather3A_847 = tpu.vector_load_idx %arg8[%add3A_846, %select_n3A_690] : memref<104x8xf32, #tpu.memory_space<vmem>>[vector<16xi32>, vector<16xi32>], vector<16xf32>,
      %add3A_848 = arith.addf %add3A_843, %gather3A_847 : vector<16xf32>
      %add3A_849 = arith.constant 62 : i32
      %add3A_850 = vector.broadcast %add3A_849 : i32 to vector<16xi32>
      %add3A_851 = arith.addi %add3A_850, %shift_right_logical3A_693 : vector<16xi32>
      %gather3A_852 = tpu.vector_load_idx %arg8[%add3A_851, %select_n3A_690] : memref<104x8xf32, #tpu.memory_space<vmem>>[vector<16xi32>, vector<16xi32>], vector<16xf32>,
      %add3A_853 = arith.addf %add3A_848, %gather3A_852 : vector<16xf32>
      %add3A_854 = arith.constant 64 : i32
      %add3A_855 = vector.broadcast %add3A_854 : i32 to vector<16xi32>
      %add3A_856 = arith.addi %add3A_855, %shift_right_logical3A_693 : vector<16xi32>
      %gather3A_857 = tpu.vector_load_idx %arg8[%add3A_856, %select_n3A_690] : memref<104x8xf32, #tpu.memory_space<vmem>>[vector<16xi32>, vector<16xi32>], vector<16xf32>,
      %add3A_858 = arith.addf %add3A_853, %gather3A_857 : vector<16xf32>
      %add3A_859 = arith.constant 66 : i32
      %add3A_860 = vector.broadcast %add3A_859 : i32 to vector<16xi32>
      %add3A_861 = arith.addi %add3A_860, %shift_right_logical3A_693 : vector<16xi32>
      %gather3A_862 = tpu.vector_load_idx %arg8[%add3A_861, %select_n3A_690] : memref<104x8xf32, #tpu.memory_space<vmem>>[vector<16xi32>, vector<16xi32>], vector<16xf32>,
      %add3A_863 = arith.addf %add3A_858, %gather3A_862 : vector<16xf32>
      %add3A_864 = arith.constant 68 : i32
      %add3A_865 = vector.broadcast %add3A_864 : i32 to vector<16xi32>
      %add3A_866 = arith.addi %add3A_865, %shift_right_logical3A_693 : vector<16xi32>
      %gather3A_867 = tpu.vector_load_idx %arg8[%add3A_866, %select_n3A_690] : memref<104x8xf32, #tpu.memory_space<vmem>>[vector<16xi32>, vector<16xi32>], vector<16xf32>,
      %add3A_868 = arith.addf %add3A_863, %gather3A_867 : vector<16xf32>
      %add3A_869 = arith.constant 70 : i32
      %add3A_870 = vector.broadcast %add3A_869 : i32 to vector<16xi32>
      %add3A_871 = arith.addi %add3A_870, %shift_right_logical3A_693 : vector<16xi32>
      %gather3A_872 = tpu.vector_load_idx %arg8[%add3A_871, %select_n3A_690] : memref<104x8xf32, #tpu.memory_space<vmem>>[vector<16xi32>, vector<16xi32>], vector<16xf32>,
      %add3A_873 = arith.addf %add3A_868, %gather3A_872 : vector<16xf32>
      %add3A_874 = arith.constant 72 : i32
      %add3A_875 = vector.broadcast %add3A_874 : i32 to vector<16xi32>
      %add3A_876 = arith.addi %add3A_875, %shift_right_logical3A_693 : vector<16xi32>
      %gather3A_877 = tpu.vector_load_idx %arg8[%add3A_876, %select_n3A_690] : memref<104x8xf32, #tpu.memory_space<vmem>>[vector<16xi32>, vector<16xi32>], vector<16xf32>,
      %add3A_878 = arith.addf %add3A_873, %gather3A_877 : vector<16xf32>
      %add3A_879 = arith.constant 74 : i32
      %add3A_880 = vector.broadcast %add3A_879 : i32 to vector<16xi32>
      %add3A_881 = arith.addi %add3A_880, %shift_right_logical3A_693 : vector<16xi32>
      %gather3A_882 = tpu.vector_load_idx %arg8[%add3A_881, %select_n3A_690] : memref<104x8xf32, #tpu.memory_space<vmem>>[vector<16xi32>, vector<16xi32>], vector<16xf32>,
      %add3A_883 = arith.addf %add3A_878, %gather3A_882 : vector<16xf32>
      %add3A_884 = arith.constant 76 : i32
      %add3A_885 = vector.broadcast %add3A_884 : i32 to vector<16xi32>
      %add3A_886 = arith.addi %add3A_885, %shift_right_logical3A_693 : vector<16xi32>
      %gather3A_887 = tpu.vector_load_idx %arg8[%add3A_886, %select_n3A_690] : memref<104x8xf32, #tpu.memory_space<vmem>>[vector<16xi32>, vector<16xi32>], vector<16xf32>,
      %add3A_888 = arith.addf %add3A_883, %gather3A_887 : vector<16xf32>
      %add3A_889 = arith.constant 78 : i32
      %add3A_890 = vector.broadcast %add3A_889 : i32 to vector<16xi32>
      %add3A_891 = arith.addi %add3A_890, %shift_right_logical3A_693 : vector<16xi32>
      %gather3A_892 = tpu.vector_load_idx %arg8[%add3A_891, %select_n3A_690] : memref<104x8xf32, #tpu.memory_space<vmem>>[vector<16xi32>, vector<16xi32>], vector<16xf32>,
      %add3A_893 = arith.addf %add3A_888, %gather3A_892 : vector<16xf32>
      %add3A_894 = arith.constant 80 : i32
      %add3A_895 = vector.broadcast %add3A_894 : i32 to vector<16xi32>
      %add3A_896 = arith.addi %add3A_895, %shift_right_logical3A_693 : vector<16xi32>
      %gather3A_897 = tpu.vector_load_idx %arg8[%add3A_896, %select_n3A_690] : memref<104x8xf32, #tpu.memory_space<vmem>>[vector<16xi32>, vector<16xi32>], vector<16xf32>,
      %add3A_898 = arith.addf %add3A_893, %gather3A_897 : vector<16xf32>
      %add3A_899 = arith.constant 82 : i32
      %add3A_900 = vector.broadcast %add3A_899 : i32 to vector<16xi32>
      %add3A_901 = arith.addi %add3A_900, %shift_right_logical3A_693 : vector<16xi32>
      %gather3A_902 = tpu.vector_load_idx %arg8[%add3A_901, %select_n3A_690] : memref<104x8xf32, #tpu.memory_space<vmem>>[vector<16xi32>, vector<16xi32>], vector<16xf32>,
      %add3A_903 = arith.addf %add3A_898, %gather3A_902 : vector<16xf32>
      %add3A_904 = arith.constant 84 : i32
      %add3A_905 = vector.broadcast %add3A_904 : i32 to vector<16xi32>
      %add3A_906 = arith.addi %add3A_905, %shift_right_logical3A_693 : vector<16xi32>
      %gather3A_907 = tpu.vector_load_idx %arg8[%add3A_906, %select_n3A_690] : memref<104x8xf32, #tpu.memory_space<vmem>>[vector<16xi32>, vector<16xi32>], vector<16xf32>,
      %add3A_908 = arith.addf %add3A_903, %gather3A_907 : vector<16xf32>
      %add3A_909 = arith.constant 86 : i32
      %add3A_910 = vector.broadcast %add3A_909 : i32 to vector<16xi32>
      %add3A_911 = arith.addi %add3A_910, %shift_right_logical3A_693 : vector<16xi32>
      %gather3A_912 = tpu.vector_load_idx %arg8[%add3A_911, %select_n3A_690] : memref<104x8xf32, #tpu.memory_space<vmem>>[vector<16xi32>, vector<16xi32>], vector<16xf32>,
      %add3A_913 = arith.addf %add3A_908, %gather3A_912 : vector<16xf32>
      %add3A_914 = arith.constant 88 : i32
      %add3A_915 = vector.broadcast %add3A_914 : i32 to vector<16xi32>
      %add3A_916 = arith.addi %add3A_915, %shift_right_logical3A_693 : vector<16xi32>
      %gather3A_917 = tpu.vector_load_idx %arg8[%add3A_916, %select_n3A_690] : memref<104x8xf32, #tpu.memory_space<vmem>>[vector<16xi32>, vector<16xi32>], vector<16xf32>,
      %add3A_918 = arith.addf %add3A_913, %gather3A_917 : vector<16xf32>
      %add3A_919 = arith.constant 90 : i32
      %add3A_920 = vector.broadcast %add3A_919 : i32 to vector<16xi32>
      %add3A_921 = arith.addi %add3A_920, %shift_right_logical3A_693 : vector<16xi32>
      %gather3A_922 = tpu.vector_load_idx %arg8[%add3A_921, %select_n3A_690] : memref<104x8xf32, #tpu.memory_space<vmem>>[vector<16xi32>, vector<16xi32>], vector<16xf32>,
      %add3A_923 = arith.addf %add3A_918, %gather3A_922 : vector<16xf32>
      %add3A_924 = arith.constant 92 : i32
      %add3A_925 = vector.broadcast %add3A_924 : i32 to vector<16xi32>
      %add3A_926 = arith.addi %add3A_925, %shift_right_logical3A_693 : vector<16xi32>
      %gather3A_927 = tpu.vector_load_idx %arg8[%add3A_926, %select_n3A_690] : memref<104x8xf32, #tpu.memory_space<vmem>>[vector<16xi32>, vector<16xi32>], vector<16xf32>,
      %add3A_928 = arith.addf %add3A_923, %gather3A_927 : vector<16xf32>
      %add3A_929 = arith.constant 94 : i32
      %add3A_930 = vector.broadcast %add3A_929 : i32 to vector<16xi32>
      %add3A_931 = arith.addi %add3A_930, %shift_right_logical3A_693 : vector<16xi32>
      %gather3A_932 = tpu.vector_load_idx %arg8[%add3A_931, %select_n3A_690] : memref<104x8xf32, #tpu.memory_space<vmem>>[vector<16xi32>, vector<16xi32>], vector<16xf32>,
      %add3A_933 = arith.addf %add3A_928, %gather3A_932 : vector<16xf32>
      %add3A_934 = arith.constant 96 : i32
      %add3A_935 = vector.broadcast %add3A_934 : i32 to vector<16xi32>
      %add3A_936 = arith.addi %add3A_935, %shift_right_logical3A_693 : vector<16xi32>
      %gather3A_937 = tpu.vector_load_idx %arg8[%add3A_936, %select_n3A_690] : memref<104x8xf32, #tpu.memory_space<vmem>>[vector<16xi32>, vector<16xi32>], vector<16xf32>,
      %add3A_938 = arith.addf %add3A_933, %gather3A_937 : vector<16xf32>
      %add3A_939 = arith.constant 98 : i32
      %add3A_940 = vector.broadcast %add3A_939 : i32 to vector<16xi32>
      %add3A_941 = arith.addi %add3A_940, %shift_right_logical3A_693 : vector<16xi32>
      %gather3A_942 = tpu.vector_load_idx %arg8[%add3A_941, %select_n3A_690] : memref<104x8xf32, #tpu.memory_space<vmem>>[vector<16xi32>, vector<16xi32>], vector<16xf32>,
      %add3A_943 = arith.addf %add3A_938, %gather3A_942 : vector<16xf32>
      %add3A_944 = arith.constant 100 : i32
      %add3A_945 = vector.broadcast %add3A_944 : i32 to vector<16xi32>
      %add3A_946 = arith.addi %add3A_945, %shift_right_logical3A_693 : vector<16xi32>
      %gather3A_947 = tpu.vector_load_idx %arg8[%add3A_946, %select_n3A_690] : memref<104x8xf32, #tpu.memory_space<vmem>>[vector<16xi32>, vector<16xi32>], vector<16xf32>,
      %add3A_948 = arith.addf %add3A_943, %gather3A_947 : vector<16xf32>
      %add3A_949 = arith.constant 102 : i32
      %add3A_950 = vector.broadcast %add3A_949 : i32 to vector<16xi32>
      %add3A_951 = arith.addi %add3A_950, %shift_right_logical3A_693 : vector<16xi32>
      %gather3A_952 = tpu.vector_load_idx %arg8[%add3A_951, %select_n3A_690] : memref<104x8xf32, #tpu.memory_space<vmem>>[vector<16xi32>, vector<16xi32>], vector<16xf32>,
      %add3A_953 = arith.addf %add3A_948, %gather3A_952 : vector<16xf32>
      %mul3A_954 = arith.constant 8 : i32
      %mul3A_955 = arith.muli %scan3A_57, %mul3A_954 : i32
      %add3A_956 = arith.constant 3 : i32
      %add3A_957 = arith.addi %mul3A_955, %add3A_956 : i32
      %add3A_958 = arith.constant 8 : i32
      %add3A_959 = arith.addi %add3A_957, %add3A_958 : i32
      %sub3A_960 = arith.constant 1 : i32
      %sub3A_961 = arith.subi %add3A_959, %sub3A_960 : i32
      %lt3A_962 = arith.constant 256 : i32
      %lt3A_963 = arith.cmpi slt, %sub3A_961, %lt3A_962 : i32
      %convert_element_type3A_964 = arith.extui %lt3A_963 : i1 to i32
      %cond3A_965 = arith.constant 0 : i32
      %cond3A_966 = arith.cmpi ne, %convert_element_type3A_964, %cond3A_965 : i32
      scf.if %cond3A_966 {
        %shift_right_logical3A_2450 = arith.constant 1 : i32
        %shift_right_logical3A_2451 = arith.shrui %sub3A_961, %shift_right_logical3A_2450 : i32
        %dma_start3A_2452 = arith.constant 0 : i32
        %dma_start3A_2453 = tpu.memref_slice %arg5[%shift_right_logical3A_2451, %dma_start3A_2452] : memref<128x200xi32, #tpu.memory_space<vmem>> -> memref<1x104xi32, #tpu.memory_space<vmem>>
        %dma_start3A_2454 = tpu.memref_squeeze %dma_start3A_2453 : memref<1x104xi32, #tpu.memory_space<vmem>> -> memref<104xi32, #tpu.memory_space<vmem>>
        %dma_start3A_2455 = arith.constant 0 : i32
        %dma_start3A_2456 = arith.constant 0 : i32
        %dma_start3A_2457 = tpu.memref_slice %arg3[%dma_start3A_2455, %dma_start3A_2456] : memref<1048576x8xf32, #tpu.memory_space<hbm>> -> memref<1048576x8xf32, #tpu.memory_space<hbm>>
        tpu.enqueue_indirect_dma source(%dma_start3A_2457 : memref<1048576x8xf32, #tpu.memory_space<hbm>>) target(%arg8 : memref<104x8xf32, #tpu.memory_space<vmem>>) offsets(%dma_start3A_2454 : memref<104xi32, #tpu.memory_space<vmem>>) semaphore(%arg17 : memref<!tpu.dma_semaphore, #tpu.memory_space<semaphore_mem>>)
      } else {
      }
      %dma_wait3A_967 = arith.constant 0 : i32
      %dma_wait3A_968 = arith.constant 104 : i32
      %dma_wait3A_969 = tpu.memref_slice %arg5[%dma_wait3A_967, %dma_wait3A_968] : memref<128x200xi32, #tpu.memory_space<vmem>> -> memref<1x96xi32, #tpu.memory_space<vmem>>
      %dma_wait3A_970 = tpu.memref_squeeze %dma_wait3A_969 : memref<1x96xi32, #tpu.memory_space<vmem>> -> memref<96xi32, #tpu.memory_space<vmem>>
      %dma_wait3A_971 = arith.constant 0 : i32
      %dma_wait3A_972 = arith.constant 0 : i32
      %dma_wait3A_973 = tpu.memref_slice %arg3[%dma_wait3A_971, %dma_wait3A_972] : memref<1048576x8xf32, #tpu.memory_space<hbm>> -> memref<1048576x8xf32, #tpu.memory_space<hbm>>
      tpu.wait_indirect_dma semaphore(%arg18 : memref<!tpu.dma_semaphore, #tpu.memory_space<semaphore_mem>>) src(%dma_wait3A_973 : memref<1048576x8xf32, #tpu.memory_space<hbm>>) dst(%arg9 : memref<96x8xf32, #tpu.memory_space<vmem>>)
      %iota3A_974 = tpu.iota {dimensions = array<i32: 0>} : vector<16xi32>
      %jit3A_975 = arith.constant 8 : i32
      %eq3A_976 = arith.constant 0 : i32
      %eq3A_977 = arith.cmpi eq, %jit3A_975, %eq3A_976 : i32
      %jit3A_978 = arith.constant 1 : i32
      %select_n3A_979 = arith.select %eq3A_977, %jit3A_978, %jit3A_975 : i32
      %rem3A_980 = vector.broadcast %select_n3A_979 : i32 to vector<16xi32>
      %rem3A_981 = arith.remsi %iota3A_974, %rem3A_980 : vector<16xi32>
      %ne3A_982 = arith.constant 0 : i32
      %ne3A_983 = vector.broadcast %ne3A_982 : i32 to vector<16xi32>
      %ne3A_984 = arith.cmpi ne, %rem3A_981, %ne3A_983 : vector<16xi32>
      %lt3A_985 = arith.constant 0 : i32
      %lt3A_986 = vector.broadcast %lt3A_985 : i32 to vector<16xi32>
      %lt3A_987 = arith.cmpi slt, %rem3A_981, %lt3A_986 : vector<16xi32>
      %lt3A_988 = arith.constant 0 : i32
      %lt3A_989 = arith.cmpi slt, %select_n3A_979, %lt3A_988 : i32
      %ne3A_990 = vector.broadcast %lt3A_989 : i1 to vector<16xi1>
      %ne3A_991 = vector.broadcast %ne3A_990 : vector<16xi1> to vector<16xi1>
      %ne3A_992 = arith.xori %lt3A_987, %ne3A_991 : vector<16xi1>
      %and3A_993 = arith.andi %ne3A_992, %ne3A_984 : vector<16xi1>
      %add3A_994 = vector.broadcast %select_n3A_979 : i32 to vector<16xi32>
      %add3A_995 = arith.addi %rem3A_981, %add3A_994 : vector<16xi32>
      %select_n3A_996 = arith.select %and3A_993, %add3A_995, %rem3A_981 : vector<16xi1>, vector<16xi32>
      %shift_right_logical3A_997 = arith.constant 3 : i32
      %shift_right_logical3A_998 = vector.broadcast %shift_right_logical3A_997 : i32 to vector<16xi32>
      %shift_right_logical3A_999 = arith.shrui %iota3A_974, %shift_right_logical3A_998 : vector<16xi32>
      %add3A_1000 = arith.constant 0 : i32
      %add3A_1001 = vector.broadcast %add3A_1000 : i32 to vector<16xi32>
      %add3A_1002 = arith.addi %add3A_1001, %shift_right_logical3A_999 : vector<16xi32>
      %gather3A_1003 = tpu.vector_load_idx %arg9[%add3A_1002, %select_n3A_996] : memref<96x8xf32, #tpu.memory_space<vmem>>[vector<16xi32>, vector<16xi32>], vector<16xf32>,
      %add3A_1004 = arith.addf %add3A_953, %gather3A_1003 : vector<16xf32>
      %add3A_1005 = arith.constant 2 : i32
      %add3A_1006 = vector.broadcast %add3A_1005 : i32 to vector<16xi32>
      %add3A_1007 = arith.addi %add3A_1006, %shift_right_logical3A_999 : vector<16xi32>
      %gather3A_1008 = tpu.vector_load_idx %arg9[%add3A_1007, %select_n3A_996] : memref<96x8xf32, #tpu.memory_space<vmem>>[vector<16xi32>, vector<16xi32>], vector<16xf32>,
      %add3A_1009 = arith.addf %add3A_1004, %gather3A_1008 : vector<16xf32>
      %add3A_1010 = arith.constant 4 : i32
      %add3A_1011 = vector.broadcast %add3A_1010 : i32 to vector<16xi32>
      %add3A_1012 = arith.addi %add3A_1011, %shift_right_logical3A_999 : vector<16xi32>
      %gather3A_1013 = tpu.vector_load_idx %arg9[%add3A_1012, %select_n3A_996] : memref<96x8xf32, #tpu.memory_space<vmem>>[vector<16xi32>, vector<16xi32>], vector<16xf32>,
      %add3A_1014 = arith.addf %add3A_1009, %gather3A_1013 : vector<16xf32>
      %add3A_1015 = arith.constant 6 : i32
      %add3A_1016 = vector.broadcast %add3A_1015 : i32 to vector<16xi32>
      %add3A_1017 = arith.addi %add3A_1016, %shift_right_logical3A_999 : vector<16xi32>
      %gather3A_1018 = tpu.vector_load_idx %arg9[%add3A_1017, %select_n3A_996] : memref<96x8xf32, #tpu.memory_space<vmem>>[vector<16xi32>, vector<16xi32>], vector<16xf32>,
      %add3A_1019 = arith.addf %add3A_1014, %gather3A_1018 : vector<16xf32>
      %add3A_1020 = arith.constant 8 : i32
      %add3A_1021 = vector.broadcast %add3A_1020 : i32 to vector<16xi32>
      %add3A_1022 = arith.addi %add3A_1021, %shift_right_logical3A_999 : vector<16xi32>
      %gather3A_1023 = tpu.vector_load_idx %arg9[%add3A_1022, %select_n3A_996] : memref<96x8xf32, #tpu.memory_space<vmem>>[vector<16xi32>, vector<16xi32>], vector<16xf32>,
      %add3A_1024 = arith.addf %add3A_1019, %gather3A_1023 : vector<16xf32>
      %add3A_1025 = arith.constant 10 : i32
      %add3A_1026 = vector.broadcast %add3A_1025 : i32 to vector<16xi32>
      %add3A_1027 = arith.addi %add3A_1026, %shift_right_logical3A_999 : vector<16xi32>
      %gather3A_1028 = tpu.vector_load_idx %arg9[%add3A_1027, %select_n3A_996] : memref<96x8xf32, #tpu.memory_space<vmem>>[vector<16xi32>, vector<16xi32>], vector<16xf32>,
      %add3A_1029 = arith.addf %add3A_1024, %gather3A_1028 : vector<16xf32>
      %add3A_1030 = arith.constant 12 : i32
      %add3A_1031 = vector.broadcast %add3A_1030 : i32 to vector<16xi32>
      %add3A_1032 = arith.addi %add3A_1031, %shift_right_logical3A_999 : vector<16xi32>
      %gather3A_1033 = tpu.vector_load_idx %arg9[%add3A_1032, %select_n3A_996] : memref<96x8xf32, #tpu.memory_space<vmem>>[vector<16xi32>, vector<16xi32>], vector<16xf32>,
      %add3A_1034 = arith.addf %add3A_1029, %gather3A_1033 : vector<16xf32>
      %add3A_1035 = arith.constant 14 : i32
      %add3A_1036 = vector.broadcast %add3A_1035 : i32 to vector<16xi32>
      %add3A_1037 = arith.addi %add3A_1036, %shift_right_logical3A_999 : vector<16xi32>
      %gather3A_1038 = tpu.vector_load_idx %arg9[%add3A_1037, %select_n3A_996] : memref<96x8xf32, #tpu.memory_space<vmem>>[vector<16xi32>, vector<16xi32>], vector<16xf32>,
      %add3A_1039 = arith.addf %add3A_1034, %gather3A_1038 : vector<16xf32>
      %add3A_1040 = arith.constant 16 : i32
      %add3A_1041 = vector.broadcast %add3A_1040 : i32 to vector<16xi32>
      %add3A_1042 = arith.addi %add3A_1041, %shift_right_logical3A_999 : vector<16xi32>
      %gather3A_1043 = tpu.vector_load_idx %arg9[%add3A_1042, %select_n3A_996] : memref<96x8xf32, #tpu.memory_space<vmem>>[vector<16xi32>, vector<16xi32>], vector<16xf32>,
      %add3A_1044 = arith.addf %add3A_1039, %gather3A_1043 : vector<16xf32>
      %add3A_1045 = arith.constant 18 : i32
      %add3A_1046 = vector.broadcast %add3A_1045 : i32 to vector<16xi32>
      %add3A_1047 = arith.addi %add3A_1046, %shift_right_logical3A_999 : vector<16xi32>
      %gather3A_1048 = tpu.vector_load_idx %arg9[%add3A_1047, %select_n3A_996] : memref<96x8xf32, #tpu.memory_space<vmem>>[vector<16xi32>, vector<16xi32>], vector<16xf32>,
      %add3A_1049 = arith.addf %add3A_1044, %gather3A_1048 : vector<16xf32>
      %add3A_1050 = arith.constant 20 : i32
      %add3A_1051 = vector.broadcast %add3A_1050 : i32 to vector<16xi32>
      %add3A_1052 = arith.addi %add3A_1051, %shift_right_logical3A_999 : vector<16xi32>
      %gather3A_1053 = tpu.vector_load_idx %arg9[%add3A_1052, %select_n3A_996] : memref<96x8xf32, #tpu.memory_space<vmem>>[vector<16xi32>, vector<16xi32>], vector<16xf32>,
      %add3A_1054 = arith.addf %add3A_1049, %gather3A_1053 : vector<16xf32>
      %add3A_1055 = arith.constant 22 : i32
      %add3A_1056 = vector.broadcast %add3A_1055 : i32 to vector<16xi32>
      %add3A_1057 = arith.addi %add3A_1056, %shift_right_logical3A_999 : vector<16xi32>
      %gather3A_1058 = tpu.vector_load_idx %arg9[%add3A_1057, %select_n3A_996] : memref<96x8xf32, #tpu.memory_space<vmem>>[vector<16xi32>, vector<16xi32>], vector<16xf32>,
      %add3A_1059 = arith.addf %add3A_1054, %gather3A_1058 : vector<16xf32>
      %add3A_1060 = arith.constant 24 : i32
      %add3A_1061 = vector.broadcast %add3A_1060 : i32 to vector<16xi32>
      %add3A_1062 = arith.addi %add3A_1061, %shift_right_logical3A_999 : vector<16xi32>
      %gather3A_1063 = tpu.vector_load_idx %arg9[%add3A_1062, %select_n3A_996] : memref<96x8xf32, #tpu.memory_space<vmem>>[vector<16xi32>, vector<16xi32>], vector<16xf32>,
      %add3A_1064 = arith.addf %add3A_1059, %gather3A_1063 : vector<16xf32>
      %add3A_1065 = arith.constant 26 : i32
      %add3A_1066 = vector.broadcast %add3A_1065 : i32 to vector<16xi32>
      %add3A_1067 = arith.addi %add3A_1066, %shift_right_logical3A_999 : vector<16xi32>
      %gather3A_1068 = tpu.vector_load_idx %arg9[%add3A_1067, %select_n3A_996] : memref<96x8xf32, #tpu.memory_space<vmem>>[vector<16xi32>, vector<16xi32>], vector<16xf32>,
      %add3A_1069 = arith.addf %add3A_1064, %gather3A_1068 : vector<16xf32>
      %add3A_1070 = arith.constant 28 : i32
      %add3A_1071 = vector.broadcast %add3A_1070 : i32 to vector<16xi32>
      %add3A_1072 = arith.addi %add3A_1071, %shift_right_logical3A_999 : vector<16xi32>
      %gather3A_1073 = tpu.vector_load_idx %arg9[%add3A_1072, %select_n3A_996] : memref<96x8xf32, #tpu.memory_space<vmem>>[vector<16xi32>, vector<16xi32>], vector<16xf32>,
      %add3A_1074 = arith.addf %add3A_1069, %gather3A_1073 : vector<16xf32>
      %add3A_1075 = arith.constant 30 : i32
      %add3A_1076 = vector.broadcast %add3A_1075 : i32 to vector<16xi32>
      %add3A_1077 = arith.addi %add3A_1076, %shift_right_logical3A_999 : vector<16xi32>
      %gather3A_1078 = tpu.vector_load_idx %arg9[%add3A_1077, %select_n3A_996] : memref<96x8xf32, #tpu.memory_space<vmem>>[vector<16xi32>, vector<16xi32>], vector<16xf32>,
      %add3A_1079 = arith.addf %add3A_1074, %gather3A_1078 : vector<16xf32>
      %add3A_1080 = arith.constant 32 : i32
      %add3A_1081 = vector.broadcast %add3A_1080 : i32 to vector<16xi32>
      %add3A_1082 = arith.addi %add3A_1081, %shift_right_logical3A_999 : vector<16xi32>
      %gather3A_1083 = tpu.vector_load_idx %arg9[%add3A_1082, %select_n3A_996] : memref<96x8xf32, #tpu.memory_space<vmem>>[vector<16xi32>, vector<16xi32>], vector<16xf32>,
      %add3A_1084 = arith.addf %add3A_1079, %gather3A_1083 : vector<16xf32>
      %add3A_1085 = arith.constant 34 : i32
      %add3A_1086 = vector.broadcast %add3A_1085 : i32 to vector<16xi32>
      %add3A_1087 = arith.addi %add3A_1086, %shift_right_logical3A_999 : vector<16xi32>
      %gather3A_1088 = tpu.vector_load_idx %arg9[%add3A_1087, %select_n3A_996] : memref<96x8xf32, #tpu.memory_space<vmem>>[vector<16xi32>, vector<16xi32>], vector<16xf32>,
      %add3A_1089 = arith.addf %add3A_1084, %gather3A_1088 : vector<16xf32>
      %add3A_1090 = arith.constant 36 : i32
      %add3A_1091 = vector.broadcast %add3A_1090 : i32 to vector<16xi32>
      %add3A_1092 = arith.addi %add3A_1091, %shift_right_logical3A_999 : vector<16xi32>
      %gather3A_1093 = tpu.vector_load_idx %arg9[%add3A_1092, %select_n3A_996] : memref<96x8xf32, #tpu.memory_space<vmem>>[vector<16xi32>, vector<16xi32>], vector<16xf32>,
      %add3A_1094 = arith.addf %add3A_1089, %gather3A_1093 : vector<16xf32>
      %add3A_1095 = arith.constant 38 : i32
      %add3A_1096 = vector.broadcast %add3A_1095 : i32 to vector<16xi32>
      %add3A_1097 = arith.addi %add3A_1096, %shift_right_logical3A_999 : vector<16xi32>
      %gather3A_1098 = tpu.vector_load_idx %arg9[%add3A_1097, %select_n3A_996] : memref<96x8xf32, #tpu.memory_space<vmem>>[vector<16xi32>, vector<16xi32>], vector<16xf32>,
      %add3A_1099 = arith.addf %add3A_1094, %gather3A_1098 : vector<16xf32>
      %add3A_1100 = arith.constant 40 : i32
      %add3A_1101 = vector.broadcast %add3A_1100 : i32 to vector<16xi32>
      %add3A_1102 = arith.addi %add3A_1101, %shift_right_logical3A_999 : vector<16xi32>
      %gather3A_1103 = tpu.vector_load_idx %arg9[%add3A_1102, %select_n3A_996] : memref<96x8xf32, #tpu.memory_space<vmem>>[vector<16xi32>, vector<16xi32>], vector<16xf32>,
      %add3A_1104 = arith.addf %add3A_1099, %gather3A_1103 : vector<16xf32>
      %add3A_1105 = arith.constant 42 : i32
      %add3A_1106 = vector.broadcast %add3A_1105 : i32 to vector<16xi32>
      %add3A_1107 = arith.addi %add3A_1106, %shift_right_logical3A_999 : vector<16xi32>
      %gather3A_1108 = tpu.vector_load_idx %arg9[%add3A_1107, %select_n3A_996] : memref<96x8xf32, #tpu.memory_space<vmem>>[vector<16xi32>, vector<16xi32>], vector<16xf32>,
      %add3A_1109 = arith.addf %add3A_1104, %gather3A_1108 : vector<16xf32>
      %add3A_1110 = arith.constant 44 : i32
      %add3A_1111 = vector.broadcast %add3A_1110 : i32 to vector<16xi32>
      %add3A_1112 = arith.addi %add3A_1111, %shift_right_logical3A_999 : vector<16xi32>
      %gather3A_1113 = tpu.vector_load_idx %arg9[%add3A_1112, %select_n3A_996] : memref<96x8xf32, #tpu.memory_space<vmem>>[vector<16xi32>, vector<16xi32>], vector<16xf32>,
      %add3A_1114 = arith.addf %add3A_1109, %gather3A_1113 : vector<16xf32>
      %add3A_1115 = arith.constant 46 : i32
      %add3A_1116 = vector.broadcast %add3A_1115 : i32 to vector<16xi32>
      %add3A_1117 = arith.addi %add3A_1116, %shift_right_logical3A_999 : vector<16xi32>
      %gather3A_1118 = tpu.vector_load_idx %arg9[%add3A_1117, %select_n3A_996] : memref<96x8xf32, #tpu.memory_space<vmem>>[vector<16xi32>, vector<16xi32>], vector<16xf32>,
      %add3A_1119 = arith.addf %add3A_1114, %gather3A_1118 : vector<16xf32>
      %add3A_1120 = arith.constant 48 : i32
      %add3A_1121 = vector.broadcast %add3A_1120 : i32 to vector<16xi32>
      %add3A_1122 = arith.addi %add3A_1121, %shift_right_logical3A_999 : vector<16xi32>
      %gather3A_1123 = tpu.vector_load_idx %arg9[%add3A_1122, %select_n3A_996] : memref<96x8xf32, #tpu.memory_space<vmem>>[vector<16xi32>, vector<16xi32>], vector<16xf32>,
      %add3A_1124 = arith.addf %add3A_1119, %gather3A_1123 : vector<16xf32>
      %add3A_1125 = arith.constant 50 : i32
      %add3A_1126 = vector.broadcast %add3A_1125 : i32 to vector<16xi32>
      %add3A_1127 = arith.addi %add3A_1126, %shift_right_logical3A_999 : vector<16xi32>
      %gather3A_1128 = tpu.vector_load_idx %arg9[%add3A_1127, %select_n3A_996] : memref<96x8xf32, #tpu.memory_space<vmem>>[vector<16xi32>, vector<16xi32>], vector<16xf32>,
      %add3A_1129 = arith.addf %add3A_1124, %gather3A_1128 : vector<16xf32>
      %add3A_1130 = arith.constant 52 : i32
      %add3A_1131 = vector.broadcast %add3A_1130 : i32 to vector<16xi32>
      %add3A_1132 = arith.addi %add3A_1131, %shift_right_logical3A_999 : vector<16xi32>
      %gather3A_1133 = tpu.vector_load_idx %arg9[%add3A_1132, %select_n3A_996] : memref<96x8xf32, #tpu.memory_space<vmem>>[vector<16xi32>, vector<16xi32>], vector<16xf32>,
      %add3A_1134 = arith.addf %add3A_1129, %gather3A_1133 : vector<16xf32>
      %add3A_1135 = arith.constant 54 : i32
      %add3A_1136 = vector.broadcast %add3A_1135 : i32 to vector<16xi32>
      %add3A_1137 = arith.addi %add3A_1136, %shift_right_logical3A_999 : vector<16xi32>
      %gather3A_1138 = tpu.vector_load_idx %arg9[%add3A_1137, %select_n3A_996] : memref<96x8xf32, #tpu.memory_space<vmem>>[vector<16xi32>, vector<16xi32>], vector<16xf32>,
      %add3A_1139 = arith.addf %add3A_1134, %gather3A_1138 : vector<16xf32>
      %add3A_1140 = arith.constant 56 : i32
      %add3A_1141 = vector.broadcast %add3A_1140 : i32 to vector<16xi32>
      %add3A_1142 = arith.addi %add3A_1141, %shift_right_logical3A_999 : vector<16xi32>
      %gather3A_1143 = tpu.vector_load_idx %arg9[%add3A_1142, %select_n3A_996] : memref<96x8xf32, #tpu.memory_space<vmem>>[vector<16xi32>, vector<16xi32>], vector<16xf32>,
      %add3A_1144 = arith.addf %add3A_1139, %gather3A_1143 : vector<16xf32>
      %add3A_1145 = arith.constant 58 : i32
      %add3A_1146 = vector.broadcast %add3A_1145 : i32 to vector<16xi32>
      %add3A_1147 = arith.addi %add3A_1146, %shift_right_logical3A_999 : vector<16xi32>
      %gather3A_1148 = tpu.vector_load_idx %arg9[%add3A_1147, %select_n3A_996] : memref<96x8xf32, #tpu.memory_space<vmem>>[vector<16xi32>, vector<16xi32>], vector<16xf32>,
      %add3A_1149 = arith.addf %add3A_1144, %gather3A_1148 : vector<16xf32>
      %add3A_1150 = arith.constant 60 : i32
      %add3A_1151 = vector.broadcast %add3A_1150 : i32 to vector<16xi32>
      %add3A_1152 = arith.addi %add3A_1151, %shift_right_logical3A_999 : vector<16xi32>
      %gather3A_1153 = tpu.vector_load_idx %arg9[%add3A_1152, %select_n3A_996] : memref<96x8xf32, #tpu.memory_space<vmem>>[vector<16xi32>, vector<16xi32>], vector<16xf32>,
      %add3A_1154 = arith.addf %add3A_1149, %gather3A_1153 : vector<16xf32>
      %add3A_1155 = arith.constant 62 : i32
      %add3A_1156 = vector.broadcast %add3A_1155 : i32 to vector<16xi32>
      %add3A_1157 = arith.addi %add3A_1156, %shift_right_logical3A_999 : vector<16xi32>
      %gather3A_1158 = tpu.vector_load_idx %arg9[%add3A_1157, %select_n3A_996] : memref<96x8xf32, #tpu.memory_space<vmem>>[vector<16xi32>, vector<16xi32>], vector<16xf32>,
      %add3A_1159 = arith.addf %add3A_1154, %gather3A_1158 : vector<16xf32>
      %add3A_1160 = arith.constant 64 : i32
      %add3A_1161 = vector.broadcast %add3A_1160 : i32 to vector<16xi32>
      %add3A_1162 = arith.addi %add3A_1161, %shift_right_logical3A_999 : vector<16xi32>
      %gather3A_1163 = tpu.vector_load_idx %arg9[%add3A_1162, %select_n3A_996] : memref<96x8xf32, #tpu.memory_space<vmem>>[vector<16xi32>, vector<16xi32>], vector<16xf32>,
      %add3A_1164 = arith.addf %add3A_1159, %gather3A_1163 : vector<16xf32>
      %add3A_1165 = arith.constant 66 : i32
      %add3A_1166 = vector.broadcast %add3A_1165 : i32 to vector<16xi32>
      %add3A_1167 = arith.addi %add3A_1166, %shift_right_logical3A_999 : vector<16xi32>
      %gather3A_1168 = tpu.vector_load_idx %arg9[%add3A_1167, %select_n3A_996] : memref<96x8xf32, #tpu.memory_space<vmem>>[vector<16xi32>, vector<16xi32>], vector<16xf32>,
      %add3A_1169 = arith.addf %add3A_1164, %gather3A_1168 : vector<16xf32>
      %add3A_1170 = arith.constant 68 : i32
      %add3A_1171 = vector.broadcast %add3A_1170 : i32 to vector<16xi32>
      %add3A_1172 = arith.addi %add3A_1171, %shift_right_logical3A_999 : vector<16xi32>
      %gather3A_1173 = tpu.vector_load_idx %arg9[%add3A_1172, %select_n3A_996] : memref<96x8xf32, #tpu.memory_space<vmem>>[vector<16xi32>, vector<16xi32>], vector<16xf32>,
      %add3A_1174 = arith.addf %add3A_1169, %gather3A_1173 : vector<16xf32>
      %add3A_1175 = arith.constant 70 : i32
      %add3A_1176 = vector.broadcast %add3A_1175 : i32 to vector<16xi32>
      %add3A_1177 = arith.addi %add3A_1176, %shift_right_logical3A_999 : vector<16xi32>
      %gather3A_1178 = tpu.vector_load_idx %arg9[%add3A_1177, %select_n3A_996] : memref<96x8xf32, #tpu.memory_space<vmem>>[vector<16xi32>, vector<16xi32>], vector<16xf32>,
      %add3A_1179 = arith.addf %add3A_1174, %gather3A_1178 : vector<16xf32>
      %add3A_1180 = arith.constant 72 : i32
      %add3A_1181 = vector.broadcast %add3A_1180 : i32 to vector<16xi32>
      %add3A_1182 = arith.addi %add3A_1181, %shift_right_logical3A_999 : vector<16xi32>
      %gather3A_1183 = tpu.vector_load_idx %arg9[%add3A_1182, %select_n3A_996] : memref<96x8xf32, #tpu.memory_space<vmem>>[vector<16xi32>, vector<16xi32>], vector<16xf32>,
      %add3A_1184 = arith.addf %add3A_1179, %gather3A_1183 : vector<16xf32>
      %add3A_1185 = arith.constant 74 : i32
      %add3A_1186 = vector.broadcast %add3A_1185 : i32 to vector<16xi32>
      %add3A_1187 = arith.addi %add3A_1186, %shift_right_logical3A_999 : vector<16xi32>
      %gather3A_1188 = tpu.vector_load_idx %arg9[%add3A_1187, %select_n3A_996] : memref<96x8xf32, #tpu.memory_space<vmem>>[vector<16xi32>, vector<16xi32>], vector<16xf32>,
      %add3A_1189 = arith.addf %add3A_1184, %gather3A_1188 : vector<16xf32>
      %add3A_1190 = arith.constant 76 : i32
      %add3A_1191 = vector.broadcast %add3A_1190 : i32 to vector<16xi32>
      %add3A_1192 = arith.addi %add3A_1191, %shift_right_logical3A_999 : vector<16xi32>
      %gather3A_1193 = tpu.vector_load_idx %arg9[%add3A_1192, %select_n3A_996] : memref<96x8xf32, #tpu.memory_space<vmem>>[vector<16xi32>, vector<16xi32>], vector<16xf32>,
      %add3A_1194 = arith.addf %add3A_1189, %gather3A_1193 : vector<16xf32>
      %add3A_1195 = arith.constant 78 : i32
      %add3A_1196 = vector.broadcast %add3A_1195 : i32 to vector<16xi32>
      %add3A_1197 = arith.addi %add3A_1196, %shift_right_logical3A_999 : vector<16xi32>
      %gather3A_1198 = tpu.vector_load_idx %arg9[%add3A_1197, %select_n3A_996] : memref<96x8xf32, #tpu.memory_space<vmem>>[vector<16xi32>, vector<16xi32>], vector<16xf32>,
      %add3A_1199 = arith.addf %add3A_1194, %gather3A_1198 : vector<16xf32>
      %add3A_1200 = arith.constant 80 : i32
      %add3A_1201 = vector.broadcast %add3A_1200 : i32 to vector<16xi32>
      %add3A_1202 = arith.addi %add3A_1201, %shift_right_logical3A_999 : vector<16xi32>
      %gather3A_1203 = tpu.vector_load_idx %arg9[%add3A_1202, %select_n3A_996] : memref<96x8xf32, #tpu.memory_space<vmem>>[vector<16xi32>, vector<16xi32>], vector<16xf32>,
      %add3A_1204 = arith.addf %add3A_1199, %gather3A_1203 : vector<16xf32>
      %add3A_1205 = arith.constant 82 : i32
      %add3A_1206 = vector.broadcast %add3A_1205 : i32 to vector<16xi32>
      %add3A_1207 = arith.addi %add3A_1206, %shift_right_logical3A_999 : vector<16xi32>
      %gather3A_1208 = tpu.vector_load_idx %arg9[%add3A_1207, %select_n3A_996] : memref<96x8xf32, #tpu.memory_space<vmem>>[vector<16xi32>, vector<16xi32>], vector<16xf32>,
      %add3A_1209 = arith.addf %add3A_1204, %gather3A_1208 : vector<16xf32>
      %add3A_1210 = arith.constant 84 : i32
      %add3A_1211 = vector.broadcast %add3A_1210 : i32 to vector<16xi32>
      %add3A_1212 = arith.addi %add3A_1211, %shift_right_logical3A_999 : vector<16xi32>
      %gather3A_1213 = tpu.vector_load_idx %arg9[%add3A_1212, %select_n3A_996] : memref<96x8xf32, #tpu.memory_space<vmem>>[vector<16xi32>, vector<16xi32>], vector<16xf32>,
      %add3A_1214 = arith.addf %add3A_1209, %gather3A_1213 : vector<16xf32>
      %add3A_1215 = arith.constant 86 : i32
      %add3A_1216 = vector.broadcast %add3A_1215 : i32 to vector<16xi32>
      %add3A_1217 = arith.addi %add3A_1216, %shift_right_logical3A_999 : vector<16xi32>
      %gather3A_1218 = tpu.vector_load_idx %arg9[%add3A_1217, %select_n3A_996] : memref<96x8xf32, #tpu.memory_space<vmem>>[vector<16xi32>, vector<16xi32>], vector<16xf32>,
      %add3A_1219 = arith.addf %add3A_1214, %gather3A_1218 : vector<16xf32>
      %add3A_1220 = arith.constant 88 : i32
      %add3A_1221 = vector.broadcast %add3A_1220 : i32 to vector<16xi32>
      %add3A_1222 = arith.addi %add3A_1221, %shift_right_logical3A_999 : vector<16xi32>
      %gather3A_1223 = tpu.vector_load_idx %arg9[%add3A_1222, %select_n3A_996] : memref<96x8xf32, #tpu.memory_space<vmem>>[vector<16xi32>, vector<16xi32>], vector<16xf32>,
      %add3A_1224 = arith.addf %add3A_1219, %gather3A_1223 : vector<16xf32>
      %add3A_1225 = arith.constant 90 : i32
      %add3A_1226 = vector.broadcast %add3A_1225 : i32 to vector<16xi32>
      %add3A_1227 = arith.addi %add3A_1226, %shift_right_logical3A_999 : vector<16xi32>
      %gather3A_1228 = tpu.vector_load_idx %arg9[%add3A_1227, %select_n3A_996] : memref<96x8xf32, #tpu.memory_space<vmem>>[vector<16xi32>, vector<16xi32>], vector<16xf32>,
      %add3A_1229 = arith.addf %add3A_1224, %gather3A_1228 : vector<16xf32>
      %add3A_1230 = arith.constant 92 : i32
      %add3A_1231 = vector.broadcast %add3A_1230 : i32 to vector<16xi32>
      %add3A_1232 = arith.addi %add3A_1231, %shift_right_logical3A_999 : vector<16xi32>
      %gather3A_1233 = tpu.vector_load_idx %arg9[%add3A_1232, %select_n3A_996] : memref<96x8xf32, #tpu.memory_space<vmem>>[vector<16xi32>, vector<16xi32>], vector<16xf32>,
      %add3A_1234 = arith.addf %add3A_1229, %gather3A_1233 : vector<16xf32>
      %add3A_1235 = arith.constant 94 : i32
      %add3A_1236 = vector.broadcast %add3A_1235 : i32 to vector<16xi32>
      %add3A_1237 = arith.addi %add3A_1236, %shift_right_logical3A_999 : vector<16xi32>
      %gather3A_1238 = tpu.vector_load_idx %arg9[%add3A_1237, %select_n3A_996] : memref<96x8xf32, #tpu.memory_space<vmem>>[vector<16xi32>, vector<16xi32>], vector<16xf32>,
      %add3A_1239 = arith.addf %add3A_1234, %gather3A_1238 : vector<16xf32>
      %mul3A_1240 = arith.constant 4 : i32
      %mul3A_1241 = arith.muli %scan3A_57, %mul3A_1240 : i32
      %add3A_1242 = arith.constant 1 : i32
      %add3A_1243 = arith.addi %mul3A_1241, %add3A_1242 : i32
      %swap3A_1244 = arith.index_cast %add3A_1243 : i32 to index
      %swap3A_1245 = arith.constant 0 : index
      %swap3A_1246 = tpu.vector_load %arg14[%swap3A_1244, %swap3A_1245] {strides = array<i32>} : memref<128x16xf32, #tpu.memory_space<vmem>>, vector<16xf32>,
      tpu.vector_store %arg14[%swap3A_1244, %swap3A_1245], %add3A_1239 {strides = array<i32>} : memref<128x16xf32, #tpu.memory_space<vmem>>, vector<16xf32>,
      %mul3A_1247 = arith.constant 8 : i32
      %mul3A_1248 = arith.muli %scan3A_57, %mul3A_1247 : i32
      %add3A_1249 = arith.constant 4 : i32
      %add3A_1250 = arith.addi %mul3A_1248, %add3A_1249 : i32
      %add3A_1251 = arith.constant 8 : i32
      %add3A_1252 = arith.addi %add3A_1250, %add3A_1251 : i32
      %sub3A_1253 = arith.constant 1 : i32
      %sub3A_1254 = arith.subi %add3A_1252, %sub3A_1253 : i32
      %lt3A_1255 = arith.constant 256 : i32
      %lt3A_1256 = arith.cmpi slt, %sub3A_1254, %lt3A_1255 : i32
      %convert_element_type3A_1257 = arith.extui %lt3A_1256 : i1 to i32
      %cond3A_1258 = arith.constant 0 : i32
      %cond3A_1259 = arith.cmpi ne, %convert_element_type3A_1257, %cond3A_1258 : i32
      scf.if %cond3A_1259 {
        %shift_right_logical3A_2450 = arith.constant 1 : i32
        %shift_right_logical3A_2451 = arith.shrui %sub3A_1254, %shift_right_logical3A_2450 : i32
        %dma_start3A_2452 = arith.constant 104 : i32
        %dma_start3A_2453 = tpu.memref_slice %arg5[%shift_right_logical3A_2451, %dma_start3A_2452] : memref<128x200xi32, #tpu.memory_space<vmem>> -> memref<1x96xi32, #tpu.memory_space<vmem>>
        %dma_start3A_2454 = tpu.memref_squeeze %dma_start3A_2453 : memref<1x96xi32, #tpu.memory_space<vmem>> -> memref<96xi32, #tpu.memory_space<vmem>>
        %dma_start3A_2455 = arith.constant 0 : i32
        %dma_start3A_2456 = arith.constant 0 : i32
        %dma_start3A_2457 = tpu.memref_slice %arg3[%dma_start3A_2455, %dma_start3A_2456] : memref<1048576x8xf32, #tpu.memory_space<hbm>> -> memref<1048576x8xf32, #tpu.memory_space<hbm>>
        tpu.enqueue_indirect_dma source(%dma_start3A_2457 : memref<1048576x8xf32, #tpu.memory_space<hbm>>) target(%arg9 : memref<96x8xf32, #tpu.memory_space<vmem>>) offsets(%dma_start3A_2454 : memref<96xi32, #tpu.memory_space<vmem>>) semaphore(%arg18 : memref<!tpu.dma_semaphore, #tpu.memory_space<semaphore_mem>>)
      } else {
      }
      %dma_wait3A_1260 = arith.constant 0 : i32
      %dma_wait3A_1261 = arith.constant 0 : i32
      %dma_wait3A_1262 = tpu.memref_slice %arg5[%dma_wait3A_1260, %dma_wait3A_1261] : memref<128x200xi32, #tpu.memory_space<vmem>> -> memref<1x104xi32, #tpu.memory_space<vmem>>
      %dma_wait3A_1263 = tpu.memref_squeeze %dma_wait3A_1262 : memref<1x104xi32, #tpu.memory_space<vmem>> -> memref<104xi32, #tpu.memory_space<vmem>>
      %dma_wait3A_1264 = arith.constant 0 : i32
      %dma_wait3A_1265 = arith.constant 0 : i32
      %dma_wait3A_1266 = tpu.memref_slice %arg3[%dma_wait3A_1264, %dma_wait3A_1265] : memref<1048576x8xf32, #tpu.memory_space<hbm>> -> memref<1048576x8xf32, #tpu.memory_space<hbm>>
      tpu.wait_indirect_dma semaphore(%arg19 : memref<!tpu.dma_semaphore, #tpu.memory_space<semaphore_mem>>) src(%dma_wait3A_1266 : memref<1048576x8xf32, #tpu.memory_space<hbm>>) dst(%arg10 : memref<104x8xf32, #tpu.memory_space<vmem>>)
      %broadcast_in_dim3A_1267 = arith.constant 0.000000e+00 : f32
      %broadcast_in_dim3A_1268 = vector.broadcast %broadcast_in_dim3A_1267 : f32 to vector<16xf32>
      %iota3A_1269 = tpu.iota {dimensions = array<i32: 0>} : vector<16xi32>
      %jit3A_1270 = arith.constant 8 : i32
      %eq3A_1271 = arith.constant 0 : i32
      %eq3A_1272 = arith.cmpi eq, %jit3A_1270, %eq3A_1271 : i32
      %jit3A_1273 = arith.constant 1 : i32
      %select_n3A_1274 = arith.select %eq3A_1272, %jit3A_1273, %jit3A_1270 : i32
      %rem3A_1275 = vector.broadcast %select_n3A_1274 : i32 to vector<16xi32>
      %rem3A_1276 = arith.remsi %iota3A_1269, %rem3A_1275 : vector<16xi32>
      %ne3A_1277 = arith.constant 0 : i32
      %ne3A_1278 = vector.broadcast %ne3A_1277 : i32 to vector<16xi32>
      %ne3A_1279 = arith.cmpi ne, %rem3A_1276, %ne3A_1278 : vector<16xi32>
      %lt3A_1280 = arith.constant 0 : i32
      %lt3A_1281 = vector.broadcast %lt3A_1280 : i32 to vector<16xi32>
      %lt3A_1282 = arith.cmpi slt, %rem3A_1276, %lt3A_1281 : vector<16xi32>
      %lt3A_1283 = arith.constant 0 : i32
      %lt3A_1284 = arith.cmpi slt, %select_n3A_1274, %lt3A_1283 : i32
      %ne3A_1285 = vector.broadcast %lt3A_1284 : i1 to vector<16xi1>
      %ne3A_1286 = vector.broadcast %ne3A_1285 : vector<16xi1> to vector<16xi1>
      %ne3A_1287 = arith.xori %lt3A_1282, %ne3A_1286 : vector<16xi1>
      %and3A_1288 = arith.andi %ne3A_1287, %ne3A_1279 : vector<16xi1>
      %add3A_1289 = vector.broadcast %select_n3A_1274 : i32 to vector<16xi32>
      %add3A_1290 = arith.addi %rem3A_1276, %add3A_1289 : vector<16xi32>
      %select_n3A_1291 = arith.select %and3A_1288, %add3A_1290, %rem3A_1276 : vector<16xi1>, vector<16xi32>
      %shift_right_logical3A_1292 = arith.constant 3 : i32
      %shift_right_logical3A_1293 = vector.broadcast %shift_right_logical3A_1292 : i32 to vector<16xi32>
      %shift_right_logical3A_1294 = arith.shrui %iota3A_1269, %shift_right_logical3A_1293 : vector<16xi32>
      %add3A_1295 = arith.constant 0 : i32
      %add3A_1296 = vector.broadcast %add3A_1295 : i32 to vector<16xi32>
      %add3A_1297 = arith.addi %add3A_1296, %shift_right_logical3A_1294 : vector<16xi32>
      %gather3A_1298 = tpu.vector_load_idx %arg10[%add3A_1297, %select_n3A_1291] : memref<104x8xf32, #tpu.memory_space<vmem>>[vector<16xi32>, vector<16xi32>], vector<16xf32>,
      %add3A_1299 = arith.addf %broadcast_in_dim3A_1268, %gather3A_1298 : vector<16xf32>
      %add3A_1300 = arith.constant 2 : i32
      %add3A_1301 = vector.broadcast %add3A_1300 : i32 to vector<16xi32>
      %add3A_1302 = arith.addi %add3A_1301, %shift_right_logical3A_1294 : vector<16xi32>
      %gather3A_1303 = tpu.vector_load_idx %arg10[%add3A_1302, %select_n3A_1291] : memref<104x8xf32, #tpu.memory_space<vmem>>[vector<16xi32>, vector<16xi32>], vector<16xf32>,
      %add3A_1304 = arith.addf %add3A_1299, %gather3A_1303 : vector<16xf32>
      %add3A_1305 = arith.constant 4 : i32
      %add3A_1306 = vector.broadcast %add3A_1305 : i32 to vector<16xi32>
      %add3A_1307 = arith.addi %add3A_1306, %shift_right_logical3A_1294 : vector<16xi32>
      %gather3A_1308 = tpu.vector_load_idx %arg10[%add3A_1307, %select_n3A_1291] : memref<104x8xf32, #tpu.memory_space<vmem>>[vector<16xi32>, vector<16xi32>], vector<16xf32>,
      %add3A_1309 = arith.addf %add3A_1304, %gather3A_1308 : vector<16xf32>
      %add3A_1310 = arith.constant 6 : i32
      %add3A_1311 = vector.broadcast %add3A_1310 : i32 to vector<16xi32>
      %add3A_1312 = arith.addi %add3A_1311, %shift_right_logical3A_1294 : vector<16xi32>
      %gather3A_1313 = tpu.vector_load_idx %arg10[%add3A_1312, %select_n3A_1291] : memref<104x8xf32, #tpu.memory_space<vmem>>[vector<16xi32>, vector<16xi32>], vector<16xf32>,
      %add3A_1314 = arith.addf %add3A_1309, %gather3A_1313 : vector<16xf32>
      %add3A_1315 = arith.constant 8 : i32
      %add3A_1316 = vector.broadcast %add3A_1315 : i32 to vector<16xi32>
      %add3A_1317 = arith.addi %add3A_1316, %shift_right_logical3A_1294 : vector<16xi32>
      %gather3A_1318 = tpu.vector_load_idx %arg10[%add3A_1317, %select_n3A_1291] : memref<104x8xf32, #tpu.memory_space<vmem>>[vector<16xi32>, vector<16xi32>], vector<16xf32>,
      %add3A_1319 = arith.addf %add3A_1314, %gather3A_1318 : vector<16xf32>
      %add3A_1320 = arith.constant 10 : i32
      %add3A_1321 = vector.broadcast %add3A_1320 : i32 to vector<16xi32>
      %add3A_1322 = arith.addi %add3A_1321, %shift_right_logical3A_1294 : vector<16xi32>
      %gather3A_1323 = tpu.vector_load_idx %arg10[%add3A_1322, %select_n3A_1291] : memref<104x8xf32, #tpu.memory_space<vmem>>[vector<16xi32>, vector<16xi32>], vector<16xf32>,
      %add3A_1324 = arith.addf %add3A_1319, %gather3A_1323 : vector<16xf32>
      %add3A_1325 = arith.constant 12 : i32
      %add3A_1326 = vector.broadcast %add3A_1325 : i32 to vector<16xi32>
      %add3A_1327 = arith.addi %add3A_1326, %shift_right_logical3A_1294 : vector<16xi32>
      %gather3A_1328 = tpu.vector_load_idx %arg10[%add3A_1327, %select_n3A_1291] : memref<104x8xf32, #tpu.memory_space<vmem>>[vector<16xi32>, vector<16xi32>], vector<16xf32>,
      %add3A_1329 = arith.addf %add3A_1324, %gather3A_1328 : vector<16xf32>
      %add3A_1330 = arith.constant 14 : i32
      %add3A_1331 = vector.broadcast %add3A_1330 : i32 to vector<16xi32>
      %add3A_1332 = arith.addi %add3A_1331, %shift_right_logical3A_1294 : vector<16xi32>
      %gather3A_1333 = tpu.vector_load_idx %arg10[%add3A_1332, %select_n3A_1291] : memref<104x8xf32, #tpu.memory_space<vmem>>[vector<16xi32>, vector<16xi32>], vector<16xf32>,
      %add3A_1334 = arith.addf %add3A_1329, %gather3A_1333 : vector<16xf32>
      %add3A_1335 = arith.constant 16 : i32
      %add3A_1336 = vector.broadcast %add3A_1335 : i32 to vector<16xi32>
      %add3A_1337 = arith.addi %add3A_1336, %shift_right_logical3A_1294 : vector<16xi32>
      %gather3A_1338 = tpu.vector_load_idx %arg10[%add3A_1337, %select_n3A_1291] : memref<104x8xf32, #tpu.memory_space<vmem>>[vector<16xi32>, vector<16xi32>], vector<16xf32>,
      %add3A_1339 = arith.addf %add3A_1334, %gather3A_1338 : vector<16xf32>
      %add3A_1340 = arith.constant 18 : i32
      %add3A_1341 = vector.broadcast %add3A_1340 : i32 to vector<16xi32>
      %add3A_1342 = arith.addi %add3A_1341, %shift_right_logical3A_1294 : vector<16xi32>
      %gather3A_1343 = tpu.vector_load_idx %arg10[%add3A_1342, %select_n3A_1291] : memref<104x8xf32, #tpu.memory_space<vmem>>[vector<16xi32>, vector<16xi32>], vector<16xf32>,
      %add3A_1344 = arith.addf %add3A_1339, %gather3A_1343 : vector<16xf32>
      %add3A_1345 = arith.constant 20 : i32
      %add3A_1346 = vector.broadcast %add3A_1345 : i32 to vector<16xi32>
      %add3A_1347 = arith.addi %add3A_1346, %shift_right_logical3A_1294 : vector<16xi32>
      %gather3A_1348 = tpu.vector_load_idx %arg10[%add3A_1347, %select_n3A_1291] : memref<104x8xf32, #tpu.memory_space<vmem>>[vector<16xi32>, vector<16xi32>], vector<16xf32>,
      %add3A_1349 = arith.addf %add3A_1344, %gather3A_1348 : vector<16xf32>
      %add3A_1350 = arith.constant 22 : i32
      %add3A_1351 = vector.broadcast %add3A_1350 : i32 to vector<16xi32>
      %add3A_1352 = arith.addi %add3A_1351, %shift_right_logical3A_1294 : vector<16xi32>
      %gather3A_1353 = tpu.vector_load_idx %arg10[%add3A_1352, %select_n3A_1291] : memref<104x8xf32, #tpu.memory_space<vmem>>[vector<16xi32>, vector<16xi32>], vector<16xf32>,
      %add3A_1354 = arith.addf %add3A_1349, %gather3A_1353 : vector<16xf32>
      %add3A_1355 = arith.constant 24 : i32
      %add3A_1356 = vector.broadcast %add3A_1355 : i32 to vector<16xi32>
      %add3A_1357 = arith.addi %add3A_1356, %shift_right_logical3A_1294 : vector<16xi32>
      %gather3A_1358 = tpu.vector_load_idx %arg10[%add3A_1357, %select_n3A_1291] : memref<104x8xf32, #tpu.memory_space<vmem>>[vector<16xi32>, vector<16xi32>], vector<16xf32>,
      %add3A_1359 = arith.addf %add3A_1354, %gather3A_1358 : vector<16xf32>
      %add3A_1360 = arith.constant 26 : i32
      %add3A_1361 = vector.broadcast %add3A_1360 : i32 to vector<16xi32>
      %add3A_1362 = arith.addi %add3A_1361, %shift_right_logical3A_1294 : vector<16xi32>
      %gather3A_1363 = tpu.vector_load_idx %arg10[%add3A_1362, %select_n3A_1291] : memref<104x8xf32, #tpu.memory_space<vmem>>[vector<16xi32>, vector<16xi32>], vector<16xf32>,
      %add3A_1364 = arith.addf %add3A_1359, %gather3A_1363 : vector<16xf32>
      %add3A_1365 = arith.constant 28 : i32
      %add3A_1366 = vector.broadcast %add3A_1365 : i32 to vector<16xi32>
      %add3A_1367 = arith.addi %add3A_1366, %shift_right_logical3A_1294 : vector<16xi32>
      %gather3A_1368 = tpu.vector_load_idx %arg10[%add3A_1367, %select_n3A_1291] : memref<104x8xf32, #tpu.memory_space<vmem>>[vector<16xi32>, vector<16xi32>], vector<16xf32>,
      %add3A_1369 = arith.addf %add3A_1364, %gather3A_1368 : vector<16xf32>
      %add3A_1370 = arith.constant 30 : i32
      %add3A_1371 = vector.broadcast %add3A_1370 : i32 to vector<16xi32>
      %add3A_1372 = arith.addi %add3A_1371, %shift_right_logical3A_1294 : vector<16xi32>
      %gather3A_1373 = tpu.vector_load_idx %arg10[%add3A_1372, %select_n3A_1291] : memref<104x8xf32, #tpu.memory_space<vmem>>[vector<16xi32>, vector<16xi32>], vector<16xf32>,
      %add3A_1374 = arith.addf %add3A_1369, %gather3A_1373 : vector<16xf32>
      %add3A_1375 = arith.constant 32 : i32
      %add3A_1376 = vector.broadcast %add3A_1375 : i32 to vector<16xi32>
      %add3A_1377 = arith.addi %add3A_1376, %shift_right_logical3A_1294 : vector<16xi32>
      %gather3A_1378 = tpu.vector_load_idx %arg10[%add3A_1377, %select_n3A_1291] : memref<104x8xf32, #tpu.memory_space<vmem>>[vector<16xi32>, vector<16xi32>], vector<16xf32>,
      %add3A_1379 = arith.addf %add3A_1374, %gather3A_1378 : vector<16xf32>
      %add3A_1380 = arith.constant 34 : i32
      %add3A_1381 = vector.broadcast %add3A_1380 : i32 to vector<16xi32>
      %add3A_1382 = arith.addi %add3A_1381, %shift_right_logical3A_1294 : vector<16xi32>
      %gather3A_1383 = tpu.vector_load_idx %arg10[%add3A_1382, %select_n3A_1291] : memref<104x8xf32, #tpu.memory_space<vmem>>[vector<16xi32>, vector<16xi32>], vector<16xf32>,
      %add3A_1384 = arith.addf %add3A_1379, %gather3A_1383 : vector<16xf32>
      %add3A_1385 = arith.constant 36 : i32
      %add3A_1386 = vector.broadcast %add3A_1385 : i32 to vector<16xi32>
      %add3A_1387 = arith.addi %add3A_1386, %shift_right_logical3A_1294 : vector<16xi32>
      %gather3A_1388 = tpu.vector_load_idx %arg10[%add3A_1387, %select_n3A_1291] : memref<104x8xf32, #tpu.memory_space<vmem>>[vector<16xi32>, vector<16xi32>], vector<16xf32>,
      %add3A_1389 = arith.addf %add3A_1384, %gather3A_1388 : vector<16xf32>
      %add3A_1390 = arith.constant 38 : i32
      %add3A_1391 = vector.broadcast %add3A_1390 : i32 to vector<16xi32>
      %add3A_1392 = arith.addi %add3A_1391, %shift_right_logical3A_1294 : vector<16xi32>
      %gather3A_1393 = tpu.vector_load_idx %arg10[%add3A_1392, %select_n3A_1291] : memref<104x8xf32, #tpu.memory_space<vmem>>[vector<16xi32>, vector<16xi32>], vector<16xf32>,
      %add3A_1394 = arith.addf %add3A_1389, %gather3A_1393 : vector<16xf32>
      %add3A_1395 = arith.constant 40 : i32
      %add3A_1396 = vector.broadcast %add3A_1395 : i32 to vector<16xi32>
      %add3A_1397 = arith.addi %add3A_1396, %shift_right_logical3A_1294 : vector<16xi32>
      %gather3A_1398 = tpu.vector_load_idx %arg10[%add3A_1397, %select_n3A_1291] : memref<104x8xf32, #tpu.memory_space<vmem>>[vector<16xi32>, vector<16xi32>], vector<16xf32>,
      %add3A_1399 = arith.addf %add3A_1394, %gather3A_1398 : vector<16xf32>
      %add3A_1400 = arith.constant 42 : i32
      %add3A_1401 = vector.broadcast %add3A_1400 : i32 to vector<16xi32>
      %add3A_1402 = arith.addi %add3A_1401, %shift_right_logical3A_1294 : vector<16xi32>
      %gather3A_1403 = tpu.vector_load_idx %arg10[%add3A_1402, %select_n3A_1291] : memref<104x8xf32, #tpu.memory_space<vmem>>[vector<16xi32>, vector<16xi32>], vector<16xf32>,
      %add3A_1404 = arith.addf %add3A_1399, %gather3A_1403 : vector<16xf32>
      %add3A_1405 = arith.constant 44 : i32
      %add3A_1406 = vector.broadcast %add3A_1405 : i32 to vector<16xi32>
      %add3A_1407 = arith.addi %add3A_1406, %shift_right_logical3A_1294 : vector<16xi32>
      %gather3A_1408 = tpu.vector_load_idx %arg10[%add3A_1407, %select_n3A_1291] : memref<104x8xf32, #tpu.memory_space<vmem>>[vector<16xi32>, vector<16xi32>], vector<16xf32>,
      %add3A_1409 = arith.addf %add3A_1404, %gather3A_1408 : vector<16xf32>
      %add3A_1410 = arith.constant 46 : i32
      %add3A_1411 = vector.broadcast %add3A_1410 : i32 to vector<16xi32>
      %add3A_1412 = arith.addi %add3A_1411, %shift_right_logical3A_1294 : vector<16xi32>
      %gather3A_1413 = tpu.vector_load_idx %arg10[%add3A_1412, %select_n3A_1291] : memref<104x8xf32, #tpu.memory_space<vmem>>[vector<16xi32>, vector<16xi32>], vector<16xf32>,
      %add3A_1414 = arith.addf %add3A_1409, %gather3A_1413 : vector<16xf32>
      %add3A_1415 = arith.constant 48 : i32
      %add3A_1416 = vector.broadcast %add3A_1415 : i32 to vector<16xi32>
      %add3A_1417 = arith.addi %add3A_1416, %shift_right_logical3A_1294 : vector<16xi32>
      %gather3A_1418 = tpu.vector_load_idx %arg10[%add3A_1417, %select_n3A_1291] : memref<104x8xf32, #tpu.memory_space<vmem>>[vector<16xi32>, vector<16xi32>], vector<16xf32>,
      %add3A_1419 = arith.addf %add3A_1414, %gather3A_1418 : vector<16xf32>
      %add3A_1420 = arith.constant 50 : i32
      %add3A_1421 = vector.broadcast %add3A_1420 : i32 to vector<16xi32>
      %add3A_1422 = arith.addi %add3A_1421, %shift_right_logical3A_1294 : vector<16xi32>
      %gather3A_1423 = tpu.vector_load_idx %arg10[%add3A_1422, %select_n3A_1291] : memref<104x8xf32, #tpu.memory_space<vmem>>[vector<16xi32>, vector<16xi32>], vector<16xf32>,
      %add3A_1424 = arith.addf %add3A_1419, %gather3A_1423 : vector<16xf32>
      %add3A_1425 = arith.constant 52 : i32
      %add3A_1426 = vector.broadcast %add3A_1425 : i32 to vector<16xi32>
      %add3A_1427 = arith.addi %add3A_1426, %shift_right_logical3A_1294 : vector<16xi32>
      %gather3A_1428 = tpu.vector_load_idx %arg10[%add3A_1427, %select_n3A_1291] : memref<104x8xf32, #tpu.memory_space<vmem>>[vector<16xi32>, vector<16xi32>], vector<16xf32>,
      %add3A_1429 = arith.addf %add3A_1424, %gather3A_1428 : vector<16xf32>
      %add3A_1430 = arith.constant 54 : i32
      %add3A_1431 = vector.broadcast %add3A_1430 : i32 to vector<16xi32>
      %add3A_1432 = arith.addi %add3A_1431, %shift_right_logical3A_1294 : vector<16xi32>
      %gather3A_1433 = tpu.vector_load_idx %arg10[%add3A_1432, %select_n3A_1291] : memref<104x8xf32, #tpu.memory_space<vmem>>[vector<16xi32>, vector<16xi32>], vector<16xf32>,
      %add3A_1434 = arith.addf %add3A_1429, %gather3A_1433 : vector<16xf32>
      %add3A_1435 = arith.constant 56 : i32
      %add3A_1436 = vector.broadcast %add3A_1435 : i32 to vector<16xi32>
      %add3A_1437 = arith.addi %add3A_1436, %shift_right_logical3A_1294 : vector<16xi32>
      %gather3A_1438 = tpu.vector_load_idx %arg10[%add3A_1437, %select_n3A_1291] : memref<104x8xf32, #tpu.memory_space<vmem>>[vector<16xi32>, vector<16xi32>], vector<16xf32>,
      %add3A_1439 = arith.addf %add3A_1434, %gather3A_1438 : vector<16xf32>
      %add3A_1440 = arith.constant 58 : i32
      %add3A_1441 = vector.broadcast %add3A_1440 : i32 to vector<16xi32>
      %add3A_1442 = arith.addi %add3A_1441, %shift_right_logical3A_1294 : vector<16xi32>
      %gather3A_1443 = tpu.vector_load_idx %arg10[%add3A_1442, %select_n3A_1291] : memref<104x8xf32, #tpu.memory_space<vmem>>[vector<16xi32>, vector<16xi32>], vector<16xf32>,
      %add3A_1444 = arith.addf %add3A_1439, %gather3A_1443 : vector<16xf32>
      %add3A_1445 = arith.constant 60 : i32
      %add3A_1446 = vector.broadcast %add3A_1445 : i32 to vector<16xi32>
      %add3A_1447 = arith.addi %add3A_1446, %shift_right_logical3A_1294 : vector<16xi32>
      %gather3A_1448 = tpu.vector_load_idx %arg10[%add3A_1447, %select_n3A_1291] : memref<104x8xf32, #tpu.memory_space<vmem>>[vector<16xi32>, vector<16xi32>], vector<16xf32>,
      %add3A_1449 = arith.addf %add3A_1444, %gather3A_1448 : vector<16xf32>
      %add3A_1450 = arith.constant 62 : i32
      %add3A_1451 = vector.broadcast %add3A_1450 : i32 to vector<16xi32>
      %add3A_1452 = arith.addi %add3A_1451, %shift_right_logical3A_1294 : vector<16xi32>
      %gather3A_1453 = tpu.vector_load_idx %arg10[%add3A_1452, %select_n3A_1291] : memref<104x8xf32, #tpu.memory_space<vmem>>[vector<16xi32>, vector<16xi32>], vector<16xf32>,
      %add3A_1454 = arith.addf %add3A_1449, %gather3A_1453 : vector<16xf32>
      %add3A_1455 = arith.constant 64 : i32
      %add3A_1456 = vector.broadcast %add3A_1455 : i32 to vector<16xi32>
      %add3A_1457 = arith.addi %add3A_1456, %shift_right_logical3A_1294 : vector<16xi32>
      %gather3A_1458 = tpu.vector_load_idx %arg10[%add3A_1457, %select_n3A_1291] : memref<104x8xf32, #tpu.memory_space<vmem>>[vector<16xi32>, vector<16xi32>], vector<16xf32>,
      %add3A_1459 = arith.addf %add3A_1454, %gather3A_1458 : vector<16xf32>
      %add3A_1460 = arith.constant 66 : i32
      %add3A_1461 = vector.broadcast %add3A_1460 : i32 to vector<16xi32>
      %add3A_1462 = arith.addi %add3A_1461, %shift_right_logical3A_1294 : vector<16xi32>
      %gather3A_1463 = tpu.vector_load_idx %arg10[%add3A_1462, %select_n3A_1291] : memref<104x8xf32, #tpu.memory_space<vmem>>[vector<16xi32>, vector<16xi32>], vector<16xf32>,
      %add3A_1464 = arith.addf %add3A_1459, %gather3A_1463 : vector<16xf32>
      %add3A_1465 = arith.constant 68 : i32
      %add3A_1466 = vector.broadcast %add3A_1465 : i32 to vector<16xi32>
      %add3A_1467 = arith.addi %add3A_1466, %shift_right_logical3A_1294 : vector<16xi32>
      %gather3A_1468 = tpu.vector_load_idx %arg10[%add3A_1467, %select_n3A_1291] : memref<104x8xf32, #tpu.memory_space<vmem>>[vector<16xi32>, vector<16xi32>], vector<16xf32>,
      %add3A_1469 = arith.addf %add3A_1464, %gather3A_1468 : vector<16xf32>
      %add3A_1470 = arith.constant 70 : i32
      %add3A_1471 = vector.broadcast %add3A_1470 : i32 to vector<16xi32>
      %add3A_1472 = arith.addi %add3A_1471, %shift_right_logical3A_1294 : vector<16xi32>
      %gather3A_1473 = tpu.vector_load_idx %arg10[%add3A_1472, %select_n3A_1291] : memref<104x8xf32, #tpu.memory_space<vmem>>[vector<16xi32>, vector<16xi32>], vector<16xf32>,
      %add3A_1474 = arith.addf %add3A_1469, %gather3A_1473 : vector<16xf32>
      %add3A_1475 = arith.constant 72 : i32
      %add3A_1476 = vector.broadcast %add3A_1475 : i32 to vector<16xi32>
      %add3A_1477 = arith.addi %add3A_1476, %shift_right_logical3A_1294 : vector<16xi32>
      %gather3A_1478 = tpu.vector_load_idx %arg10[%add3A_1477, %select_n3A_1291] : memref<104x8xf32, #tpu.memory_space<vmem>>[vector<16xi32>, vector<16xi32>], vector<16xf32>,
      %add3A_1479 = arith.addf %add3A_1474, %gather3A_1478 : vector<16xf32>
      %add3A_1480 = arith.constant 74 : i32
      %add3A_1481 = vector.broadcast %add3A_1480 : i32 to vector<16xi32>
      %add3A_1482 = arith.addi %add3A_1481, %shift_right_logical3A_1294 : vector<16xi32>
      %gather3A_1483 = tpu.vector_load_idx %arg10[%add3A_1482, %select_n3A_1291] : memref<104x8xf32, #tpu.memory_space<vmem>>[vector<16xi32>, vector<16xi32>], vector<16xf32>,
      %add3A_1484 = arith.addf %add3A_1479, %gather3A_1483 : vector<16xf32>
      %add3A_1485 = arith.constant 76 : i32
      %add3A_1486 = vector.broadcast %add3A_1485 : i32 to vector<16xi32>
      %add3A_1487 = arith.addi %add3A_1486, %shift_right_logical3A_1294 : vector<16xi32>
      %gather3A_1488 = tpu.vector_load_idx %arg10[%add3A_1487, %select_n3A_1291] : memref<104x8xf32, #tpu.memory_space<vmem>>[vector<16xi32>, vector<16xi32>], vector<16xf32>,
      %add3A_1489 = arith.addf %add3A_1484, %gather3A_1488 : vector<16xf32>
      %add3A_1490 = arith.constant 78 : i32
      %add3A_1491 = vector.broadcast %add3A_1490 : i32 to vector<16xi32>
      %add3A_1492 = arith.addi %add3A_1491, %shift_right_logical3A_1294 : vector<16xi32>
      %gather3A_1493 = tpu.vector_load_idx %arg10[%add3A_1492, %select_n3A_1291] : memref<104x8xf32, #tpu.memory_space<vmem>>[vector<16xi32>, vector<16xi32>], vector<16xf32>,
      %add3A_1494 = arith.addf %add3A_1489, %gather3A_1493 : vector<16xf32>
      %add3A_1495 = arith.constant 80 : i32
      %add3A_1496 = vector.broadcast %add3A_1495 : i32 to vector<16xi32>
      %add3A_1497 = arith.addi %add3A_1496, %shift_right_logical3A_1294 : vector<16xi32>
      %gather3A_1498 = tpu.vector_load_idx %arg10[%add3A_1497, %select_n3A_1291] : memref<104x8xf32, #tpu.memory_space<vmem>>[vector<16xi32>, vector<16xi32>], vector<16xf32>,
      %add3A_1499 = arith.addf %add3A_1494, %gather3A_1498 : vector<16xf32>
      %add3A_1500 = arith.constant 82 : i32
      %add3A_1501 = vector.broadcast %add3A_1500 : i32 to vector<16xi32>
      %add3A_1502 = arith.addi %add3A_1501, %shift_right_logical3A_1294 : vector<16xi32>
      %gather3A_1503 = tpu.vector_load_idx %arg10[%add3A_1502, %select_n3A_1291] : memref<104x8xf32, #tpu.memory_space<vmem>>[vector<16xi32>, vector<16xi32>], vector<16xf32>,
      %add3A_1504 = arith.addf %add3A_1499, %gather3A_1503 : vector<16xf32>
      %add3A_1505 = arith.constant 84 : i32
      %add3A_1506 = vector.broadcast %add3A_1505 : i32 to vector<16xi32>
      %add3A_1507 = arith.addi %add3A_1506, %shift_right_logical3A_1294 : vector<16xi32>
      %gather3A_1508 = tpu.vector_load_idx %arg10[%add3A_1507, %select_n3A_1291] : memref<104x8xf32, #tpu.memory_space<vmem>>[vector<16xi32>, vector<16xi32>], vector<16xf32>,
      %add3A_1509 = arith.addf %add3A_1504, %gather3A_1508 : vector<16xf32>
      %add3A_1510 = arith.constant 86 : i32
      %add3A_1511 = vector.broadcast %add3A_1510 : i32 to vector<16xi32>
      %add3A_1512 = arith.addi %add3A_1511, %shift_right_logical3A_1294 : vector<16xi32>
      %gather3A_1513 = tpu.vector_load_idx %arg10[%add3A_1512, %select_n3A_1291] : memref<104x8xf32, #tpu.memory_space<vmem>>[vector<16xi32>, vector<16xi32>], vector<16xf32>,
      %add3A_1514 = arith.addf %add3A_1509, %gather3A_1513 : vector<16xf32>
      %add3A_1515 = arith.constant 88 : i32
      %add3A_1516 = vector.broadcast %add3A_1515 : i32 to vector<16xi32>
      %add3A_1517 = arith.addi %add3A_1516, %shift_right_logical3A_1294 : vector<16xi32>
      %gather3A_1518 = tpu.vector_load_idx %arg10[%add3A_1517, %select_n3A_1291] : memref<104x8xf32, #tpu.memory_space<vmem>>[vector<16xi32>, vector<16xi32>], vector<16xf32>,
      %add3A_1519 = arith.addf %add3A_1514, %gather3A_1518 : vector<16xf32>
      %add3A_1520 = arith.constant 90 : i32
      %add3A_1521 = vector.broadcast %add3A_1520 : i32 to vector<16xi32>
      %add3A_1522 = arith.addi %add3A_1521, %shift_right_logical3A_1294 : vector<16xi32>
      %gather3A_1523 = tpu.vector_load_idx %arg10[%add3A_1522, %select_n3A_1291] : memref<104x8xf32, #tpu.memory_space<vmem>>[vector<16xi32>, vector<16xi32>], vector<16xf32>,
      %add3A_1524 = arith.addf %add3A_1519, %gather3A_1523 : vector<16xf32>
      %add3A_1525 = arith.constant 92 : i32
      %add3A_1526 = vector.broadcast %add3A_1525 : i32 to vector<16xi32>
      %add3A_1527 = arith.addi %add3A_1526, %shift_right_logical3A_1294 : vector<16xi32>
      %gather3A_1528 = tpu.vector_load_idx %arg10[%add3A_1527, %select_n3A_1291] : memref<104x8xf32, #tpu.memory_space<vmem>>[vector<16xi32>, vector<16xi32>], vector<16xf32>,
      %add3A_1529 = arith.addf %add3A_1524, %gather3A_1528 : vector<16xf32>
      %add3A_1530 = arith.constant 94 : i32
      %add3A_1531 = vector.broadcast %add3A_1530 : i32 to vector<16xi32>
      %add3A_1532 = arith.addi %add3A_1531, %shift_right_logical3A_1294 : vector<16xi32>
      %gather3A_1533 = tpu.vector_load_idx %arg10[%add3A_1532, %select_n3A_1291] : memref<104x8xf32, #tpu.memory_space<vmem>>[vector<16xi32>, vector<16xi32>], vector<16xf32>,
      %add3A_1534 = arith.addf %add3A_1529, %gather3A_1533 : vector<16xf32>
      %add3A_1535 = arith.constant 96 : i32
      %add3A_1536 = vector.broadcast %add3A_1535 : i32 to vector<16xi32>
      %add3A_1537 = arith.addi %add3A_1536, %shift_right_logical3A_1294 : vector<16xi32>
      %gather3A_1538 = tpu.vector_load_idx %arg10[%add3A_1537, %select_n3A_1291] : memref<104x8xf32, #tpu.memory_space<vmem>>[vector<16xi32>, vector<16xi32>], vector<16xf32>,
      %add3A_1539 = arith.addf %add3A_1534, %gather3A_1538 : vector<16xf32>
      %add3A_1540 = arith.constant 98 : i32
      %add3A_1541 = vector.broadcast %add3A_1540 : i32 to vector<16xi32>
      %add3A_1542 = arith.addi %add3A_1541, %shift_right_logical3A_1294 : vector<16xi32>
      %gather3A_1543 = tpu.vector_load_idx %arg10[%add3A_1542, %select_n3A_1291] : memref<104x8xf32, #tpu.memory_space<vmem>>[vector<16xi32>, vector<16xi32>], vector<16xf32>,
      %add3A_1544 = arith.addf %add3A_1539, %gather3A_1543 : vector<16xf32>
      %add3A_1545 = arith.constant 100 : i32
      %add3A_1546 = vector.broadcast %add3A_1545 : i32 to vector<16xi32>
      %add3A_1547 = arith.addi %add3A_1546, %shift_right_logical3A_1294 : vector<16xi32>
      %gather3A_1548 = tpu.vector_load_idx %arg10[%add3A_1547, %select_n3A_1291] : memref<104x8xf32, #tpu.memory_space<vmem>>[vector<16xi32>, vector<16xi32>], vector<16xf32>,
      %add3A_1549 = arith.addf %add3A_1544, %gather3A_1548 : vector<16xf32>
      %add3A_1550 = arith.constant 102 : i32
      %add3A_1551 = vector.broadcast %add3A_1550 : i32 to vector<16xi32>
      %add3A_1552 = arith.addi %add3A_1551, %shift_right_logical3A_1294 : vector<16xi32>
      %gather3A_1553 = tpu.vector_load_idx %arg10[%add3A_1552, %select_n3A_1291] : memref<104x8xf32, #tpu.memory_space<vmem>>[vector<16xi32>, vector<16xi32>], vector<16xf32>,
      %add3A_1554 = arith.addf %add3A_1549, %gather3A_1553 : vector<16xf32>
      %mul3A_1555 = arith.constant 8 : i32
      %mul3A_1556 = arith.muli %scan3A_57, %mul3A_1555 : i32
      %add3A_1557 = arith.constant 5 : i32
      %add3A_1558 = arith.addi %mul3A_1556, %add3A_1557 : i32
      %add3A_1559 = arith.constant 8 : i32
      %add3A_1560 = arith.addi %add3A_1558, %add3A_1559 : i32
      %sub3A_1561 = arith.constant 1 : i32
      %sub3A_1562 = arith.subi %add3A_1560, %sub3A_1561 : i32
      %lt3A_1563 = arith.constant 256 : i32
      %lt3A_1564 = arith.cmpi slt, %sub3A_1562, %lt3A_1563 : i32
      %convert_element_type3A_1565 = arith.extui %lt3A_1564 : i1 to i32
      %cond3A_1566 = arith.constant 0 : i32
      %cond3A_1567 = arith.cmpi ne, %convert_element_type3A_1565, %cond3A_1566 : i32
      scf.if %cond3A_1567 {
        %shift_right_logical3A_2450 = arith.constant 1 : i32
        %shift_right_logical3A_2451 = arith.shrui %sub3A_1562, %shift_right_logical3A_2450 : i32
        %dma_start3A_2452 = arith.constant 0 : i32
        %dma_start3A_2453 = tpu.memref_slice %arg5[%shift_right_logical3A_2451, %dma_start3A_2452] : memref<128x200xi32, #tpu.memory_space<vmem>> -> memref<1x104xi32, #tpu.memory_space<vmem>>
        %dma_start3A_2454 = tpu.memref_squeeze %dma_start3A_2453 : memref<1x104xi32, #tpu.memory_space<vmem>> -> memref<104xi32, #tpu.memory_space<vmem>>
        %dma_start3A_2455 = arith.constant 0 : i32
        %dma_start3A_2456 = arith.constant 0 : i32
        %dma_start3A_2457 = tpu.memref_slice %arg3[%dma_start3A_2455, %dma_start3A_2456] : memref<1048576x8xf32, #tpu.memory_space<hbm>> -> memref<1048576x8xf32, #tpu.memory_space<hbm>>
        tpu.enqueue_indirect_dma source(%dma_start3A_2457 : memref<1048576x8xf32, #tpu.memory_space<hbm>>) target(%arg10 : memref<104x8xf32, #tpu.memory_space<vmem>>) offsets(%dma_start3A_2454 : memref<104xi32, #tpu.memory_space<vmem>>) semaphore(%arg19 : memref<!tpu.dma_semaphore, #tpu.memory_space<semaphore_mem>>)
      } else {
      }
      %dma_wait3A_1568 = arith.constant 0 : i32
      %dma_wait3A_1569 = arith.constant 104 : i32
      %dma_wait3A_1570 = tpu.memref_slice %arg5[%dma_wait3A_1568, %dma_wait3A_1569] : memref<128x200xi32, #tpu.memory_space<vmem>> -> memref<1x96xi32, #tpu.memory_space<vmem>>
      %dma_wait3A_1571 = tpu.memref_squeeze %dma_wait3A_1570 : memref<1x96xi32, #tpu.memory_space<vmem>> -> memref<96xi32, #tpu.memory_space<vmem>>
      %dma_wait3A_1572 = arith.constant 0 : i32
      %dma_wait3A_1573 = arith.constant 0 : i32
      %dma_wait3A_1574 = tpu.memref_slice %arg3[%dma_wait3A_1572, %dma_wait3A_1573] : memref<1048576x8xf32, #tpu.memory_space<hbm>> -> memref<1048576x8xf32, #tpu.memory_space<hbm>>
      tpu.wait_indirect_dma semaphore(%arg20 : memref<!tpu.dma_semaphore, #tpu.memory_space<semaphore_mem>>) src(%dma_wait3A_1574 : memref<1048576x8xf32, #tpu.memory_space<hbm>>) dst(%arg11 : memref<96x8xf32, #tpu.memory_space<vmem>>)
      %iota3A_1575 = tpu.iota {dimensions = array<i32: 0>} : vector<16xi32>
      %jit3A_1576 = arith.constant 8 : i32
      %eq3A_1577 = arith.constant 0 : i32
      %eq3A_1578 = arith.cmpi eq, %jit3A_1576, %eq3A_1577 : i32
      %jit3A_1579 = arith.constant 1 : i32
      %select_n3A_1580 = arith.select %eq3A_1578, %jit3A_1579, %jit3A_1576 : i32
      %rem3A_1581 = vector.broadcast %select_n3A_1580 : i32 to vector<16xi32>
      %rem3A_1582 = arith.remsi %iota3A_1575, %rem3A_1581 : vector<16xi32>
      %ne3A_1583 = arith.constant 0 : i32
      %ne3A_1584 = vector.broadcast %ne3A_1583 : i32 to vector<16xi32>
      %ne3A_1585 = arith.cmpi ne, %rem3A_1582, %ne3A_1584 : vector<16xi32>
      %lt3A_1586 = arith.constant 0 : i32
      %lt3A_1587 = vector.broadcast %lt3A_1586 : i32 to vector<16xi32>
      %lt3A_1588 = arith.cmpi slt, %rem3A_1582, %lt3A_1587 : vector<16xi32>
      %lt3A_1589 = arith.constant 0 : i32
      %lt3A_1590 = arith.cmpi slt, %select_n3A_1580, %lt3A_1589 : i32
      %ne3A_1591 = vector.broadcast %lt3A_1590 : i1 to vector<16xi1>
      %ne3A_1592 = vector.broadcast %ne3A_1591 : vector<16xi1> to vector<16xi1>
      %ne3A_1593 = arith.xori %lt3A_1588, %ne3A_1592 : vector<16xi1>
      %and3A_1594 = arith.andi %ne3A_1593, %ne3A_1585 : vector<16xi1>
      %add3A_1595 = vector.broadcast %select_n3A_1580 : i32 to vector<16xi32>
      %add3A_1596 = arith.addi %rem3A_1582, %add3A_1595 : vector<16xi32>
      %select_n3A_1597 = arith.select %and3A_1594, %add3A_1596, %rem3A_1582 : vector<16xi1>, vector<16xi32>
      %shift_right_logical3A_1598 = arith.constant 3 : i32
      %shift_right_logical3A_1599 = vector.broadcast %shift_right_logical3A_1598 : i32 to vector<16xi32>
      %shift_right_logical3A_1600 = arith.shrui %iota3A_1575, %shift_right_logical3A_1599 : vector<16xi32>
      %add3A_1601 = arith.constant 0 : i32
      %add3A_1602 = vector.broadcast %add3A_1601 : i32 to vector<16xi32>
      %add3A_1603 = arith.addi %add3A_1602, %shift_right_logical3A_1600 : vector<16xi32>
      %gather3A_1604 = tpu.vector_load_idx %arg11[%add3A_1603, %select_n3A_1597] : memref<96x8xf32, #tpu.memory_space<vmem>>[vector<16xi32>, vector<16xi32>], vector<16xf32>,
      %add3A_1605 = arith.addf %add3A_1554, %gather3A_1604 : vector<16xf32>
      %add3A_1606 = arith.constant 2 : i32
      %add3A_1607 = vector.broadcast %add3A_1606 : i32 to vector<16xi32>
      %add3A_1608 = arith.addi %add3A_1607, %shift_right_logical3A_1600 : vector<16xi32>
      %gather3A_1609 = tpu.vector_load_idx %arg11[%add3A_1608, %select_n3A_1597] : memref<96x8xf32, #tpu.memory_space<vmem>>[vector<16xi32>, vector<16xi32>], vector<16xf32>,
      %add3A_1610 = arith.addf %add3A_1605, %gather3A_1609 : vector<16xf32>
      %add3A_1611 = arith.constant 4 : i32
      %add3A_1612 = vector.broadcast %add3A_1611 : i32 to vector<16xi32>
      %add3A_1613 = arith.addi %add3A_1612, %shift_right_logical3A_1600 : vector<16xi32>
      %gather3A_1614 = tpu.vector_load_idx %arg11[%add3A_1613, %select_n3A_1597] : memref<96x8xf32, #tpu.memory_space<vmem>>[vector<16xi32>, vector<16xi32>], vector<16xf32>,
      %add3A_1615 = arith.addf %add3A_1610, %gather3A_1614 : vector<16xf32>
      %add3A_1616 = arith.constant 6 : i32
      %add3A_1617 = vector.broadcast %add3A_1616 : i32 to vector<16xi32>
      %add3A_1618 = arith.addi %add3A_1617, %shift_right_logical3A_1600 : vector<16xi32>
      %gather3A_1619 = tpu.vector_load_idx %arg11[%add3A_1618, %select_n3A_1597] : memref<96x8xf32, #tpu.memory_space<vmem>>[vector<16xi32>, vector<16xi32>], vector<16xf32>,
      %add3A_1620 = arith.addf %add3A_1615, %gather3A_1619 : vector<16xf32>
      %add3A_1621 = arith.constant 8 : i32
      %add3A_1622 = vector.broadcast %add3A_1621 : i32 to vector<16xi32>
      %add3A_1623 = arith.addi %add3A_1622, %shift_right_logical3A_1600 : vector<16xi32>
      %gather3A_1624 = tpu.vector_load_idx %arg11[%add3A_1623, %select_n3A_1597] : memref<96x8xf32, #tpu.memory_space<vmem>>[vector<16xi32>, vector<16xi32>], vector<16xf32>,
      %add3A_1625 = arith.addf %add3A_1620, %gather3A_1624 : vector<16xf32>
      %add3A_1626 = arith.constant 10 : i32
      %add3A_1627 = vector.broadcast %add3A_1626 : i32 to vector<16xi32>
      %add3A_1628 = arith.addi %add3A_1627, %shift_right_logical3A_1600 : vector<16xi32>
      %gather3A_1629 = tpu.vector_load_idx %arg11[%add3A_1628, %select_n3A_1597] : memref<96x8xf32, #tpu.memory_space<vmem>>[vector<16xi32>, vector<16xi32>], vector<16xf32>,
      %add3A_1630 = arith.addf %add3A_1625, %gather3A_1629 : vector<16xf32>
      %add3A_1631 = arith.constant 12 : i32
      %add3A_1632 = vector.broadcast %add3A_1631 : i32 to vector<16xi32>
      %add3A_1633 = arith.addi %add3A_1632, %shift_right_logical3A_1600 : vector<16xi32>
      %gather3A_1634 = tpu.vector_load_idx %arg11[%add3A_1633, %select_n3A_1597] : memref<96x8xf32, #tpu.memory_space<vmem>>[vector<16xi32>, vector<16xi32>], vector<16xf32>,
      %add3A_1635 = arith.addf %add3A_1630, %gather3A_1634 : vector<16xf32>
      %add3A_1636 = arith.constant 14 : i32
      %add3A_1637 = vector.broadcast %add3A_1636 : i32 to vector<16xi32>
      %add3A_1638 = arith.addi %add3A_1637, %shift_right_logical3A_1600 : vector<16xi32>
      %gather3A_1639 = tpu.vector_load_idx %arg11[%add3A_1638, %select_n3A_1597] : memref<96x8xf32, #tpu.memory_space<vmem>>[vector<16xi32>, vector<16xi32>], vector<16xf32>,
      %add3A_1640 = arith.addf %add3A_1635, %gather3A_1639 : vector<16xf32>
      %add3A_1641 = arith.constant 16 : i32
      %add3A_1642 = vector.broadcast %add3A_1641 : i32 to vector<16xi32>
      %add3A_1643 = arith.addi %add3A_1642, %shift_right_logical3A_1600 : vector<16xi32>
      %gather3A_1644 = tpu.vector_load_idx %arg11[%add3A_1643, %select_n3A_1597] : memref<96x8xf32, #tpu.memory_space<vmem>>[vector<16xi32>, vector<16xi32>], vector<16xf32>,
      %add3A_1645 = arith.addf %add3A_1640, %gather3A_1644 : vector<16xf32>
      %add3A_1646 = arith.constant 18 : i32
      %add3A_1647 = vector.broadcast %add3A_1646 : i32 to vector<16xi32>
      %add3A_1648 = arith.addi %add3A_1647, %shift_right_logical3A_1600 : vector<16xi32>
      %gather3A_1649 = tpu.vector_load_idx %arg11[%add3A_1648, %select_n3A_1597] : memref<96x8xf32, #tpu.memory_space<vmem>>[vector<16xi32>, vector<16xi32>], vector<16xf32>,
      %add3A_1650 = arith.addf %add3A_1645, %gather3A_1649 : vector<16xf32>
      %add3A_1651 = arith.constant 20 : i32
      %add3A_1652 = vector.broadcast %add3A_1651 : i32 to vector<16xi32>
      %add3A_1653 = arith.addi %add3A_1652, %shift_right_logical3A_1600 : vector<16xi32>
      %gather3A_1654 = tpu.vector_load_idx %arg11[%add3A_1653, %select_n3A_1597] : memref<96x8xf32, #tpu.memory_space<vmem>>[vector<16xi32>, vector<16xi32>], vector<16xf32>,
      %add3A_1655 = arith.addf %add3A_1650, %gather3A_1654 : vector<16xf32>
      %add3A_1656 = arith.constant 22 : i32
      %add3A_1657 = vector.broadcast %add3A_1656 : i32 to vector<16xi32>
      %add3A_1658 = arith.addi %add3A_1657, %shift_right_logical3A_1600 : vector<16xi32>
      %gather3A_1659 = tpu.vector_load_idx %arg11[%add3A_1658, %select_n3A_1597] : memref<96x8xf32, #tpu.memory_space<vmem>>[vector<16xi32>, vector<16xi32>], vector<16xf32>,
      %add3A_1660 = arith.addf %add3A_1655, %gather3A_1659 : vector<16xf32>
      %add3A_1661 = arith.constant 24 : i32
      %add3A_1662 = vector.broadcast %add3A_1661 : i32 to vector<16xi32>
      %add3A_1663 = arith.addi %add3A_1662, %shift_right_logical3A_1600 : vector<16xi32>
      %gather3A_1664 = tpu.vector_load_idx %arg11[%add3A_1663, %select_n3A_1597] : memref<96x8xf32, #tpu.memory_space<vmem>>[vector<16xi32>, vector<16xi32>], vector<16xf32>,
      %add3A_1665 = arith.addf %add3A_1660, %gather3A_1664 : vector<16xf32>
      %add3A_1666 = arith.constant 26 : i32
      %add3A_1667 = vector.broadcast %add3A_1666 : i32 to vector<16xi32>
      %add3A_1668 = arith.addi %add3A_1667, %shift_right_logical3A_1600 : vector<16xi32>
      %gather3A_1669 = tpu.vector_load_idx %arg11[%add3A_1668, %select_n3A_1597] : memref<96x8xf32, #tpu.memory_space<vmem>>[vector<16xi32>, vector<16xi32>], vector<16xf32>,
      %add3A_1670 = arith.addf %add3A_1665, %gather3A_1669 : vector<16xf32>
      %add3A_1671 = arith.constant 28 : i32
      %add3A_1672 = vector.broadcast %add3A_1671 : i32 to vector<16xi32>
      %add3A_1673 = arith.addi %add3A_1672, %shift_right_logical3A_1600 : vector<16xi32>
      %gather3A_1674 = tpu.vector_load_idx %arg11[%add3A_1673, %select_n3A_1597] : memref<96x8xf32, #tpu.memory_space<vmem>>[vector<16xi32>, vector<16xi32>], vector<16xf32>,
      %add3A_1675 = arith.addf %add3A_1670, %gather3A_1674 : vector<16xf32>
      %add3A_1676 = arith.constant 30 : i32
      %add3A_1677 = vector.broadcast %add3A_1676 : i32 to vector<16xi32>
      %add3A_1678 = arith.addi %add3A_1677, %shift_right_logical3A_1600 : vector<16xi32>
      %gather3A_1679 = tpu.vector_load_idx %arg11[%add3A_1678, %select_n3A_1597] : memref<96x8xf32, #tpu.memory_space<vmem>>[vector<16xi32>, vector<16xi32>], vector<16xf32>,
      %add3A_1680 = arith.addf %add3A_1675, %gather3A_1679 : vector<16xf32>
      %add3A_1681 = arith.constant 32 : i32
      %add3A_1682 = vector.broadcast %add3A_1681 : i32 to vector<16xi32>
      %add3A_1683 = arith.addi %add3A_1682, %shift_right_logical3A_1600 : vector<16xi32>
      %gather3A_1684 = tpu.vector_load_idx %arg11[%add3A_1683, %select_n3A_1597] : memref<96x8xf32, #tpu.memory_space<vmem>>[vector<16xi32>, vector<16xi32>], vector<16xf32>,
      %add3A_1685 = arith.addf %add3A_1680, %gather3A_1684 : vector<16xf32>
      %add3A_1686 = arith.constant 34 : i32
      %add3A_1687 = vector.broadcast %add3A_1686 : i32 to vector<16xi32>
      %add3A_1688 = arith.addi %add3A_1687, %shift_right_logical3A_1600 : vector<16xi32>
      %gather3A_1689 = tpu.vector_load_idx %arg11[%add3A_1688, %select_n3A_1597] : memref<96x8xf32, #tpu.memory_space<vmem>>[vector<16xi32>, vector<16xi32>], vector<16xf32>,
      %add3A_1690 = arith.addf %add3A_1685, %gather3A_1689 : vector<16xf32>
      %add3A_1691 = arith.constant 36 : i32
      %add3A_1692 = vector.broadcast %add3A_1691 : i32 to vector<16xi32>
      %add3A_1693 = arith.addi %add3A_1692, %shift_right_logical3A_1600 : vector<16xi32>
      %gather3A_1694 = tpu.vector_load_idx %arg11[%add3A_1693, %select_n3A_1597] : memref<96x8xf32, #tpu.memory_space<vmem>>[vector<16xi32>, vector<16xi32>], vector<16xf32>,
      %add3A_1695 = arith.addf %add3A_1690, %gather3A_1694 : vector<16xf32>
      %add3A_1696 = arith.constant 38 : i32
      %add3A_1697 = vector.broadcast %add3A_1696 : i32 to vector<16xi32>
      %add3A_1698 = arith.addi %add3A_1697, %shift_right_logical3A_1600 : vector<16xi32>
      %gather3A_1699 = tpu.vector_load_idx %arg11[%add3A_1698, %select_n3A_1597] : memref<96x8xf32, #tpu.memory_space<vmem>>[vector<16xi32>, vector<16xi32>], vector<16xf32>,
      %add3A_1700 = arith.addf %add3A_1695, %gather3A_1699 : vector<16xf32>
      %add3A_1701 = arith.constant 40 : i32
      %add3A_1702 = vector.broadcast %add3A_1701 : i32 to vector<16xi32>
      %add3A_1703 = arith.addi %add3A_1702, %shift_right_logical3A_1600 : vector<16xi32>
      %gather3A_1704 = tpu.vector_load_idx %arg11[%add3A_1703, %select_n3A_1597] : memref<96x8xf32, #tpu.memory_space<vmem>>[vector<16xi32>, vector<16xi32>], vector<16xf32>,
      %add3A_1705 = arith.addf %add3A_1700, %gather3A_1704 : vector<16xf32>
      %add3A_1706 = arith.constant 42 : i32
      %add3A_1707 = vector.broadcast %add3A_1706 : i32 to vector<16xi32>
      %add3A_1708 = arith.addi %add3A_1707, %shift_right_logical3A_1600 : vector<16xi32>
      %gather3A_1709 = tpu.vector_load_idx %arg11[%add3A_1708, %select_n3A_1597] : memref<96x8xf32, #tpu.memory_space<vmem>>[vector<16xi32>, vector<16xi32>], vector<16xf32>,
      %add3A_1710 = arith.addf %add3A_1705, %gather3A_1709 : vector<16xf32>
      %add3A_1711 = arith.constant 44 : i32
      %add3A_1712 = vector.broadcast %add3A_1711 : i32 to vector<16xi32>
      %add3A_1713 = arith.addi %add3A_1712, %shift_right_logical3A_1600 : vector<16xi32>
      %gather3A_1714 = tpu.vector_load_idx %arg11[%add3A_1713, %select_n3A_1597] : memref<96x8xf32, #tpu.memory_space<vmem>>[vector<16xi32>, vector<16xi32>], vector<16xf32>,
      %add3A_1715 = arith.addf %add3A_1710, %gather3A_1714 : vector<16xf32>
      %add3A_1716 = arith.constant 46 : i32
      %add3A_1717 = vector.broadcast %add3A_1716 : i32 to vector<16xi32>
      %add3A_1718 = arith.addi %add3A_1717, %shift_right_logical3A_1600 : vector<16xi32>
      %gather3A_1719 = tpu.vector_load_idx %arg11[%add3A_1718, %select_n3A_1597] : memref<96x8xf32, #tpu.memory_space<vmem>>[vector<16xi32>, vector<16xi32>], vector<16xf32>,
      %add3A_1720 = arith.addf %add3A_1715, %gather3A_1719 : vector<16xf32>
      %add3A_1721 = arith.constant 48 : i32
      %add3A_1722 = vector.broadcast %add3A_1721 : i32 to vector<16xi32>
      %add3A_1723 = arith.addi %add3A_1722, %shift_right_logical3A_1600 : vector<16xi32>
      %gather3A_1724 = tpu.vector_load_idx %arg11[%add3A_1723, %select_n3A_1597] : memref<96x8xf32, #tpu.memory_space<vmem>>[vector<16xi32>, vector<16xi32>], vector<16xf32>,
      %add3A_1725 = arith.addf %add3A_1720, %gather3A_1724 : vector<16xf32>
      %add3A_1726 = arith.constant 50 : i32
      %add3A_1727 = vector.broadcast %add3A_1726 : i32 to vector<16xi32>
      %add3A_1728 = arith.addi %add3A_1727, %shift_right_logical3A_1600 : vector<16xi32>
      %gather3A_1729 = tpu.vector_load_idx %arg11[%add3A_1728, %select_n3A_1597] : memref<96x8xf32, #tpu.memory_space<vmem>>[vector<16xi32>, vector<16xi32>], vector<16xf32>,
      %add3A_1730 = arith.addf %add3A_1725, %gather3A_1729 : vector<16xf32>
      %add3A_1731 = arith.constant 52 : i32
      %add3A_1732 = vector.broadcast %add3A_1731 : i32 to vector<16xi32>
      %add3A_1733 = arith.addi %add3A_1732, %shift_right_logical3A_1600 : vector<16xi32>
      %gather3A_1734 = tpu.vector_load_idx %arg11[%add3A_1733, %select_n3A_1597] : memref<96x8xf32, #tpu.memory_space<vmem>>[vector<16xi32>, vector<16xi32>], vector<16xf32>,
      %add3A_1735 = arith.addf %add3A_1730, %gather3A_1734 : vector<16xf32>
      %add3A_1736 = arith.constant 54 : i32
      %add3A_1737 = vector.broadcast %add3A_1736 : i32 to vector<16xi32>
      %add3A_1738 = arith.addi %add3A_1737, %shift_right_logical3A_1600 : vector<16xi32>
      %gather3A_1739 = tpu.vector_load_idx %arg11[%add3A_1738, %select_n3A_1597] : memref<96x8xf32, #tpu.memory_space<vmem>>[vector<16xi32>, vector<16xi32>], vector<16xf32>,
      %add3A_1740 = arith.addf %add3A_1735, %gather3A_1739 : vector<16xf32>
      %add3A_1741 = arith.constant 56 : i32
      %add3A_1742 = vector.broadcast %add3A_1741 : i32 to vector<16xi32>
      %add3A_1743 = arith.addi %add3A_1742, %shift_right_logical3A_1600 : vector<16xi32>
      %gather3A_1744 = tpu.vector_load_idx %arg11[%add3A_1743, %select_n3A_1597] : memref<96x8xf32, #tpu.memory_space<vmem>>[vector<16xi32>, vector<16xi32>], vector<16xf32>,
      %add3A_1745 = arith.addf %add3A_1740, %gather3A_1744 : vector<16xf32>
      %add3A_1746 = arith.constant 58 : i32
      %add3A_1747 = vector.broadcast %add3A_1746 : i32 to vector<16xi32>
      %add3A_1748 = arith.addi %add3A_1747, %shift_right_logical3A_1600 : vector<16xi32>
      %gather3A_1749 = tpu.vector_load_idx %arg11[%add3A_1748, %select_n3A_1597] : memref<96x8xf32, #tpu.memory_space<vmem>>[vector<16xi32>, vector<16xi32>], vector<16xf32>,
      %add3A_1750 = arith.addf %add3A_1745, %gather3A_1749 : vector<16xf32>
      %add3A_1751 = arith.constant 60 : i32
      %add3A_1752 = vector.broadcast %add3A_1751 : i32 to vector<16xi32>
      %add3A_1753 = arith.addi %add3A_1752, %shift_right_logical3A_1600 : vector<16xi32>
      %gather3A_1754 = tpu.vector_load_idx %arg11[%add3A_1753, %select_n3A_1597] : memref<96x8xf32, #tpu.memory_space<vmem>>[vector<16xi32>, vector<16xi32>], vector<16xf32>,
      %add3A_1755 = arith.addf %add3A_1750, %gather3A_1754 : vector<16xf32>
      %add3A_1756 = arith.constant 62 : i32
      %add3A_1757 = vector.broadcast %add3A_1756 : i32 to vector<16xi32>
      %add3A_1758 = arith.addi %add3A_1757, %shift_right_logical3A_1600 : vector<16xi32>
      %gather3A_1759 = tpu.vector_load_idx %arg11[%add3A_1758, %select_n3A_1597] : memref<96x8xf32, #tpu.memory_space<vmem>>[vector<16xi32>, vector<16xi32>], vector<16xf32>,
      %add3A_1760 = arith.addf %add3A_1755, %gather3A_1759 : vector<16xf32>
      %add3A_1761 = arith.constant 64 : i32
      %add3A_1762 = vector.broadcast %add3A_1761 : i32 to vector<16xi32>
      %add3A_1763 = arith.addi %add3A_1762, %shift_right_logical3A_1600 : vector<16xi32>
      %gather3A_1764 = tpu.vector_load_idx %arg11[%add3A_1763, %select_n3A_1597] : memref<96x8xf32, #tpu.memory_space<vmem>>[vector<16xi32>, vector<16xi32>], vector<16xf32>,
      %add3A_1765 = arith.addf %add3A_1760, %gather3A_1764 : vector<16xf32>
      %add3A_1766 = arith.constant 66 : i32
      %add3A_1767 = vector.broadcast %add3A_1766 : i32 to vector<16xi32>
      %add3A_1768 = arith.addi %add3A_1767, %shift_right_logical3A_1600 : vector<16xi32>
      %gather3A_1769 = tpu.vector_load_idx %arg11[%add3A_1768, %select_n3A_1597] : memref<96x8xf32, #tpu.memory_space<vmem>>[vector<16xi32>, vector<16xi32>], vector<16xf32>,
      %add3A_1770 = arith.addf %add3A_1765, %gather3A_1769 : vector<16xf32>
      %add3A_1771 = arith.constant 68 : i32
      %add3A_1772 = vector.broadcast %add3A_1771 : i32 to vector<16xi32>
      %add3A_1773 = arith.addi %add3A_1772, %shift_right_logical3A_1600 : vector<16xi32>
      %gather3A_1774 = tpu.vector_load_idx %arg11[%add3A_1773, %select_n3A_1597] : memref<96x8xf32, #tpu.memory_space<vmem>>[vector<16xi32>, vector<16xi32>], vector<16xf32>,
      %add3A_1775 = arith.addf %add3A_1770, %gather3A_1774 : vector<16xf32>
      %add3A_1776 = arith.constant 70 : i32
      %add3A_1777 = vector.broadcast %add3A_1776 : i32 to vector<16xi32>
      %add3A_1778 = arith.addi %add3A_1777, %shift_right_logical3A_1600 : vector<16xi32>
      %gather3A_1779 = tpu.vector_load_idx %arg11[%add3A_1778, %select_n3A_1597] : memref<96x8xf32, #tpu.memory_space<vmem>>[vector<16xi32>, vector<16xi32>], vector<16xf32>,
      %add3A_1780 = arith.addf %add3A_1775, %gather3A_1779 : vector<16xf32>
      %add3A_1781 = arith.constant 72 : i32
      %add3A_1782 = vector.broadcast %add3A_1781 : i32 to vector<16xi32>
      %add3A_1783 = arith.addi %add3A_1782, %shift_right_logical3A_1600 : vector<16xi32>
      %gather3A_1784 = tpu.vector_load_idx %arg11[%add3A_1783, %select_n3A_1597] : memref<96x8xf32, #tpu.memory_space<vmem>>[vector<16xi32>, vector<16xi32>], vector<16xf32>,
      %add3A_1785 = arith.addf %add3A_1780, %gather3A_1784 : vector<16xf32>
      %add3A_1786 = arith.constant 74 : i32
      %add3A_1787 = vector.broadcast %add3A_1786 : i32 to vector<16xi32>
      %add3A_1788 = arith.addi %add3A_1787, %shift_right_logical3A_1600 : vector<16xi32>
      %gather3A_1789 = tpu.vector_load_idx %arg11[%add3A_1788, %select_n3A_1597] : memref<96x8xf32, #tpu.memory_space<vmem>>[vector<16xi32>, vector<16xi32>], vector<16xf32>,
      %add3A_1790 = arith.addf %add3A_1785, %gather3A_1789 : vector<16xf32>
      %add3A_1791 = arith.constant 76 : i32
      %add3A_1792 = vector.broadcast %add3A_1791 : i32 to vector<16xi32>
      %add3A_1793 = arith.addi %add3A_1792, %shift_right_logical3A_1600 : vector<16xi32>
      %gather3A_1794 = tpu.vector_load_idx %arg11[%add3A_1793, %select_n3A_1597] : memref<96x8xf32, #tpu.memory_space<vmem>>[vector<16xi32>, vector<16xi32>], vector<16xf32>,
      %add3A_1795 = arith.addf %add3A_1790, %gather3A_1794 : vector<16xf32>
      %add3A_1796 = arith.constant 78 : i32
      %add3A_1797 = vector.broadcast %add3A_1796 : i32 to vector<16xi32>
      %add3A_1798 = arith.addi %add3A_1797, %shift_right_logical3A_1600 : vector<16xi32>
      %gather3A_1799 = tpu.vector_load_idx %arg11[%add3A_1798, %select_n3A_1597] : memref<96x8xf32, #tpu.memory_space<vmem>>[vector<16xi32>, vector<16xi32>], vector<16xf32>,
      %add3A_1800 = arith.addf %add3A_1795, %gather3A_1799 : vector<16xf32>
      %add3A_1801 = arith.constant 80 : i32
      %add3A_1802 = vector.broadcast %add3A_1801 : i32 to vector<16xi32>
      %add3A_1803 = arith.addi %add3A_1802, %shift_right_logical3A_1600 : vector<16xi32>
      %gather3A_1804 = tpu.vector_load_idx %arg11[%add3A_1803, %select_n3A_1597] : memref<96x8xf32, #tpu.memory_space<vmem>>[vector<16xi32>, vector<16xi32>], vector<16xf32>,
      %add3A_1805 = arith.addf %add3A_1800, %gather3A_1804 : vector<16xf32>
      %add3A_1806 = arith.constant 82 : i32
      %add3A_1807 = vector.broadcast %add3A_1806 : i32 to vector<16xi32>
      %add3A_1808 = arith.addi %add3A_1807, %shift_right_logical3A_1600 : vector<16xi32>
      %gather3A_1809 = tpu.vector_load_idx %arg11[%add3A_1808, %select_n3A_1597] : memref<96x8xf32, #tpu.memory_space<vmem>>[vector<16xi32>, vector<16xi32>], vector<16xf32>,
      %add3A_1810 = arith.addf %add3A_1805, %gather3A_1809 : vector<16xf32>
      %add3A_1811 = arith.constant 84 : i32
      %add3A_1812 = vector.broadcast %add3A_1811 : i32 to vector<16xi32>
      %add3A_1813 = arith.addi %add3A_1812, %shift_right_logical3A_1600 : vector<16xi32>
      %gather3A_1814 = tpu.vector_load_idx %arg11[%add3A_1813, %select_n3A_1597] : memref<96x8xf32, #tpu.memory_space<vmem>>[vector<16xi32>, vector<16xi32>], vector<16xf32>,
      %add3A_1815 = arith.addf %add3A_1810, %gather3A_1814 : vector<16xf32>
      %add3A_1816 = arith.constant 86 : i32
      %add3A_1817 = vector.broadcast %add3A_1816 : i32 to vector<16xi32>
      %add3A_1818 = arith.addi %add3A_1817, %shift_right_logical3A_1600 : vector<16xi32>
      %gather3A_1819 = tpu.vector_load_idx %arg11[%add3A_1818, %select_n3A_1597] : memref<96x8xf32, #tpu.memory_space<vmem>>[vector<16xi32>, vector<16xi32>], vector<16xf32>,
      %add3A_1820 = arith.addf %add3A_1815, %gather3A_1819 : vector<16xf32>
      %add3A_1821 = arith.constant 88 : i32
      %add3A_1822 = vector.broadcast %add3A_1821 : i32 to vector<16xi32>
      %add3A_1823 = arith.addi %add3A_1822, %shift_right_logical3A_1600 : vector<16xi32>
      %gather3A_1824 = tpu.vector_load_idx %arg11[%add3A_1823, %select_n3A_1597] : memref<96x8xf32, #tpu.memory_space<vmem>>[vector<16xi32>, vector<16xi32>], vector<16xf32>,
      %add3A_1825 = arith.addf %add3A_1820, %gather3A_1824 : vector<16xf32>
      %add3A_1826 = arith.constant 90 : i32
      %add3A_1827 = vector.broadcast %add3A_1826 : i32 to vector<16xi32>
      %add3A_1828 = arith.addi %add3A_1827, %shift_right_logical3A_1600 : vector<16xi32>
      %gather3A_1829 = tpu.vector_load_idx %arg11[%add3A_1828, %select_n3A_1597] : memref<96x8xf32, #tpu.memory_space<vmem>>[vector<16xi32>, vector<16xi32>], vector<16xf32>,
      %add3A_1830 = arith.addf %add3A_1825, %gather3A_1829 : vector<16xf32>
      %add3A_1831 = arith.constant 92 : i32
      %add3A_1832 = vector.broadcast %add3A_1831 : i32 to vector<16xi32>
      %add3A_1833 = arith.addi %add3A_1832, %shift_right_logical3A_1600 : vector<16xi32>
      %gather3A_1834 = tpu.vector_load_idx %arg11[%add3A_1833, %select_n3A_1597] : memref<96x8xf32, #tpu.memory_space<vmem>>[vector<16xi32>, vector<16xi32>], vector<16xf32>,
      %add3A_1835 = arith.addf %add3A_1830, %gather3A_1834 : vector<16xf32>
      %add3A_1836 = arith.constant 94 : i32
      %add3A_1837 = vector.broadcast %add3A_1836 : i32 to vector<16xi32>
      %add3A_1838 = arith.addi %add3A_1837, %shift_right_logical3A_1600 : vector<16xi32>
      %gather3A_1839 = tpu.vector_load_idx %arg11[%add3A_1838, %select_n3A_1597] : memref<96x8xf32, #tpu.memory_space<vmem>>[vector<16xi32>, vector<16xi32>], vector<16xf32>,
      %add3A_1840 = arith.addf %add3A_1835, %gather3A_1839 : vector<16xf32>
      %mul3A_1841 = arith.constant 4 : i32
      %mul3A_1842 = arith.muli %scan3A_57, %mul3A_1841 : i32
      %add3A_1843 = arith.constant 2 : i32
      %add3A_1844 = arith.addi %mul3A_1842, %add3A_1843 : i32
      %swap3A_1845 = arith.index_cast %add3A_1844 : i32 to index
      %swap3A_1846 = arith.constant 0 : index
      %swap3A_1847 = tpu.vector_load %arg14[%swap3A_1845, %swap3A_1846] {strides = array<i32>} : memref<128x16xf32, #tpu.memory_space<vmem>>, vector<16xf32>,
      tpu.vector_store %arg14[%swap3A_1845, %swap3A_1846], %add3A_1840 {strides = array<i32>} : memref<128x16xf32, #tpu.memory_space<vmem>>, vector<16xf32>,
      %mul3A_1848 = arith.constant 8 : i32
      %mul3A_1849 = arith.muli %scan3A_57, %mul3A_1848 : i32
      %add3A_1850 = arith.constant 6 : i32
      %add3A_1851 = arith.addi %mul3A_1849, %add3A_1850 : i32
      %add3A_1852 = arith.constant 8 : i32
      %add3A_1853 = arith.addi %add3A_1851, %add3A_1852 : i32
      %sub3A_1854 = arith.constant 1 : i32
      %sub3A_1855 = arith.subi %add3A_1853, %sub3A_1854 : i32
      %lt3A_1856 = arith.constant 256 : i32
      %lt3A_1857 = arith.cmpi slt, %sub3A_1855, %lt3A_1856 : i32
      %convert_element_type3A_1858 = arith.extui %lt3A_1857 : i1 to i32
      %cond3A_1859 = arith.constant 0 : i32
      %cond3A_1860 = arith.cmpi ne, %convert_element_type3A_1858, %cond3A_1859 : i32
      scf.if %cond3A_1860 {
        %shift_right_logical3A_2450 = arith.constant 1 : i32
        %shift_right_logical3A_2451 = arith.shrui %sub3A_1855, %shift_right_logical3A_2450 : i32
        %dma_start3A_2452 = arith.constant 104 : i32
        %dma_start3A_2453 = tpu.memref_slice %arg5[%shift_right_logical3A_2451, %dma_start3A_2452] : memref<128x200xi32, #tpu.memory_space<vmem>> -> memref<1x96xi32, #tpu.memory_space<vmem>>
        %dma_start3A_2454 = tpu.memref_squeeze %dma_start3A_2453 : memref<1x96xi32, #tpu.memory_space<vmem>> -> memref<96xi32, #tpu.memory_space<vmem>>
        %dma_start3A_2455 = arith.constant 0 : i32
        %dma_start3A_2456 = arith.constant 0 : i32
        %dma_start3A_2457 = tpu.memref_slice %arg3[%dma_start3A_2455, %dma_start3A_2456] : memref<1048576x8xf32, #tpu.memory_space<hbm>> -> memref<1048576x8xf32, #tpu.memory_space<hbm>>
        tpu.enqueue_indirect_dma source(%dma_start3A_2457 : memref<1048576x8xf32, #tpu.memory_space<hbm>>) target(%arg11 : memref<96x8xf32, #tpu.memory_space<vmem>>) offsets(%dma_start3A_2454 : memref<96xi32, #tpu.memory_space<vmem>>) semaphore(%arg20 : memref<!tpu.dma_semaphore, #tpu.memory_space<semaphore_mem>>)
      } else {
      }
      %dma_wait3A_1861 = arith.constant 0 : i32
      %dma_wait3A_1862 = arith.constant 0 : i32
      %dma_wait3A_1863 = tpu.memref_slice %arg5[%dma_wait3A_1861, %dma_wait3A_1862] : memref<128x200xi32, #tpu.memory_space<vmem>> -> memref<1x104xi32, #tpu.memory_space<vmem>>
      %dma_wait3A_1864 = tpu.memref_squeeze %dma_wait3A_1863 : memref<1x104xi32, #tpu.memory_space<vmem>> -> memref<104xi32, #tpu.memory_space<vmem>>
      %dma_wait3A_1865 = arith.constant 0 : i32
      %dma_wait3A_1866 = arith.constant 0 : i32
      %dma_wait3A_1867 = tpu.memref_slice %arg3[%dma_wait3A_1865, %dma_wait3A_1866] : memref<1048576x8xf32, #tpu.memory_space<hbm>> -> memref<1048576x8xf32, #tpu.memory_space<hbm>>
      tpu.wait_indirect_dma semaphore(%arg21 : memref<!tpu.dma_semaphore, #tpu.memory_space<semaphore_mem>>) src(%dma_wait3A_1867 : memref<1048576x8xf32, #tpu.memory_space<hbm>>) dst(%arg12 : memref<104x8xf32, #tpu.memory_space<vmem>>)
      %broadcast_in_dim3A_1868 = arith.constant 0.000000e+00 : f32
      %broadcast_in_dim3A_1869 = vector.broadcast %broadcast_in_dim3A_1868 : f32 to vector<16xf32>
      %iota3A_1870 = tpu.iota {dimensions = array<i32: 0>} : vector<16xi32>
      %jit3A_1871 = arith.constant 8 : i32
      %eq3A_1872 = arith.constant 0 : i32
      %eq3A_1873 = arith.cmpi eq, %jit3A_1871, %eq3A_1872 : i32
      %jit3A_1874 = arith.constant 1 : i32
      %select_n3A_1875 = arith.select %eq3A_1873, %jit3A_1874, %jit3A_1871 : i32
      %rem3A_1876 = vector.broadcast %select_n3A_1875 : i32 to vector<16xi32>
      %rem3A_1877 = arith.remsi %iota3A_1870, %rem3A_1876 : vector<16xi32>
      %ne3A_1878 = arith.constant 0 : i32
      %ne3A_1879 = vector.broadcast %ne3A_1878 : i32 to vector<16xi32>
      %ne3A_1880 = arith.cmpi ne, %rem3A_1877, %ne3A_1879 : vector<16xi32>
      %lt3A_1881 = arith.constant 0 : i32
      %lt3A_1882 = vector.broadcast %lt3A_1881 : i32 to vector<16xi32>
      %lt3A_1883 = arith.cmpi slt, %rem3A_1877, %lt3A_1882 : vector<16xi32>
      %lt3A_1884 = arith.constant 0 : i32
      %lt3A_1885 = arith.cmpi slt, %select_n3A_1875, %lt3A_1884 : i32
      %ne3A_1886 = vector.broadcast %lt3A_1885 : i1 to vector<16xi1>
      %ne3A_1887 = vector.broadcast %ne3A_1886 : vector<16xi1> to vector<16xi1>
      %ne3A_1888 = arith.xori %lt3A_1883, %ne3A_1887 : vector<16xi1>
      %and3A_1889 = arith.andi %ne3A_1888, %ne3A_1880 : vector<16xi1>
      %add3A_1890 = vector.broadcast %select_n3A_1875 : i32 to vector<16xi32>
      %add3A_1891 = arith.addi %rem3A_1877, %add3A_1890 : vector<16xi32>
      %select_n3A_1892 = arith.select %and3A_1889, %add3A_1891, %rem3A_1877 : vector<16xi1>, vector<16xi32>
      %shift_right_logical3A_1893 = arith.constant 3 : i32
      %shift_right_logical3A_1894 = vector.broadcast %shift_right_logical3A_1893 : i32 to vector<16xi32>
      %shift_right_logical3A_1895 = arith.shrui %iota3A_1870, %shift_right_logical3A_1894 : vector<16xi32>
      %add3A_1896 = arith.constant 0 : i32
      %add3A_1897 = vector.broadcast %add3A_1896 : i32 to vector<16xi32>
      %add3A_1898 = arith.addi %add3A_1897, %shift_right_logical3A_1895 : vector<16xi32>
      %gather3A_1899 = tpu.vector_load_idx %arg12[%add3A_1898, %select_n3A_1892] : memref<104x8xf32, #tpu.memory_space<vmem>>[vector<16xi32>, vector<16xi32>], vector<16xf32>,
      %add3A_1900 = arith.addf %broadcast_in_dim3A_1869, %gather3A_1899 : vector<16xf32>
      %add3A_1901 = arith.constant 2 : i32
      %add3A_1902 = vector.broadcast %add3A_1901 : i32 to vector<16xi32>
      %add3A_1903 = arith.addi %add3A_1902, %shift_right_logical3A_1895 : vector<16xi32>
      %gather3A_1904 = tpu.vector_load_idx %arg12[%add3A_1903, %select_n3A_1892] : memref<104x8xf32, #tpu.memory_space<vmem>>[vector<16xi32>, vector<16xi32>], vector<16xf32>,
      %add3A_1905 = arith.addf %add3A_1900, %gather3A_1904 : vector<16xf32>
      %add3A_1906 = arith.constant 4 : i32
      %add3A_1907 = vector.broadcast %add3A_1906 : i32 to vector<16xi32>
      %add3A_1908 = arith.addi %add3A_1907, %shift_right_logical3A_1895 : vector<16xi32>
      %gather3A_1909 = tpu.vector_load_idx %arg12[%add3A_1908, %select_n3A_1892] : memref<104x8xf32, #tpu.memory_space<vmem>>[vector<16xi32>, vector<16xi32>], vector<16xf32>,
      %add3A_1910 = arith.addf %add3A_1905, %gather3A_1909 : vector<16xf32>
      %add3A_1911 = arith.constant 6 : i32
      %add3A_1912 = vector.broadcast %add3A_1911 : i32 to vector<16xi32>
      %add3A_1913 = arith.addi %add3A_1912, %shift_right_logical3A_1895 : vector<16xi32>
      %gather3A_1914 = tpu.vector_load_idx %arg12[%add3A_1913, %select_n3A_1892] : memref<104x8xf32, #tpu.memory_space<vmem>>[vector<16xi32>, vector<16xi32>], vector<16xf32>,
      %add3A_1915 = arith.addf %add3A_1910, %gather3A_1914 : vector<16xf32>
      %add3A_1916 = arith.constant 8 : i32
      %add3A_1917 = vector.broadcast %add3A_1916 : i32 to vector<16xi32>
      %add3A_1918 = arith.addi %add3A_1917, %shift_right_logical3A_1895 : vector<16xi32>
      %gather3A_1919 = tpu.vector_load_idx %arg12[%add3A_1918, %select_n3A_1892] : memref<104x8xf32, #tpu.memory_space<vmem>>[vector<16xi32>, vector<16xi32>], vector<16xf32>,
      %add3A_1920 = arith.addf %add3A_1915, %gather3A_1919 : vector<16xf32>
      %add3A_1921 = arith.constant 10 : i32
      %add3A_1922 = vector.broadcast %add3A_1921 : i32 to vector<16xi32>
      %add3A_1923 = arith.addi %add3A_1922, %shift_right_logical3A_1895 : vector<16xi32>
      %gather3A_1924 = tpu.vector_load_idx %arg12[%add3A_1923, %select_n3A_1892] : memref<104x8xf32, #tpu.memory_space<vmem>>[vector<16xi32>, vector<16xi32>], vector<16xf32>,
      %add3A_1925 = arith.addf %add3A_1920, %gather3A_1924 : vector<16xf32>
      %add3A_1926 = arith.constant 12 : i32
      %add3A_1927 = vector.broadcast %add3A_1926 : i32 to vector<16xi32>
      %add3A_1928 = arith.addi %add3A_1927, %shift_right_logical3A_1895 : vector<16xi32>
      %gather3A_1929 = tpu.vector_load_idx %arg12[%add3A_1928, %select_n3A_1892] : memref<104x8xf32, #tpu.memory_space<vmem>>[vector<16xi32>, vector<16xi32>], vector<16xf32>,
      %add3A_1930 = arith.addf %add3A_1925, %gather3A_1929 : vector<16xf32>
      %add3A_1931 = arith.constant 14 : i32
      %add3A_1932 = vector.broadcast %add3A_1931 : i32 to vector<16xi32>
      %add3A_1933 = arith.addi %add3A_1932, %shift_right_logical3A_1895 : vector<16xi32>
      %gather3A_1934 = tpu.vector_load_idx %arg12[%add3A_1933, %select_n3A_1892] : memref<104x8xf32, #tpu.memory_space<vmem>>[vector<16xi32>, vector<16xi32>], vector<16xf32>,
      %add3A_1935 = arith.addf %add3A_1930, %gather3A_1934 : vector<16xf32>
      %add3A_1936 = arith.constant 16 : i32
      %add3A_1937 = vector.broadcast %add3A_1936 : i32 to vector<16xi32>
      %add3A_1938 = arith.addi %add3A_1937, %shift_right_logical3A_1895 : vector<16xi32>
      %gather3A_1939 = tpu.vector_load_idx %arg12[%add3A_1938, %select_n3A_1892] : memref<104x8xf32, #tpu.memory_space<vmem>>[vector<16xi32>, vector<16xi32>], vector<16xf32>,
      %add3A_1940 = arith.addf %add3A_1935, %gather3A_1939 : vector<16xf32>
      %add3A_1941 = arith.constant 18 : i32
      %add3A_1942 = vector.broadcast %add3A_1941 : i32 to vector<16xi32>
      %add3A_1943 = arith.addi %add3A_1942, %shift_right_logical3A_1895 : vector<16xi32>
      %gather3A_1944 = tpu.vector_load_idx %arg12[%add3A_1943, %select_n3A_1892] : memref<104x8xf32, #tpu.memory_space<vmem>>[vector<16xi32>, vector<16xi32>], vector<16xf32>,
      %add3A_1945 = arith.addf %add3A_1940, %gather3A_1944 : vector<16xf32>
      %add3A_1946 = arith.constant 20 : i32
      %add3A_1947 = vector.broadcast %add3A_1946 : i32 to vector<16xi32>
      %add3A_1948 = arith.addi %add3A_1947, %shift_right_logical3A_1895 : vector<16xi32>
      %gather3A_1949 = tpu.vector_load_idx %arg12[%add3A_1948, %select_n3A_1892] : memref<104x8xf32, #tpu.memory_space<vmem>>[vector<16xi32>, vector<16xi32>], vector<16xf32>,
      %add3A_1950 = arith.addf %add3A_1945, %gather3A_1949 : vector<16xf32>
      %add3A_1951 = arith.constant 22 : i32
      %add3A_1952 = vector.broadcast %add3A_1951 : i32 to vector<16xi32>
      %add3A_1953 = arith.addi %add3A_1952, %shift_right_logical3A_1895 : vector<16xi32>
      %gather3A_1954 = tpu.vector_load_idx %arg12[%add3A_1953, %select_n3A_1892] : memref<104x8xf32, #tpu.memory_space<vmem>>[vector<16xi32>, vector<16xi32>], vector<16xf32>,
      %add3A_1955 = arith.addf %add3A_1950, %gather3A_1954 : vector<16xf32>
      %add3A_1956 = arith.constant 24 : i32
      %add3A_1957 = vector.broadcast %add3A_1956 : i32 to vector<16xi32>
      %add3A_1958 = arith.addi %add3A_1957, %shift_right_logical3A_1895 : vector<16xi32>
      %gather3A_1959 = tpu.vector_load_idx %arg12[%add3A_1958, %select_n3A_1892] : memref<104x8xf32, #tpu.memory_space<vmem>>[vector<16xi32>, vector<16xi32>], vector<16xf32>,
      %add3A_1960 = arith.addf %add3A_1955, %gather3A_1959 : vector<16xf32>
      %add3A_1961 = arith.constant 26 : i32
      %add3A_1962 = vector.broadcast %add3A_1961 : i32 to vector<16xi32>
      %add3A_1963 = arith.addi %add3A_1962, %shift_right_logical3A_1895 : vector<16xi32>
      %gather3A_1964 = tpu.vector_load_idx %arg12[%add3A_1963, %select_n3A_1892] : memref<104x8xf32, #tpu.memory_space<vmem>>[vector<16xi32>, vector<16xi32>], vector<16xf32>,
      %add3A_1965 = arith.addf %add3A_1960, %gather3A_1964 : vector<16xf32>
      %add3A_1966 = arith.constant 28 : i32
      %add3A_1967 = vector.broadcast %add3A_1966 : i32 to vector<16xi32>
      %add3A_1968 = arith.addi %add3A_1967, %shift_right_logical3A_1895 : vector<16xi32>
      %gather3A_1969 = tpu.vector_load_idx %arg12[%add3A_1968, %select_n3A_1892] : memref<104x8xf32, #tpu.memory_space<vmem>>[vector<16xi32>, vector<16xi32>], vector<16xf32>,
      %add3A_1970 = arith.addf %add3A_1965, %gather3A_1969 : vector<16xf32>
      %add3A_1971 = arith.constant 30 : i32
      %add3A_1972 = vector.broadcast %add3A_1971 : i32 to vector<16xi32>
      %add3A_1973 = arith.addi %add3A_1972, %shift_right_logical3A_1895 : vector<16xi32>
      %gather3A_1974 = tpu.vector_load_idx %arg12[%add3A_1973, %select_n3A_1892] : memref<104x8xf32, #tpu.memory_space<vmem>>[vector<16xi32>, vector<16xi32>], vector<16xf32>,
      %add3A_1975 = arith.addf %add3A_1970, %gather3A_1974 : vector<16xf32>
      %add3A_1976 = arith.constant 32 : i32
      %add3A_1977 = vector.broadcast %add3A_1976 : i32 to vector<16xi32>
      %add3A_1978 = arith.addi %add3A_1977, %shift_right_logical3A_1895 : vector<16xi32>
      %gather3A_1979 = tpu.vector_load_idx %arg12[%add3A_1978, %select_n3A_1892] : memref<104x8xf32, #tpu.memory_space<vmem>>[vector<16xi32>, vector<16xi32>], vector<16xf32>,
      %add3A_1980 = arith.addf %add3A_1975, %gather3A_1979 : vector<16xf32>
      %add3A_1981 = arith.constant 34 : i32
      %add3A_1982 = vector.broadcast %add3A_1981 : i32 to vector<16xi32>
      %add3A_1983 = arith.addi %add3A_1982, %shift_right_logical3A_1895 : vector<16xi32>
      %gather3A_1984 = tpu.vector_load_idx %arg12[%add3A_1983, %select_n3A_1892] : memref<104x8xf32, #tpu.memory_space<vmem>>[vector<16xi32>, vector<16xi32>], vector<16xf32>,
      %add3A_1985 = arith.addf %add3A_1980, %gather3A_1984 : vector<16xf32>
      %add3A_1986 = arith.constant 36 : i32
      %add3A_1987 = vector.broadcast %add3A_1986 : i32 to vector<16xi32>
      %add3A_1988 = arith.addi %add3A_1987, %shift_right_logical3A_1895 : vector<16xi32>
      %gather3A_1989 = tpu.vector_load_idx %arg12[%add3A_1988, %select_n3A_1892] : memref<104x8xf32, #tpu.memory_space<vmem>>[vector<16xi32>, vector<16xi32>], vector<16xf32>,
      %add3A_1990 = arith.addf %add3A_1985, %gather3A_1989 : vector<16xf32>
      %add3A_1991 = arith.constant 38 : i32
      %add3A_1992 = vector.broadcast %add3A_1991 : i32 to vector<16xi32>
      %add3A_1993 = arith.addi %add3A_1992, %shift_right_logical3A_1895 : vector<16xi32>
      %gather3A_1994 = tpu.vector_load_idx %arg12[%add3A_1993, %select_n3A_1892] : memref<104x8xf32, #tpu.memory_space<vmem>>[vector<16xi32>, vector<16xi32>], vector<16xf32>,
      %add3A_1995 = arith.addf %add3A_1990, %gather3A_1994 : vector<16xf32>
      %add3A_1996 = arith.constant 40 : i32
      %add3A_1997 = vector.broadcast %add3A_1996 : i32 to vector<16xi32>
      %add3A_1998 = arith.addi %add3A_1997, %shift_right_logical3A_1895 : vector<16xi32>
      %gather3A_1999 = tpu.vector_load_idx %arg12[%add3A_1998, %select_n3A_1892] : memref<104x8xf32, #tpu.memory_space<vmem>>[vector<16xi32>, vector<16xi32>], vector<16xf32>,
      %add3A_2000 = arith.addf %add3A_1995, %gather3A_1999 : vector<16xf32>
      %add3A_2001 = arith.constant 42 : i32
      %add3A_2002 = vector.broadcast %add3A_2001 : i32 to vector<16xi32>
      %add3A_2003 = arith.addi %add3A_2002, %shift_right_logical3A_1895 : vector<16xi32>
      %gather3A_2004 = tpu.vector_load_idx %arg12[%add3A_2003, %select_n3A_1892] : memref<104x8xf32, #tpu.memory_space<vmem>>[vector<16xi32>, vector<16xi32>], vector<16xf32>,
      %add3A_2005 = arith.addf %add3A_2000, %gather3A_2004 : vector<16xf32>
      %add3A_2006 = arith.constant 44 : i32
      %add3A_2007 = vector.broadcast %add3A_2006 : i32 to vector<16xi32>
      %add3A_2008 = arith.addi %add3A_2007, %shift_right_logical3A_1895 : vector<16xi32>
      %gather3A_2009 = tpu.vector_load_idx %arg12[%add3A_2008, %select_n3A_1892] : memref<104x8xf32, #tpu.memory_space<vmem>>[vector<16xi32>, vector<16xi32>], vector<16xf32>,
      %add3A_2010 = arith.addf %add3A_2005, %gather3A_2009 : vector<16xf32>
      %add3A_2011 = arith.constant 46 : i32
      %add3A_2012 = vector.broadcast %add3A_2011 : i32 to vector<16xi32>
      %add3A_2013 = arith.addi %add3A_2012, %shift_right_logical3A_1895 : vector<16xi32>
      %gather3A_2014 = tpu.vector_load_idx %arg12[%add3A_2013, %select_n3A_1892] : memref<104x8xf32, #tpu.memory_space<vmem>>[vector<16xi32>, vector<16xi32>], vector<16xf32>,
      %add3A_2015 = arith.addf %add3A_2010, %gather3A_2014 : vector<16xf32>
      %add3A_2016 = arith.constant 48 : i32
      %add3A_2017 = vector.broadcast %add3A_2016 : i32 to vector<16xi32>
      %add3A_2018 = arith.addi %add3A_2017, %shift_right_logical3A_1895 : vector<16xi32>
      %gather3A_2019 = tpu.vector_load_idx %arg12[%add3A_2018, %select_n3A_1892] : memref<104x8xf32, #tpu.memory_space<vmem>>[vector<16xi32>, vector<16xi32>], vector<16xf32>,
      %add3A_2020 = arith.addf %add3A_2015, %gather3A_2019 : vector<16xf32>
      %add3A_2021 = arith.constant 50 : i32
      %add3A_2022 = vector.broadcast %add3A_2021 : i32 to vector<16xi32>
      %add3A_2023 = arith.addi %add3A_2022, %shift_right_logical3A_1895 : vector<16xi32>
      %gather3A_2024 = tpu.vector_load_idx %arg12[%add3A_2023, %select_n3A_1892] : memref<104x8xf32, #tpu.memory_space<vmem>>[vector<16xi32>, vector<16xi32>], vector<16xf32>,
      %add3A_2025 = arith.addf %add3A_2020, %gather3A_2024 : vector<16xf32>
      %add3A_2026 = arith.constant 52 : i32
      %add3A_2027 = vector.broadcast %add3A_2026 : i32 to vector<16xi32>
      %add3A_2028 = arith.addi %add3A_2027, %shift_right_logical3A_1895 : vector<16xi32>
      %gather3A_2029 = tpu.vector_load_idx %arg12[%add3A_2028, %select_n3A_1892] : memref<104x8xf32, #tpu.memory_space<vmem>>[vector<16xi32>, vector<16xi32>], vector<16xf32>,
      %add3A_2030 = arith.addf %add3A_2025, %gather3A_2029 : vector<16xf32>
      %add3A_2031 = arith.constant 54 : i32
      %add3A_2032 = vector.broadcast %add3A_2031 : i32 to vector<16xi32>
      %add3A_2033 = arith.addi %add3A_2032, %shift_right_logical3A_1895 : vector<16xi32>
      %gather3A_2034 = tpu.vector_load_idx %arg12[%add3A_2033, %select_n3A_1892] : memref<104x8xf32, #tpu.memory_space<vmem>>[vector<16xi32>, vector<16xi32>], vector<16xf32>,
      %add3A_2035 = arith.addf %add3A_2030, %gather3A_2034 : vector<16xf32>
      %add3A_2036 = arith.constant 56 : i32
      %add3A_2037 = vector.broadcast %add3A_2036 : i32 to vector<16xi32>
      %add3A_2038 = arith.addi %add3A_2037, %shift_right_logical3A_1895 : vector<16xi32>
      %gather3A_2039 = tpu.vector_load_idx %arg12[%add3A_2038, %select_n3A_1892] : memref<104x8xf32, #tpu.memory_space<vmem>>[vector<16xi32>, vector<16xi32>], vector<16xf32>,
      %add3A_2040 = arith.addf %add3A_2035, %gather3A_2039 : vector<16xf32>
      %add3A_2041 = arith.constant 58 : i32
      %add3A_2042 = vector.broadcast %add3A_2041 : i32 to vector<16xi32>
      %add3A_2043 = arith.addi %add3A_2042, %shift_right_logical3A_1895 : vector<16xi32>
      %gather3A_2044 = tpu.vector_load_idx %arg12[%add3A_2043, %select_n3A_1892] : memref<104x8xf32, #tpu.memory_space<vmem>>[vector<16xi32>, vector<16xi32>], vector<16xf32>,
      %add3A_2045 = arith.addf %add3A_2040, %gather3A_2044 : vector<16xf32>
      %add3A_2046 = arith.constant 60 : i32
      %add3A_2047 = vector.broadcast %add3A_2046 : i32 to vector<16xi32>
      %add3A_2048 = arith.addi %add3A_2047, %shift_right_logical3A_1895 : vector<16xi32>
      %gather3A_2049 = tpu.vector_load_idx %arg12[%add3A_2048, %select_n3A_1892] : memref<104x8xf32, #tpu.memory_space<vmem>>[vector<16xi32>, vector<16xi32>], vector<16xf32>,
      %add3A_2050 = arith.addf %add3A_2045, %gather3A_2049 : vector<16xf32>
      %add3A_2051 = arith.constant 62 : i32
      %add3A_2052 = vector.broadcast %add3A_2051 : i32 to vector<16xi32>
      %add3A_2053 = arith.addi %add3A_2052, %shift_right_logical3A_1895 : vector<16xi32>
      %gather3A_2054 = tpu.vector_load_idx %arg12[%add3A_2053, %select_n3A_1892] : memref<104x8xf32, #tpu.memory_space<vmem>>[vector<16xi32>, vector<16xi32>], vector<16xf32>,
      %add3A_2055 = arith.addf %add3A_2050, %gather3A_2054 : vector<16xf32>
      %add3A_2056 = arith.constant 64 : i32
      %add3A_2057 = vector.broadcast %add3A_2056 : i32 to vector<16xi32>
      %add3A_2058 = arith.addi %add3A_2057, %shift_right_logical3A_1895 : vector<16xi32>
      %gather3A_2059 = tpu.vector_load_idx %arg12[%add3A_2058, %select_n3A_1892] : memref<104x8xf32, #tpu.memory_space<vmem>>[vector<16xi32>, vector<16xi32>], vector<16xf32>,
      %add3A_2060 = arith.addf %add3A_2055, %gather3A_2059 : vector<16xf32>
      %add3A_2061 = arith.constant 66 : i32
      %add3A_2062 = vector.broadcast %add3A_2061 : i32 to vector<16xi32>
      %add3A_2063 = arith.addi %add3A_2062, %shift_right_logical3A_1895 : vector<16xi32>
      %gather3A_2064 = tpu.vector_load_idx %arg12[%add3A_2063, %select_n3A_1892] : memref<104x8xf32, #tpu.memory_space<vmem>>[vector<16xi32>, vector<16xi32>], vector<16xf32>,
      %add3A_2065 = arith.addf %add3A_2060, %gather3A_2064 : vector<16xf32>
      %add3A_2066 = arith.constant 68 : i32
      %add3A_2067 = vector.broadcast %add3A_2066 : i32 to vector<16xi32>
      %add3A_2068 = arith.addi %add3A_2067, %shift_right_logical3A_1895 : vector<16xi32>
      %gather3A_2069 = tpu.vector_load_idx %arg12[%add3A_2068, %select_n3A_1892] : memref<104x8xf32, #tpu.memory_space<vmem>>[vector<16xi32>, vector<16xi32>], vector<16xf32>,
      %add3A_2070 = arith.addf %add3A_2065, %gather3A_2069 : vector<16xf32>
      %add3A_2071 = arith.constant 70 : i32
      %add3A_2072 = vector.broadcast %add3A_2071 : i32 to vector<16xi32>
      %add3A_2073 = arith.addi %add3A_2072, %shift_right_logical3A_1895 : vector<16xi32>
      %gather3A_2074 = tpu.vector_load_idx %arg12[%add3A_2073, %select_n3A_1892] : memref<104x8xf32, #tpu.memory_space<vmem>>[vector<16xi32>, vector<16xi32>], vector<16xf32>,
      %add3A_2075 = arith.addf %add3A_2070, %gather3A_2074 : vector<16xf32>
      %add3A_2076 = arith.constant 72 : i32
      %add3A_2077 = vector.broadcast %add3A_2076 : i32 to vector<16xi32>
      %add3A_2078 = arith.addi %add3A_2077, %shift_right_logical3A_1895 : vector<16xi32>
      %gather3A_2079 = tpu.vector_load_idx %arg12[%add3A_2078, %select_n3A_1892] : memref<104x8xf32, #tpu.memory_space<vmem>>[vector<16xi32>, vector<16xi32>], vector<16xf32>,
      %add3A_2080 = arith.addf %add3A_2075, %gather3A_2079 : vector<16xf32>
      %add3A_2081 = arith.constant 74 : i32
      %add3A_2082 = vector.broadcast %add3A_2081 : i32 to vector<16xi32>
      %add3A_2083 = arith.addi %add3A_2082, %shift_right_logical3A_1895 : vector<16xi32>
      %gather3A_2084 = tpu.vector_load_idx %arg12[%add3A_2083, %select_n3A_1892] : memref<104x8xf32, #tpu.memory_space<vmem>>[vector<16xi32>, vector<16xi32>], vector<16xf32>,
      %add3A_2085 = arith.addf %add3A_2080, %gather3A_2084 : vector<16xf32>
      %add3A_2086 = arith.constant 76 : i32
      %add3A_2087 = vector.broadcast %add3A_2086 : i32 to vector<16xi32>
      %add3A_2088 = arith.addi %add3A_2087, %shift_right_logical3A_1895 : vector<16xi32>
      %gather3A_2089 = tpu.vector_load_idx %arg12[%add3A_2088, %select_n3A_1892] : memref<104x8xf32, #tpu.memory_space<vmem>>[vector<16xi32>, vector<16xi32>], vector<16xf32>,
      %add3A_2090 = arith.addf %add3A_2085, %gather3A_2089 : vector<16xf32>
      %add3A_2091 = arith.constant 78 : i32
      %add3A_2092 = vector.broadcast %add3A_2091 : i32 to vector<16xi32>
      %add3A_2093 = arith.addi %add3A_2092, %shift_right_logical3A_1895 : vector<16xi32>
      %gather3A_2094 = tpu.vector_load_idx %arg12[%add3A_2093, %select_n3A_1892] : memref<104x8xf32, #tpu.memory_space<vmem>>[vector<16xi32>, vector<16xi32>], vector<16xf32>,
      %add3A_2095 = arith.addf %add3A_2090, %gather3A_2094 : vector<16xf32>
      %add3A_2096 = arith.constant 80 : i32
      %add3A_2097 = vector.broadcast %add3A_2096 : i32 to vector<16xi32>
      %add3A_2098 = arith.addi %add3A_2097, %shift_right_logical3A_1895 : vector<16xi32>
      %gather3A_2099 = tpu.vector_load_idx %arg12[%add3A_2098, %select_n3A_1892] : memref<104x8xf32, #tpu.memory_space<vmem>>[vector<16xi32>, vector<16xi32>], vector<16xf32>,
      %add3A_2100 = arith.addf %add3A_2095, %gather3A_2099 : vector<16xf32>
      %add3A_2101 = arith.constant 82 : i32
      %add3A_2102 = vector.broadcast %add3A_2101 : i32 to vector<16xi32>
      %add3A_2103 = arith.addi %add3A_2102, %shift_right_logical3A_1895 : vector<16xi32>
      %gather3A_2104 = tpu.vector_load_idx %arg12[%add3A_2103, %select_n3A_1892] : memref<104x8xf32, #tpu.memory_space<vmem>>[vector<16xi32>, vector<16xi32>], vector<16xf32>,
      %add3A_2105 = arith.addf %add3A_2100, %gather3A_2104 : vector<16xf32>
      %add3A_2106 = arith.constant 84 : i32
      %add3A_2107 = vector.broadcast %add3A_2106 : i32 to vector<16xi32>
      %add3A_2108 = arith.addi %add3A_2107, %shift_right_logical3A_1895 : vector<16xi32>
      %gather3A_2109 = tpu.vector_load_idx %arg12[%add3A_2108, %select_n3A_1892] : memref<104x8xf32, #tpu.memory_space<vmem>>[vector<16xi32>, vector<16xi32>], vector<16xf32>,
      %add3A_2110 = arith.addf %add3A_2105, %gather3A_2109 : vector<16xf32>
      %add3A_2111 = arith.constant 86 : i32
      %add3A_2112 = vector.broadcast %add3A_2111 : i32 to vector<16xi32>
      %add3A_2113 = arith.addi %add3A_2112, %shift_right_logical3A_1895 : vector<16xi32>
      %gather3A_2114 = tpu.vector_load_idx %arg12[%add3A_2113, %select_n3A_1892] : memref<104x8xf32, #tpu.memory_space<vmem>>[vector<16xi32>, vector<16xi32>], vector<16xf32>,
      %add3A_2115 = arith.addf %add3A_2110, %gather3A_2114 : vector<16xf32>
      %add3A_2116 = arith.constant 88 : i32
      %add3A_2117 = vector.broadcast %add3A_2116 : i32 to vector<16xi32>
      %add3A_2118 = arith.addi %add3A_2117, %shift_right_logical3A_1895 : vector<16xi32>
      %gather3A_2119 = tpu.vector_load_idx %arg12[%add3A_2118, %select_n3A_1892] : memref<104x8xf32, #tpu.memory_space<vmem>>[vector<16xi32>, vector<16xi32>], vector<16xf32>,
      %add3A_2120 = arith.addf %add3A_2115, %gather3A_2119 : vector<16xf32>
      %add3A_2121 = arith.constant 90 : i32
      %add3A_2122 = vector.broadcast %add3A_2121 : i32 to vector<16xi32>
      %add3A_2123 = arith.addi %add3A_2122, %shift_right_logical3A_1895 : vector<16xi32>
      %gather3A_2124 = tpu.vector_load_idx %arg12[%add3A_2123, %select_n3A_1892] : memref<104x8xf32, #tpu.memory_space<vmem>>[vector<16xi32>, vector<16xi32>], vector<16xf32>,
      %add3A_2125 = arith.addf %add3A_2120, %gather3A_2124 : vector<16xf32>
      %add3A_2126 = arith.constant 92 : i32
      %add3A_2127 = vector.broadcast %add3A_2126 : i32 to vector<16xi32>
      %add3A_2128 = arith.addi %add3A_2127, %shift_right_logical3A_1895 : vector<16xi32>
      %gather3A_2129 = tpu.vector_load_idx %arg12[%add3A_2128, %select_n3A_1892] : memref<104x8xf32, #tpu.memory_space<vmem>>[vector<16xi32>, vector<16xi32>], vector<16xf32>,
      %add3A_2130 = arith.addf %add3A_2125, %gather3A_2129 : vector<16xf32>
      %add3A_2131 = arith.constant 94 : i32
      %add3A_2132 = vector.broadcast %add3A_2131 : i32 to vector<16xi32>
      %add3A_2133 = arith.addi %add3A_2132, %shift_right_logical3A_1895 : vector<16xi32>
      %gather3A_2134 = tpu.vector_load_idx %arg12[%add3A_2133, %select_n3A_1892] : memref<104x8xf32, #tpu.memory_space<vmem>>[vector<16xi32>, vector<16xi32>], vector<16xf32>,
      %add3A_2135 = arith.addf %add3A_2130, %gather3A_2134 : vector<16xf32>
      %add3A_2136 = arith.constant 96 : i32
      %add3A_2137 = vector.broadcast %add3A_2136 : i32 to vector<16xi32>
      %add3A_2138 = arith.addi %add3A_2137, %shift_right_logical3A_1895 : vector<16xi32>
      %gather3A_2139 = tpu.vector_load_idx %arg12[%add3A_2138, %select_n3A_1892] : memref<104x8xf32, #tpu.memory_space<vmem>>[vector<16xi32>, vector<16xi32>], vector<16xf32>,
      %add3A_2140 = arith.addf %add3A_2135, %gather3A_2139 : vector<16xf32>
      %add3A_2141 = arith.constant 98 : i32
      %add3A_2142 = vector.broadcast %add3A_2141 : i32 to vector<16xi32>
      %add3A_2143 = arith.addi %add3A_2142, %shift_right_logical3A_1895 : vector<16xi32>
      %gather3A_2144 = tpu.vector_load_idx %arg12[%add3A_2143, %select_n3A_1892] : memref<104x8xf32, #tpu.memory_space<vmem>>[vector<16xi32>, vector<16xi32>], vector<16xf32>,
      %add3A_2145 = arith.addf %add3A_2140, %gather3A_2144 : vector<16xf32>
      %add3A_2146 = arith.constant 100 : i32
      %add3A_2147 = vector.broadcast %add3A_2146 : i32 to vector<16xi32>
      %add3A_2148 = arith.addi %add3A_2147, %shift_right_logical3A_1895 : vector<16xi32>
      %gather3A_2149 = tpu.vector_load_idx %arg12[%add3A_2148, %select_n3A_1892] : memref<104x8xf32, #tpu.memory_space<vmem>>[vector<16xi32>, vector<16xi32>], vector<16xf32>,
      %add3A_2150 = arith.addf %add3A_2145, %gather3A_2149 : vector<16xf32>
      %add3A_2151 = arith.constant 102 : i32
      %add3A_2152 = vector.broadcast %add3A_2151 : i32 to vector<16xi32>
      %add3A_2153 = arith.addi %add3A_2152, %shift_right_logical3A_1895 : vector<16xi32>
      %gather3A_2154 = tpu.vector_load_idx %arg12[%add3A_2153, %select_n3A_1892] : memref<104x8xf32, #tpu.memory_space<vmem>>[vector<16xi32>, vector<16xi32>], vector<16xf32>,
      %add3A_2155 = arith.addf %add3A_2150, %gather3A_2154 : vector<16xf32>
      %mul3A_2156 = arith.constant 8 : i32
      %mul3A_2157 = arith.muli %scan3A_57, %mul3A_2156 : i32
      %add3A_2158 = arith.constant 7 : i32
      %add3A_2159 = arith.addi %mul3A_2157, %add3A_2158 : i32
      %add3A_2160 = arith.constant 8 : i32
      %add3A_2161 = arith.addi %add3A_2159, %add3A_2160 : i32
      %sub3A_2162 = arith.constant 1 : i32
      %sub3A_2163 = arith.subi %add3A_2161, %sub3A_2162 : i32
      %lt3A_2164 = arith.constant 256 : i32
      %lt3A_2165 = arith.cmpi slt, %sub3A_2163, %lt3A_2164 : i32
      %convert_element_type3A_2166 = arith.extui %lt3A_2165 : i1 to i32
      %cond3A_2167 = arith.constant 0 : i32
      %cond3A_2168 = arith.cmpi ne, %convert_element_type3A_2166, %cond3A_2167 : i32
      scf.if %cond3A_2168 {
        %shift_right_logical3A_2450 = arith.constant 1 : i32
        %shift_right_logical3A_2451 = arith.shrui %sub3A_2163, %shift_right_logical3A_2450 : i32
        %dma_start3A_2452 = arith.constant 0 : i32
        %dma_start3A_2453 = tpu.memref_slice %arg5[%shift_right_logical3A_2451, %dma_start3A_2452] : memref<128x200xi32, #tpu.memory_space<vmem>> -> memref<1x104xi32, #tpu.memory_space<vmem>>
        %dma_start3A_2454 = tpu.memref_squeeze %dma_start3A_2453 : memref<1x104xi32, #tpu.memory_space<vmem>> -> memref<104xi32, #tpu.memory_space<vmem>>
        %dma_start3A_2455 = arith.constant 0 : i32
        %dma_start3A_2456 = arith.constant 0 : i32
        %dma_start3A_2457 = tpu.memref_slice %arg3[%dma_start3A_2455, %dma_start3A_2456] : memref<1048576x8xf32, #tpu.memory_space<hbm>> -> memref<1048576x8xf32, #tpu.memory_space<hbm>>
        tpu.enqueue_indirect_dma source(%dma_start3A_2457 : memref<1048576x8xf32, #tpu.memory_space<hbm>>) target(%arg12 : memref<104x8xf32, #tpu.memory_space<vmem>>) offsets(%dma_start3A_2454 : memref<104xi32, #tpu.memory_space<vmem>>) semaphore(%arg21 : memref<!tpu.dma_semaphore, #tpu.memory_space<semaphore_mem>>)
      } else {
      }
      %dma_wait3A_2169 = arith.constant 0 : i32
      %dma_wait3A_2170 = arith.constant 104 : i32
      %dma_wait3A_2171 = tpu.memref_slice %arg5[%dma_wait3A_2169, %dma_wait3A_2170] : memref<128x200xi32, #tpu.memory_space<vmem>> -> memref<1x96xi32, #tpu.memory_space<vmem>>
      %dma_wait3A_2172 = tpu.memref_squeeze %dma_wait3A_2171 : memref<1x96xi32, #tpu.memory_space<vmem>> -> memref<96xi32, #tpu.memory_space<vmem>>
      %dma_wait3A_2173 = arith.constant 0 : i32
      %dma_wait3A_2174 = arith.constant 0 : i32
      %dma_wait3A_2175 = tpu.memref_slice %arg3[%dma_wait3A_2173, %dma_wait3A_2174] : memref<1048576x8xf32, #tpu.memory_space<hbm>> -> memref<1048576x8xf32, #tpu.memory_space<hbm>>
      tpu.wait_indirect_dma semaphore(%arg22 : memref<!tpu.dma_semaphore, #tpu.memory_space<semaphore_mem>>) src(%dma_wait3A_2175 : memref<1048576x8xf32, #tpu.memory_space<hbm>>) dst(%arg13 : memref<96x8xf32, #tpu.memory_space<vmem>>)
      %iota3A_2176 = tpu.iota {dimensions = array<i32: 0>} : vector<16xi32>
      %jit3A_2177 = arith.constant 8 : i32
      %eq3A_2178 = arith.constant 0 : i32
      %eq3A_2179 = arith.cmpi eq, %jit3A_2177, %eq3A_2178 : i32
      %jit3A_2180 = arith.constant 1 : i32
      %select_n3A_2181 = arith.select %eq3A_2179, %jit3A_2180, %jit3A_2177 : i32
      %rem3A_2182 = vector.broadcast %select_n3A_2181 : i32 to vector<16xi32>
      %rem3A_2183 = arith.remsi %iota3A_2176, %rem3A_2182 : vector<16xi32>
      %ne3A_2184 = arith.constant 0 : i32
      %ne3A_2185 = vector.broadcast %ne3A_2184 : i32 to vector<16xi32>
      %ne3A_2186 = arith.cmpi ne, %rem3A_2183, %ne3A_2185 : vector<16xi32>
      %lt3A_2187 = arith.constant 0 : i32
      %lt3A_2188 = vector.broadcast %lt3A_2187 : i32 to vector<16xi32>
      %lt3A_2189 = arith.cmpi slt, %rem3A_2183, %lt3A_2188 : vector<16xi32>
      %lt3A_2190 = arith.constant 0 : i32
      %lt3A_2191 = arith.cmpi slt, %select_n3A_2181, %lt3A_2190 : i32
      %ne3A_2192 = vector.broadcast %lt3A_2191 : i1 to vector<16xi1>
      %ne3A_2193 = vector.broadcast %ne3A_2192 : vector<16xi1> to vector<16xi1>
      %ne3A_2194 = arith.xori %lt3A_2189, %ne3A_2193 : vector<16xi1>
      %and3A_2195 = arith.andi %ne3A_2194, %ne3A_2186 : vector<16xi1>
      %add3A_2196 = vector.broadcast %select_n3A_2181 : i32 to vector<16xi32>
      %add3A_2197 = arith.addi %rem3A_2183, %add3A_2196 : vector<16xi32>
      %select_n3A_2198 = arith.select %and3A_2195, %add3A_2197, %rem3A_2183 : vector<16xi1>, vector<16xi32>
      %shift_right_logical3A_2199 = arith.constant 3 : i32
      %shift_right_logical3A_2200 = vector.broadcast %shift_right_logical3A_2199 : i32 to vector<16xi32>
      %shift_right_logical3A_2201 = arith.shrui %iota3A_2176, %shift_right_logical3A_2200 : vector<16xi32>
      %add3A_2202 = arith.constant 0 : i32
      %add3A_2203 = vector.broadcast %add3A_2202 : i32 to vector<16xi32>
      %add3A_2204 = arith.addi %add3A_2203, %shift_right_logical3A_2201 : vector<16xi32>
      %gather3A_2205 = tpu.vector_load_idx %arg13[%add3A_2204, %select_n3A_2198] : memref<96x8xf32, #tpu.memory_space<vmem>>[vector<16xi32>, vector<16xi32>], vector<16xf32>,
      %add3A_2206 = arith.addf %add3A_2155, %gather3A_2205 : vector<16xf32>
      %add3A_2207 = arith.constant 2 : i32
      %add3A_2208 = vector.broadcast %add3A_2207 : i32 to vector<16xi32>
      %add3A_2209 = arith.addi %add3A_2208, %shift_right_logical3A_2201 : vector<16xi32>
      %gather3A_2210 = tpu.vector_load_idx %arg13[%add3A_2209, %select_n3A_2198] : memref<96x8xf32, #tpu.memory_space<vmem>>[vector<16xi32>, vector<16xi32>], vector<16xf32>,
      %add3A_2211 = arith.addf %add3A_2206, %gather3A_2210 : vector<16xf32>
      %add3A_2212 = arith.constant 4 : i32
      %add3A_2213 = vector.broadcast %add3A_2212 : i32 to vector<16xi32>
      %add3A_2214 = arith.addi %add3A_2213, %shift_right_logical3A_2201 : vector<16xi32>
      %gather3A_2215 = tpu.vector_load_idx %arg13[%add3A_2214, %select_n3A_2198] : memref<96x8xf32, #tpu.memory_space<vmem>>[vector<16xi32>, vector<16xi32>], vector<16xf32>,
      %add3A_2216 = arith.addf %add3A_2211, %gather3A_2215 : vector<16xf32>
      %add3A_2217 = arith.constant 6 : i32
      %add3A_2218 = vector.broadcast %add3A_2217 : i32 to vector<16xi32>
      %add3A_2219 = arith.addi %add3A_2218, %shift_right_logical3A_2201 : vector<16xi32>
      %gather3A_2220 = tpu.vector_load_idx %arg13[%add3A_2219, %select_n3A_2198] : memref<96x8xf32, #tpu.memory_space<vmem>>[vector<16xi32>, vector<16xi32>], vector<16xf32>,
      %add3A_2221 = arith.addf %add3A_2216, %gather3A_2220 : vector<16xf32>
      %add3A_2222 = arith.constant 8 : i32
      %add3A_2223 = vector.broadcast %add3A_2222 : i32 to vector<16xi32>
      %add3A_2224 = arith.addi %add3A_2223, %shift_right_logical3A_2201 : vector<16xi32>
      %gather3A_2225 = tpu.vector_load_idx %arg13[%add3A_2224, %select_n3A_2198] : memref<96x8xf32, #tpu.memory_space<vmem>>[vector<16xi32>, vector<16xi32>], vector<16xf32>,
      %add3A_2226 = arith.addf %add3A_2221, %gather3A_2225 : vector<16xf32>
      %add3A_2227 = arith.constant 10 : i32
      %add3A_2228 = vector.broadcast %add3A_2227 : i32 to vector<16xi32>
      %add3A_2229 = arith.addi %add3A_2228, %shift_right_logical3A_2201 : vector<16xi32>
      %gather3A_2230 = tpu.vector_load_idx %arg13[%add3A_2229, %select_n3A_2198] : memref<96x8xf32, #tpu.memory_space<vmem>>[vector<16xi32>, vector<16xi32>], vector<16xf32>,
      %add3A_2231 = arith.addf %add3A_2226, %gather3A_2230 : vector<16xf32>
      %add3A_2232 = arith.constant 12 : i32
      %add3A_2233 = vector.broadcast %add3A_2232 : i32 to vector<16xi32>
      %add3A_2234 = arith.addi %add3A_2233, %shift_right_logical3A_2201 : vector<16xi32>
      %gather3A_2235 = tpu.vector_load_idx %arg13[%add3A_2234, %select_n3A_2198] : memref<96x8xf32, #tpu.memory_space<vmem>>[vector<16xi32>, vector<16xi32>], vector<16xf32>,
      %add3A_2236 = arith.addf %add3A_2231, %gather3A_2235 : vector<16xf32>
      %add3A_2237 = arith.constant 14 : i32
      %add3A_2238 = vector.broadcast %add3A_2237 : i32 to vector<16xi32>
      %add3A_2239 = arith.addi %add3A_2238, %shift_right_logical3A_2201 : vector<16xi32>
      %gather3A_2240 = tpu.vector_load_idx %arg13[%add3A_2239, %select_n3A_2198] : memref<96x8xf32, #tpu.memory_space<vmem>>[vector<16xi32>, vector<16xi32>], vector<16xf32>,
      %add3A_2241 = arith.addf %add3A_2236, %gather3A_2240 : vector<16xf32>
      %add3A_2242 = arith.constant 16 : i32
      %add3A_2243 = vector.broadcast %add3A_2242 : i32 to vector<16xi32>
      %add3A_2244 = arith.addi %add3A_2243, %shift_right_logical3A_2201 : vector<16xi32>
      %gather3A_2245 = tpu.vector_load_idx %arg13[%add3A_2244, %select_n3A_2198] : memref<96x8xf32, #tpu.memory_space<vmem>>[vector<16xi32>, vector<16xi32>], vector<16xf32>,
      %add3A_2246 = arith.addf %add3A_2241, %gather3A_2245 : vector<16xf32>
      %add3A_2247 = arith.constant 18 : i32
      %add3A_2248 = vector.broadcast %add3A_2247 : i32 to vector<16xi32>
      %add3A_2249 = arith.addi %add3A_2248, %shift_right_logical3A_2201 : vector<16xi32>
      %gather3A_2250 = tpu.vector_load_idx %arg13[%add3A_2249, %select_n3A_2198] : memref<96x8xf32, #tpu.memory_space<vmem>>[vector<16xi32>, vector<16xi32>], vector<16xf32>,
      %add3A_2251 = arith.addf %add3A_2246, %gather3A_2250 : vector<16xf32>
      %add3A_2252 = arith.constant 20 : i32
      %add3A_2253 = vector.broadcast %add3A_2252 : i32 to vector<16xi32>
      %add3A_2254 = arith.addi %add3A_2253, %shift_right_logical3A_2201 : vector<16xi32>
      %gather3A_2255 = tpu.vector_load_idx %arg13[%add3A_2254, %select_n3A_2198] : memref<96x8xf32, #tpu.memory_space<vmem>>[vector<16xi32>, vector<16xi32>], vector<16xf32>,
      %add3A_2256 = arith.addf %add3A_2251, %gather3A_2255 : vector<16xf32>
      %add3A_2257 = arith.constant 22 : i32
      %add3A_2258 = vector.broadcast %add3A_2257 : i32 to vector<16xi32>
      %add3A_2259 = arith.addi %add3A_2258, %shift_right_logical3A_2201 : vector<16xi32>
      %gather3A_2260 = tpu.vector_load_idx %arg13[%add3A_2259, %select_n3A_2198] : memref<96x8xf32, #tpu.memory_space<vmem>>[vector<16xi32>, vector<16xi32>], vector<16xf32>,
      %add3A_2261 = arith.addf %add3A_2256, %gather3A_2260 : vector<16xf32>
      %add3A_2262 = arith.constant 24 : i32
      %add3A_2263 = vector.broadcast %add3A_2262 : i32 to vector<16xi32>
      %add3A_2264 = arith.addi %add3A_2263, %shift_right_logical3A_2201 : vector<16xi32>
      %gather3A_2265 = tpu.vector_load_idx %arg13[%add3A_2264, %select_n3A_2198] : memref<96x8xf32, #tpu.memory_space<vmem>>[vector<16xi32>, vector<16xi32>], vector<16xf32>,
      %add3A_2266 = arith.addf %add3A_2261, %gather3A_2265 : vector<16xf32>
      %add3A_2267 = arith.constant 26 : i32
      %add3A_2268 = vector.broadcast %add3A_2267 : i32 to vector<16xi32>
      %add3A_2269 = arith.addi %add3A_2268, %shift_right_logical3A_2201 : vector<16xi32>
      %gather3A_2270 = tpu.vector_load_idx %arg13[%add3A_2269, %select_n3A_2198] : memref<96x8xf32, #tpu.memory_space<vmem>>[vector<16xi32>, vector<16xi32>], vector<16xf32>,
      %add3A_2271 = arith.addf %add3A_2266, %gather3A_2270 : vector<16xf32>
      %add3A_2272 = arith.constant 28 : i32
      %add3A_2273 = vector.broadcast %add3A_2272 : i32 to vector<16xi32>
      %add3A_2274 = arith.addi %add3A_2273, %shift_right_logical3A_2201 : vector<16xi32>
      %gather3A_2275 = tpu.vector_load_idx %arg13[%add3A_2274, %select_n3A_2198] : memref<96x8xf32, #tpu.memory_space<vmem>>[vector<16xi32>, vector<16xi32>], vector<16xf32>,
      %add3A_2276 = arith.addf %add3A_2271, %gather3A_2275 : vector<16xf32>
      %add3A_2277 = arith.constant 30 : i32
      %add3A_2278 = vector.broadcast %add3A_2277 : i32 to vector<16xi32>
      %add3A_2279 = arith.addi %add3A_2278, %shift_right_logical3A_2201 : vector<16xi32>
      %gather3A_2280 = tpu.vector_load_idx %arg13[%add3A_2279, %select_n3A_2198] : memref<96x8xf32, #tpu.memory_space<vmem>>[vector<16xi32>, vector<16xi32>], vector<16xf32>,
      %add3A_2281 = arith.addf %add3A_2276, %gather3A_2280 : vector<16xf32>
      %add3A_2282 = arith.constant 32 : i32
      %add3A_2283 = vector.broadcast %add3A_2282 : i32 to vector<16xi32>
      %add3A_2284 = arith.addi %add3A_2283, %shift_right_logical3A_2201 : vector<16xi32>
      %gather3A_2285 = tpu.vector_load_idx %arg13[%add3A_2284, %select_n3A_2198] : memref<96x8xf32, #tpu.memory_space<vmem>>[vector<16xi32>, vector<16xi32>], vector<16xf32>,
      %add3A_2286 = arith.addf %add3A_2281, %gather3A_2285 : vector<16xf32>
      %add3A_2287 = arith.constant 34 : i32
      %add3A_2288 = vector.broadcast %add3A_2287 : i32 to vector<16xi32>
      %add3A_2289 = arith.addi %add3A_2288, %shift_right_logical3A_2201 : vector<16xi32>
      %gather3A_2290 = tpu.vector_load_idx %arg13[%add3A_2289, %select_n3A_2198] : memref<96x8xf32, #tpu.memory_space<vmem>>[vector<16xi32>, vector<16xi32>], vector<16xf32>,
      %add3A_2291 = arith.addf %add3A_2286, %gather3A_2290 : vector<16xf32>
      %add3A_2292 = arith.constant 36 : i32
      %add3A_2293 = vector.broadcast %add3A_2292 : i32 to vector<16xi32>
      %add3A_2294 = arith.addi %add3A_2293, %shift_right_logical3A_2201 : vector<16xi32>
      %gather3A_2295 = tpu.vector_load_idx %arg13[%add3A_2294, %select_n3A_2198] : memref<96x8xf32, #tpu.memory_space<vmem>>[vector<16xi32>, vector<16xi32>], vector<16xf32>,
      %add3A_2296 = arith.addf %add3A_2291, %gather3A_2295 : vector<16xf32>
      %add3A_2297 = arith.constant 38 : i32
      %add3A_2298 = vector.broadcast %add3A_2297 : i32 to vector<16xi32>
      %add3A_2299 = arith.addi %add3A_2298, %shift_right_logical3A_2201 : vector<16xi32>
      %gather3A_2300 = tpu.vector_load_idx %arg13[%add3A_2299, %select_n3A_2198] : memref<96x8xf32, #tpu.memory_space<vmem>>[vector<16xi32>, vector<16xi32>], vector<16xf32>,
      %add3A_2301 = arith.addf %add3A_2296, %gather3A_2300 : vector<16xf32>
      %add3A_2302 = arith.constant 40 : i32
      %add3A_2303 = vector.broadcast %add3A_2302 : i32 to vector<16xi32>
      %add3A_2304 = arith.addi %add3A_2303, %shift_right_logical3A_2201 : vector<16xi32>
      %gather3A_2305 = tpu.vector_load_idx %arg13[%add3A_2304, %select_n3A_2198] : memref<96x8xf32, #tpu.memory_space<vmem>>[vector<16xi32>, vector<16xi32>], vector<16xf32>,
      %add3A_2306 = arith.addf %add3A_2301, %gather3A_2305 : vector<16xf32>
      %add3A_2307 = arith.constant 42 : i32
      %add3A_2308 = vector.broadcast %add3A_2307 : i32 to vector<16xi32>
      %add3A_2309 = arith.addi %add3A_2308, %shift_right_logical3A_2201 : vector<16xi32>
      %gather3A_2310 = tpu.vector_load_idx %arg13[%add3A_2309, %select_n3A_2198] : memref<96x8xf32, #tpu.memory_space<vmem>>[vector<16xi32>, vector<16xi32>], vector<16xf32>,
      %add3A_2311 = arith.addf %add3A_2306, %gather3A_2310 : vector<16xf32>
      %add3A_2312 = arith.constant 44 : i32
      %add3A_2313 = vector.broadcast %add3A_2312 : i32 to vector<16xi32>
      %add3A_2314 = arith.addi %add3A_2313, %shift_right_logical3A_2201 : vector<16xi32>
      %gather3A_2315 = tpu.vector_load_idx %arg13[%add3A_2314, %select_n3A_2198] : memref<96x8xf32, #tpu.memory_space<vmem>>[vector<16xi32>, vector<16xi32>], vector<16xf32>,
      %add3A_2316 = arith.addf %add3A_2311, %gather3A_2315 : vector<16xf32>
      %add3A_2317 = arith.constant 46 : i32
      %add3A_2318 = vector.broadcast %add3A_2317 : i32 to vector<16xi32>
      %add3A_2319 = arith.addi %add3A_2318, %shift_right_logical3A_2201 : vector<16xi32>
      %gather3A_2320 = tpu.vector_load_idx %arg13[%add3A_2319, %select_n3A_2198] : memref<96x8xf32, #tpu.memory_space<vmem>>[vector<16xi32>, vector<16xi32>], vector<16xf32>,
      %add3A_2321 = arith.addf %add3A_2316, %gather3A_2320 : vector<16xf32>
      %add3A_2322 = arith.constant 48 : i32
      %add3A_2323 = vector.broadcast %add3A_2322 : i32 to vector<16xi32>
      %add3A_2324 = arith.addi %add3A_2323, %shift_right_logical3A_2201 : vector<16xi32>
      %gather3A_2325 = tpu.vector_load_idx %arg13[%add3A_2324, %select_n3A_2198] : memref<96x8xf32, #tpu.memory_space<vmem>>[vector<16xi32>, vector<16xi32>], vector<16xf32>,
      %add3A_2326 = arith.addf %add3A_2321, %gather3A_2325 : vector<16xf32>
      %add3A_2327 = arith.constant 50 : i32
      %add3A_2328 = vector.broadcast %add3A_2327 : i32 to vector<16xi32>
      %add3A_2329 = arith.addi %add3A_2328, %shift_right_logical3A_2201 : vector<16xi32>
      %gather3A_2330 = tpu.vector_load_idx %arg13[%add3A_2329, %select_n3A_2198] : memref<96x8xf32, #tpu.memory_space<vmem>>[vector<16xi32>, vector<16xi32>], vector<16xf32>,
      %add3A_2331 = arith.addf %add3A_2326, %gather3A_2330 : vector<16xf32>
      %add3A_2332 = arith.constant 52 : i32
      %add3A_2333 = vector.broadcast %add3A_2332 : i32 to vector<16xi32>
      %add3A_2334 = arith.addi %add3A_2333, %shift_right_logical3A_2201 : vector<16xi32>
      %gather3A_2335 = tpu.vector_load_idx %arg13[%add3A_2334, %select_n3A_2198] : memref<96x8xf32, #tpu.memory_space<vmem>>[vector<16xi32>, vector<16xi32>], vector<16xf32>,
      %add3A_2336 = arith.addf %add3A_2331, %gather3A_2335 : vector<16xf32>
      %add3A_2337 = arith.constant 54 : i32
      %add3A_2338 = vector.broadcast %add3A_2337 : i32 to vector<16xi32>
      %add3A_2339 = arith.addi %add3A_2338, %shift_right_logical3A_2201 : vector<16xi32>
      %gather3A_2340 = tpu.vector_load_idx %arg13[%add3A_2339, %select_n3A_2198] : memref<96x8xf32, #tpu.memory_space<vmem>>[vector<16xi32>, vector<16xi32>], vector<16xf32>,
      %add3A_2341 = arith.addf %add3A_2336, %gather3A_2340 : vector<16xf32>
      %add3A_2342 = arith.constant 56 : i32
      %add3A_2343 = vector.broadcast %add3A_2342 : i32 to vector<16xi32>
      %add3A_2344 = arith.addi %add3A_2343, %shift_right_logical3A_2201 : vector<16xi32>
      %gather3A_2345 = tpu.vector_load_idx %arg13[%add3A_2344, %select_n3A_2198] : memref<96x8xf32, #tpu.memory_space<vmem>>[vector<16xi32>, vector<16xi32>], vector<16xf32>,
      %add3A_2346 = arith.addf %add3A_2341, %gather3A_2345 : vector<16xf32>
      %add3A_2347 = arith.constant 58 : i32
      %add3A_2348 = vector.broadcast %add3A_2347 : i32 to vector<16xi32>
      %add3A_2349 = arith.addi %add3A_2348, %shift_right_logical3A_2201 : vector<16xi32>
      %gather3A_2350 = tpu.vector_load_idx %arg13[%add3A_2349, %select_n3A_2198] : memref<96x8xf32, #tpu.memory_space<vmem>>[vector<16xi32>, vector<16xi32>], vector<16xf32>,
      %add3A_2351 = arith.addf %add3A_2346, %gather3A_2350 : vector<16xf32>
      %add3A_2352 = arith.constant 60 : i32
      %add3A_2353 = vector.broadcast %add3A_2352 : i32 to vector<16xi32>
      %add3A_2354 = arith.addi %add3A_2353, %shift_right_logical3A_2201 : vector<16xi32>
      %gather3A_2355 = tpu.vector_load_idx %arg13[%add3A_2354, %select_n3A_2198] : memref<96x8xf32, #tpu.memory_space<vmem>>[vector<16xi32>, vector<16xi32>], vector<16xf32>,
      %add3A_2356 = arith.addf %add3A_2351, %gather3A_2355 : vector<16xf32>
      %add3A_2357 = arith.constant 62 : i32
      %add3A_2358 = vector.broadcast %add3A_2357 : i32 to vector<16xi32>
      %add3A_2359 = arith.addi %add3A_2358, %shift_right_logical3A_2201 : vector<16xi32>
      %gather3A_2360 = tpu.vector_load_idx %arg13[%add3A_2359, %select_n3A_2198] : memref<96x8xf32, #tpu.memory_space<vmem>>[vector<16xi32>, vector<16xi32>], vector<16xf32>,
      %add3A_2361 = arith.addf %add3A_2356, %gather3A_2360 : vector<16xf32>
      %add3A_2362 = arith.constant 64 : i32
      %add3A_2363 = vector.broadcast %add3A_2362 : i32 to vector<16xi32>
      %add3A_2364 = arith.addi %add3A_2363, %shift_right_logical3A_2201 : vector<16xi32>
      %gather3A_2365 = tpu.vector_load_idx %arg13[%add3A_2364, %select_n3A_2198] : memref<96x8xf32, #tpu.memory_space<vmem>>[vector<16xi32>, vector<16xi32>], vector<16xf32>,
      %add3A_2366 = arith.addf %add3A_2361, %gather3A_2365 : vector<16xf32>
      %add3A_2367 = arith.constant 66 : i32
      %add3A_2368 = vector.broadcast %add3A_2367 : i32 to vector<16xi32>
      %add3A_2369 = arith.addi %add3A_2368, %shift_right_logical3A_2201 : vector<16xi32>
      %gather3A_2370 = tpu.vector_load_idx %arg13[%add3A_2369, %select_n3A_2198] : memref<96x8xf32, #tpu.memory_space<vmem>>[vector<16xi32>, vector<16xi32>], vector<16xf32>,
      %add3A_2371 = arith.addf %add3A_2366, %gather3A_2370 : vector<16xf32>
      %add3A_2372 = arith.constant 68 : i32
      %add3A_2373 = vector.broadcast %add3A_2372 : i32 to vector<16xi32>
      %add3A_2374 = arith.addi %add3A_2373, %shift_right_logical3A_2201 : vector<16xi32>
      %gather3A_2375 = tpu.vector_load_idx %arg13[%add3A_2374, %select_n3A_2198] : memref<96x8xf32, #tpu.memory_space<vmem>>[vector<16xi32>, vector<16xi32>], vector<16xf32>,
      %add3A_2376 = arith.addf %add3A_2371, %gather3A_2375 : vector<16xf32>
      %add3A_2377 = arith.constant 70 : i32
      %add3A_2378 = vector.broadcast %add3A_2377 : i32 to vector<16xi32>
      %add3A_2379 = arith.addi %add3A_2378, %shift_right_logical3A_2201 : vector<16xi32>
      %gather3A_2380 = tpu.vector_load_idx %arg13[%add3A_2379, %select_n3A_2198] : memref<96x8xf32, #tpu.memory_space<vmem>>[vector<16xi32>, vector<16xi32>], vector<16xf32>,
      %add3A_2381 = arith.addf %add3A_2376, %gather3A_2380 : vector<16xf32>
      %add3A_2382 = arith.constant 72 : i32
      %add3A_2383 = vector.broadcast %add3A_2382 : i32 to vector<16xi32>
      %add3A_2384 = arith.addi %add3A_2383, %shift_right_logical3A_2201 : vector<16xi32>
      %gather3A_2385 = tpu.vector_load_idx %arg13[%add3A_2384, %select_n3A_2198] : memref<96x8xf32, #tpu.memory_space<vmem>>[vector<16xi32>, vector<16xi32>], vector<16xf32>,
      %add3A_2386 = arith.addf %add3A_2381, %gather3A_2385 : vector<16xf32>
      %add3A_2387 = arith.constant 74 : i32
      %add3A_2388 = vector.broadcast %add3A_2387 : i32 to vector<16xi32>
      %add3A_2389 = arith.addi %add3A_2388, %shift_right_logical3A_2201 : vector<16xi32>
      %gather3A_2390 = tpu.vector_load_idx %arg13[%add3A_2389, %select_n3A_2198] : memref<96x8xf32, #tpu.memory_space<vmem>>[vector<16xi32>, vector<16xi32>], vector<16xf32>,
      %add3A_2391 = arith.addf %add3A_2386, %gather3A_2390 : vector<16xf32>
      %add3A_2392 = arith.constant 76 : i32
      %add3A_2393 = vector.broadcast %add3A_2392 : i32 to vector<16xi32>
      %add3A_2394 = arith.addi %add3A_2393, %shift_right_logical3A_2201 : vector<16xi32>
      %gather3A_2395 = tpu.vector_load_idx %arg13[%add3A_2394, %select_n3A_2198] : memref<96x8xf32, #tpu.memory_space<vmem>>[vector<16xi32>, vector<16xi32>], vector<16xf32>,
      %add3A_2396 = arith.addf %add3A_2391, %gather3A_2395 : vector<16xf32>
      %add3A_2397 = arith.constant 78 : i32
      %add3A_2398 = vector.broadcast %add3A_2397 : i32 to vector<16xi32>
      %add3A_2399 = arith.addi %add3A_2398, %shift_right_logical3A_2201 : vector<16xi32>
      %gather3A_2400 = tpu.vector_load_idx %arg13[%add3A_2399, %select_n3A_2198] : memref<96x8xf32, #tpu.memory_space<vmem>>[vector<16xi32>, vector<16xi32>], vector<16xf32>,
      %add3A_2401 = arith.addf %add3A_2396, %gather3A_2400 : vector<16xf32>
      %add3A_2402 = arith.constant 80 : i32
      %add3A_2403 = vector.broadcast %add3A_2402 : i32 to vector<16xi32>
      %add3A_2404 = arith.addi %add3A_2403, %shift_right_logical3A_2201 : vector<16xi32>
      %gather3A_2405 = tpu.vector_load_idx %arg13[%add3A_2404, %select_n3A_2198] : memref<96x8xf32, #tpu.memory_space<vmem>>[vector<16xi32>, vector<16xi32>], vector<16xf32>,
      %add3A_2406 = arith.addf %add3A_2401, %gather3A_2405 : vector<16xf32>
      %add3A_2407 = arith.constant 82 : i32
      %add3A_2408 = vector.broadcast %add3A_2407 : i32 to vector<16xi32>
      %add3A_2409 = arith.addi %add3A_2408, %shift_right_logical3A_2201 : vector<16xi32>
      %gather3A_2410 = tpu.vector_load_idx %arg13[%add3A_2409, %select_n3A_2198] : memref<96x8xf32, #tpu.memory_space<vmem>>[vector<16xi32>, vector<16xi32>], vector<16xf32>,
      %add3A_2411 = arith.addf %add3A_2406, %gather3A_2410 : vector<16xf32>
      %add3A_2412 = arith.constant 84 : i32
      %add3A_2413 = vector.broadcast %add3A_2412 : i32 to vector<16xi32>
      %add3A_2414 = arith.addi %add3A_2413, %shift_right_logical3A_2201 : vector<16xi32>
      %gather3A_2415 = tpu.vector_load_idx %arg13[%add3A_2414, %select_n3A_2198] : memref<96x8xf32, #tpu.memory_space<vmem>>[vector<16xi32>, vector<16xi32>], vector<16xf32>,
      %add3A_2416 = arith.addf %add3A_2411, %gather3A_2415 : vector<16xf32>
      %add3A_2417 = arith.constant 86 : i32
      %add3A_2418 = vector.broadcast %add3A_2417 : i32 to vector<16xi32>
      %add3A_2419 = arith.addi %add3A_2418, %shift_right_logical3A_2201 : vector<16xi32>
      %gather3A_2420 = tpu.vector_load_idx %arg13[%add3A_2419, %select_n3A_2198] : memref<96x8xf32, #tpu.memory_space<vmem>>[vector<16xi32>, vector<16xi32>], vector<16xf32>,
      %add3A_2421 = arith.addf %add3A_2416, %gather3A_2420 : vector<16xf32>
      %add3A_2422 = arith.constant 88 : i32
      %add3A_2423 = vector.broadcast %add3A_2422 : i32 to vector<16xi32>
      %add3A_2424 = arith.addi %add3A_2423, %shift_right_logical3A_2201 : vector<16xi32>
      %gather3A_2425 = tpu.vector_load_idx %arg13[%add3A_2424, %select_n3A_2198] : memref<96x8xf32, #tpu.memory_space<vmem>>[vector<16xi32>, vector<16xi32>], vector<16xf32>,
      %add3A_2426 = arith.addf %add3A_2421, %gather3A_2425 : vector<16xf32>
      %add3A_2427 = arith.constant 90 : i32
      %add3A_2428 = vector.broadcast %add3A_2427 : i32 to vector<16xi32>
      %add3A_2429 = arith.addi %add3A_2428, %shift_right_logical3A_2201 : vector<16xi32>
      %gather3A_2430 = tpu.vector_load_idx %arg13[%add3A_2429, %select_n3A_2198] : memref<96x8xf32, #tpu.memory_space<vmem>>[vector<16xi32>, vector<16xi32>], vector<16xf32>,
      %add3A_2431 = arith.addf %add3A_2426, %gather3A_2430 : vector<16xf32>
      %add3A_2432 = arith.constant 92 : i32
      %add3A_2433 = vector.broadcast %add3A_2432 : i32 to vector<16xi32>
      %add3A_2434 = arith.addi %add3A_2433, %shift_right_logical3A_2201 : vector<16xi32>
      %gather3A_2435 = tpu.vector_load_idx %arg13[%add3A_2434, %select_n3A_2198] : memref<96x8xf32, #tpu.memory_space<vmem>>[vector<16xi32>, vector<16xi32>], vector<16xf32>,
      %add3A_2436 = arith.addf %add3A_2431, %gather3A_2435 : vector<16xf32>
      %add3A_2437 = arith.constant 94 : i32
      %add3A_2438 = vector.broadcast %add3A_2437 : i32 to vector<16xi32>
      %add3A_2439 = arith.addi %add3A_2438, %shift_right_logical3A_2201 : vector<16xi32>
      %gather3A_2440 = tpu.vector_load_idx %arg13[%add3A_2439, %select_n3A_2198] : memref<96x8xf32, #tpu.memory_space<vmem>>[vector<16xi32>, vector<16xi32>], vector<16xf32>,
      %add3A_2441 = arith.addf %add3A_2436, %gather3A_2440 : vector<16xf32>
      %mul3A_2442 = arith.constant 4 : i32
      %mul3A_2443 = arith.muli %scan3A_57, %mul3A_2442 : i32
      %add3A_2444 = arith.constant 3 : i32
      %add3A_2445 = arith.addi %mul3A_2443, %add3A_2444 : i32
      %swap3A_2446 = arith.index_cast %add3A_2445 : i32 to index
      %swap3A_2447 = arith.constant 0 : index
      %swap3A_2448 = tpu.vector_load %arg14[%swap3A_2446, %swap3A_2447] {strides = array<i32>} : memref<128x16xf32, #tpu.memory_space<vmem>>, vector<16xf32>,
      tpu.vector_store %arg14[%swap3A_2446, %swap3A_2447], %add3A_2441 {strides = array<i32>} : memref<128x16xf32, #tpu.memory_space<vmem>>, vector<16xf32>,
      %scan3A_2449 = arith.constant 0 : i32
      scf.yield %scan3A_2449 : i32
    }
    %scan3A_56 = arith.constant 32 : i32
    "tpu.region"() ({
      %run_scoped3A = tpu.sem_alloc : memref<!tpu.dma_semaphore, #tpu.memory_space<semaphore_mem>>
      %dma_start3A_57 = arith.constant 0 : i32
      %dma_start3A_58 = tpu.memref_slice %arg4[%mul3A_2, %dma_start3A_57] : memref<4096x16xf32, #tpu.memory_space<hbm>> -> memref<128x16xf32, #tpu.memory_space<hbm>>
      %dma_start3A_59 = arith.constant 0 : i32
      %dma_start3A_60 = tpu.memref_slice %arg4[%mul3A_2, %dma_start3A_59] : memref<4096x16xf32, #tpu.memory_space<hbm>> -> memref<128x16xf32, #tpu.memory_space<hbm>>
      tpu.enqueue_dma source(%arg14 : memref<128x16xf32, #tpu.memory_space<vmem>>) target(%dma_start3A_60 : memref<128x16xf32, #tpu.memory_space<hbm>>) target_semaphore(%run_scoped3A : memref<!tpu.dma_semaphore, #tpu.memory_space<semaphore_mem>>)
      %dma_wait3A = arith.constant 0 : i32
      %dma_wait3A_61 = tpu.memref_slice %arg4[%mul3A_2, %dma_wait3A] : memref<4096x16xf32, #tpu.memory_space<hbm>> -> memref<128x16xf32, #tpu.memory_space<hbm>>
      %dma_wait3A_62 = arith.constant 0 : i32
      %dma_wait3A_63 = tpu.memref_slice %arg4[%mul3A_2, %dma_wait3A_62] : memref<4096x16xf32, #tpu.memory_space<hbm>> -> memref<128x16xf32, #tpu.memory_space<hbm>>
      tpu.wait_dma2 semaphore(%run_scoped3A : memref<!tpu.dma_semaphore, #tpu.memory_space<semaphore_mem>>) src(%arg14 : memref<128x16xf32, #tpu.memory_space<vmem>>) dst(%dma_wait3A_63 : memref<128x16xf32, #tpu.memory_space<hbm>>)
      tpu.yield
    }) : () -> ()
    return
  }
}

module attributes {stable_mosaic.version = 14 : i64} {
  func.func @_compress_body(%arg0: i32, %arg1: memref<32x4096xf32, #tpu.memory_space<vmem>>, %arg2: memref<32x4096xf32, #tpu.memory_space<vmem>>, %arg3: memref<32x4096xf32, #tpu.memory_space<vmem>>, %arg4: memref<32x4096xf32, #tpu.memory_space<vmem>>, %arg5: memref<32x4096xf32, #tpu.memory_space<vmem>>, %arg6: memref<32x4096xf32, #tpu.memory_space<vmem>>, %arg7: memref<32x4096xf32, #tpu.memory_space<vmem>>, %arg8: memref<32x4096xf32, #tpu.memory_space<vmem>>, %arg9: memref<32x4096xf32, #tpu.memory_space<vmem>>, %arg10: memref<32x4096xf32, #tpu.memory_space<vmem>>, %arg11: memref<32x4096xf32, #tpu.memory_space<vmem>>, %arg12: memref<32x4096xf32, #tpu.memory_space<vmem>>, %arg13: memref<32x4096xf32, #tpu.memory_space<vmem>>, %arg14: memref<32x4096xf32, #tpu.memory_space<vmem>>, %arg15: memref<32x4096xf32, #tpu.memory_space<vmem>>, %arg16: memref<32x4096xf32, #tpu.memory_space<vmem>>, %arg17: memref<512x128xf32, #tpu.memory_space<vmem>>, %arg18: memref<4096x128xf32, #tpu.memory_space<vmem>>) attributes {dimension_semantics = [#tpu.dimension_semantics<arbitrary>], iteration_bounds = array<i64: 16>, scalar_prefetch = 0 : i64, scratch_operands = 0 : i64, tpu.core_type = #tpu.core_type<tc>, window_params = [{transform_indices = @transform_0, window_bounds = array<i64: 32, 4096>}, {transform_indices = @transform_1, window_bounds = array<i64: 32, 4096>}, {transform_indices = @transform_2, window_bounds = array<i64: 32, 4096>}, {transform_indices = @transform_3, window_bounds = array<i64: 32, 4096>}, {transform_indices = @transform_4, window_bounds = array<i64: 32, 4096>}, {transform_indices = @transform_5, window_bounds = array<i64: 32, 4096>}, {transform_indices = @transform_6, window_bounds = array<i64: 32, 4096>}, {transform_indices = @transform_7, window_bounds = array<i64: 32, 4096>}, {transform_indices = @transform_8, window_bounds = array<i64: 32, 4096>}, {transform_indices = @transform_9, window_bounds = array<i64: 32, 4096>}, {transform_indices = @transform_10, window_bounds = array<i64: 32, 4096>}, {transform_indices = @transform_11, window_bounds = array<i64: 32, 4096>}, {transform_indices = @transform_12, window_bounds = array<i64: 32, 4096>}, {transform_indices = @transform_13, window_bounds = array<i64: 32, 4096>}, {transform_indices = @transform_14, window_bounds = array<i64: 32, 4096>}, {transform_indices = @transform_15, window_bounds = array<i64: 32, 4096>}, {pipeline_mode = #tpu.pipeline_mode<synchronous>, transform_indices = @transform_16, window_bounds = array<i64: 512, 128>}, {transform_indices = @transform_17, window_bounds = array<i64: 4096, 128>}]} {
    %get3A = arith.constant 0 : index
    %get3A_0 = arith.constant 0 : index
    %get3A_1 = vector.load %arg1[%get3A, %get3A_0] : memref<32x4096xf32, #tpu.memory_space<vmem>>, vector<32x4096xf32>
    %get3A_2 = arith.constant 0 : index
    %get3A_3 = arith.constant 0 : index
    %get3A_4 = vector.load %arg2[%get3A_2, %get3A_3] : memref<32x4096xf32, #tpu.memory_space<vmem>>, vector<32x4096xf32>
    %get3A_5 = arith.constant 0 : index
    %get3A_6 = arith.constant 0 : index
    %get3A_7 = vector.load %arg3[%get3A_5, %get3A_6] : memref<32x4096xf32, #tpu.memory_space<vmem>>, vector<32x4096xf32>
    %get3A_8 = arith.constant 0 : index
    %get3A_9 = arith.constant 0 : index
    %get3A_10 = vector.load %arg4[%get3A_8, %get3A_9] : memref<32x4096xf32, #tpu.memory_space<vmem>>, vector<32x4096xf32>
    %get3A_11 = arith.constant 0 : index
    %get3A_12 = arith.constant 0 : index
    %get3A_13 = vector.load %arg5[%get3A_11, %get3A_12] : memref<32x4096xf32, #tpu.memory_space<vmem>>, vector<32x4096xf32>
    %get3A_14 = arith.constant 0 : index
    %get3A_15 = arith.constant 0 : index
    %get3A_16 = vector.load %arg6[%get3A_14, %get3A_15] : memref<32x4096xf32, #tpu.memory_space<vmem>>, vector<32x4096xf32>
    %get3A_17 = arith.constant 0 : index
    %get3A_18 = arith.constant 0 : index
    %get3A_19 = vector.load %arg7[%get3A_17, %get3A_18] : memref<32x4096xf32, #tpu.memory_space<vmem>>, vector<32x4096xf32>
    %get3A_20 = arith.constant 0 : index
    %get3A_21 = arith.constant 0 : index
    %get3A_22 = vector.load %arg8[%get3A_20, %get3A_21] : memref<32x4096xf32, #tpu.memory_space<vmem>>, vector<32x4096xf32>
    %get3A_23 = arith.constant 0 : index
    %get3A_24 = arith.constant 0 : index
    %get3A_25 = vector.load %arg9[%get3A_23, %get3A_24] : memref<32x4096xf32, #tpu.memory_space<vmem>>, vector<32x4096xf32>
    %get3A_26 = arith.constant 0 : index
    %get3A_27 = arith.constant 0 : index
    %get3A_28 = vector.load %arg10[%get3A_26, %get3A_27] : memref<32x4096xf32, #tpu.memory_space<vmem>>, vector<32x4096xf32>
    %get3A_29 = arith.constant 0 : index
    %get3A_30 = arith.constant 0 : index
    %get3A_31 = vector.load %arg11[%get3A_29, %get3A_30] : memref<32x4096xf32, #tpu.memory_space<vmem>>, vector<32x4096xf32>
    %get3A_32 = arith.constant 0 : index
    %get3A_33 = arith.constant 0 : index
    %get3A_34 = vector.load %arg12[%get3A_32, %get3A_33] : memref<32x4096xf32, #tpu.memory_space<vmem>>, vector<32x4096xf32>
    %get3A_35 = arith.constant 0 : index
    %get3A_36 = arith.constant 0 : index
    %get3A_37 = vector.load %arg13[%get3A_35, %get3A_36] : memref<32x4096xf32, #tpu.memory_space<vmem>>, vector<32x4096xf32>
    %get3A_38 = arith.constant 0 : index
    %get3A_39 = arith.constant 0 : index
    %get3A_40 = vector.load %arg14[%get3A_38, %get3A_39] : memref<32x4096xf32, #tpu.memory_space<vmem>>, vector<32x4096xf32>
    %get3A_41 = arith.constant 0 : index
    %get3A_42 = arith.constant 0 : index
    %get3A_43 = vector.load %arg15[%get3A_41, %get3A_42] : memref<32x4096xf32, #tpu.memory_space<vmem>>, vector<32x4096xf32>
    %get3A_44 = arith.constant 0 : index
    %get3A_45 = arith.constant 0 : index
    %get3A_46 = vector.load %arg16[%get3A_44, %get3A_45] : memref<32x4096xf32, #tpu.memory_space<vmem>>, vector<32x4096xf32>
    %concatenate3A = tpu.concatenate %get3A_1, %get3A_4, %get3A_7, %get3A_10, %get3A_13, %get3A_16, %get3A_19, %get3A_22, %get3A_25, %get3A_28, %get3A_31, %get3A_34, %get3A_37, %get3A_40, %get3A_43, %get3A_46 in 0 : vector<32x4096xf32>, vector<32x4096xf32>, vector<32x4096xf32>, vector<32x4096xf32>, vector<32x4096xf32>, vector<32x4096xf32>, vector<32x4096xf32>, vector<32x4096xf32>, vector<32x4096xf32>, vector<32x4096xf32>, vector<32x4096xf32>, vector<32x4096xf32>, vector<32x4096xf32>, vector<32x4096xf32>, vector<32x4096xf32>, vector<32x4096xf32> -> vector<512x4096xf32>
    %get3A_47 = arith.constant 0 : index
    %get3A_48 = arith.constant 0 : index
    %get3A_49 = vector.load %arg17[%get3A_47, %get3A_48] : memref<512x128xf32, #tpu.memory_space<vmem>>, vector<512x128xf32>
    %dot_general3A = arith.constant dense<0.000000e+00> : vector<4096x128xf32>
    %dot_general3A_50 = tpu.matmul %concatenate3A, %get3A_49, %dot_general3A {dimension_numbers = #tpu.dot_dimension_numbers<[0], [0], [1], [1], [0, 1, 1, 1], [], []>, transpose_lhs_hint = false} : vector<512x4096xf32>, vector<512x128xf32>, vector<4096x128xf32> -> vector<4096x128xf32>
    %swap3A = arith.constant 0 : index
    %swap3A_51 = arith.constant 0 : index
    %swap3A_52 = vector.load %arg18[%swap3A, %swap3A_51] : memref<4096x128xf32, #tpu.memory_space<vmem>>, vector<4096x128xf32>
    tpu.vector_store %arg18[%swap3A, %swap3A_51], %dot_general3A_50 {strides = array<i32>} : memref<4096x128xf32, #tpu.memory_space<vmem>>, vector<4096x128xf32>,
    return
  }
  func.func @transform_0(%arg0: i32) -> (i32, i32) {
    %add3A = arith.constant 0 : i32
    %add3A_0 = arith.addi %add3A, %arg0 : i32
    %min3A = arith.constant 244 : i32
    %min3A_1 = arith.minsi %add3A_0, %min3A : i32
    %c0_i32 = arith.constant 0 : i32
    %c0_i32_2 = arith.constant 0 : i32
    return %c0_i32, %min3A_1 : i32, i32
  }
  func.func @transform_1(%arg0: i32) -> (i32, i32) {
    %add3A = arith.constant 16 : i32
    %add3A_0 = arith.addi %add3A, %arg0 : i32
    %min3A = arith.constant 244 : i32
    %min3A_1 = arith.minsi %add3A_0, %min3A : i32
    %c0_i32 = arith.constant 0 : i32
    %c0_i32_2 = arith.constant 0 : i32
    return %c0_i32, %min3A_1 : i32, i32
  }
  func.func @transform_2(%arg0: i32) -> (i32, i32) {
    %add3A = arith.constant 32 : i32
    %add3A_0 = arith.addi %add3A, %arg0 : i32
    %min3A = arith.constant 244 : i32
    %min3A_1 = arith.minsi %add3A_0, %min3A : i32
    %c0_i32 = arith.constant 0 : i32
    %c0_i32_2 = arith.constant 0 : i32
    return %c0_i32, %min3A_1 : i32, i32
  }
  func.func @transform_3(%arg0: i32) -> (i32, i32) {
    %add3A = arith.constant 48 : i32
    %add3A_0 = arith.addi %add3A, %arg0 : i32
    %min3A = arith.constant 244 : i32
    %min3A_1 = arith.minsi %add3A_0, %min3A : i32
    %c0_i32 = arith.constant 0 : i32
    %c0_i32_2 = arith.constant 0 : i32
    return %c0_i32, %min3A_1 : i32, i32
  }
  func.func @transform_4(%arg0: i32) -> (i32, i32) {
    %add3A = arith.constant 64 : i32
    %add3A_0 = arith.addi %add3A, %arg0 : i32
    %min3A = arith.constant 244 : i32
    %min3A_1 = arith.minsi %add3A_0, %min3A : i32
    %c0_i32 = arith.constant 0 : i32
    %c0_i32_2 = arith.constant 0 : i32
    return %c0_i32, %min3A_1 : i32, i32
  }
  func.func @transform_5(%arg0: i32) -> (i32, i32) {
    %add3A = arith.constant 80 : i32
    %add3A_0 = arith.addi %add3A, %arg0 : i32
    %min3A = arith.constant 244 : i32
    %min3A_1 = arith.minsi %add3A_0, %min3A : i32
    %c0_i32 = arith.constant 0 : i32
    %c0_i32_2 = arith.constant 0 : i32
    return %c0_i32, %min3A_1 : i32, i32
  }
  func.func @transform_6(%arg0: i32) -> (i32, i32) {
    %add3A = arith.constant 96 : i32
    %add3A_0 = arith.addi %add3A, %arg0 : i32
    %min3A = arith.constant 244 : i32
    %min3A_1 = arith.minsi %add3A_0, %min3A : i32
    %c0_i32 = arith.constant 0 : i32
    %c0_i32_2 = arith.constant 0 : i32
    return %c0_i32, %min3A_1 : i32, i32
  }
  func.func @transform_7(%arg0: i32) -> (i32, i32) {
    %add3A = arith.constant 112 : i32
    %add3A_0 = arith.addi %add3A, %arg0 : i32
    %min3A = arith.constant 244 : i32
    %min3A_1 = arith.minsi %add3A_0, %min3A : i32
    %c0_i32 = arith.constant 0 : i32
    %c0_i32_2 = arith.constant 0 : i32
    return %c0_i32, %min3A_1 : i32, i32
  }
  func.func @transform_8(%arg0: i32) -> (i32, i32) {
    %add3A = arith.constant 128 : i32
    %add3A_0 = arith.addi %add3A, %arg0 : i32
    %min3A = arith.constant 244 : i32
    %min3A_1 = arith.minsi %add3A_0, %min3A : i32
    %c0_i32 = arith.constant 0 : i32
    %c0_i32_2 = arith.constant 0 : i32
    return %c0_i32, %min3A_1 : i32, i32
  }
  func.func @transform_9(%arg0: i32) -> (i32, i32) {
    %add3A = arith.constant 144 : i32
    %add3A_0 = arith.addi %add3A, %arg0 : i32
    %min3A = arith.constant 244 : i32
    %min3A_1 = arith.minsi %add3A_0, %min3A : i32
    %c0_i32 = arith.constant 0 : i32
    %c0_i32_2 = arith.constant 0 : i32
    return %c0_i32, %min3A_1 : i32, i32
  }
  func.func @transform_10(%arg0: i32) -> (i32, i32) {
    %add3A = arith.constant 160 : i32
    %add3A_0 = arith.addi %add3A, %arg0 : i32
    %min3A = arith.constant 244 : i32
    %min3A_1 = arith.minsi %add3A_0, %min3A : i32
    %c0_i32 = arith.constant 0 : i32
    %c0_i32_2 = arith.constant 0 : i32
    return %c0_i32, %min3A_1 : i32, i32
  }
  func.func @transform_11(%arg0: i32) -> (i32, i32) {
    %add3A = arith.constant 176 : i32
    %add3A_0 = arith.addi %add3A, %arg0 : i32
    %min3A = arith.constant 244 : i32
    %min3A_1 = arith.minsi %add3A_0, %min3A : i32
    %c0_i32 = arith.constant 0 : i32
    %c0_i32_2 = arith.constant 0 : i32
    return %c0_i32, %min3A_1 : i32, i32
  }
  func.func @transform_12(%arg0: i32) -> (i32, i32) {
    %add3A = arith.constant 192 : i32
    %add3A_0 = arith.addi %add3A, %arg0 : i32
    %min3A = arith.constant 244 : i32
    %min3A_1 = arith.minsi %add3A_0, %min3A : i32
    %c0_i32 = arith.constant 0 : i32
    %c0_i32_2 = arith.constant 0 : i32
    return %c0_i32, %min3A_1 : i32, i32
  }
  func.func @transform_13(%arg0: i32) -> (i32, i32) {
    %add3A = arith.constant 208 : i32
    %add3A_0 = arith.addi %add3A, %arg0 : i32
    %min3A = arith.constant 244 : i32
    %min3A_1 = arith.minsi %add3A_0, %min3A : i32
    %c0_i32 = arith.constant 0 : i32
    %c0_i32_2 = arith.constant 0 : i32
    return %c0_i32, %min3A_1 : i32, i32
  }
  func.func @transform_14(%arg0: i32) -> (i32, i32) {
    %add3A = arith.constant 224 : i32
    %add3A_0 = arith.addi %add3A, %arg0 : i32
    %min3A = arith.constant 244 : i32
    %min3A_1 = arith.minsi %add3A_0, %min3A : i32
    %c0_i32 = arith.constant 0 : i32
    %c0_i32_2 = arith.constant 0 : i32
    return %c0_i32, %min3A_1 : i32, i32
  }
  func.func @transform_15(%arg0: i32) -> (i32, i32) {
    %add3A = arith.constant 240 : i32
    %add3A_0 = arith.addi %add3A, %arg0 : i32
    %min3A = arith.constant 244 : i32
    %min3A_1 = arith.minsi %add3A_0, %min3A : i32
    %c0_i32 = arith.constant 0 : i32
    %c0_i32_2 = arith.constant 0 : i32
    return %c0_i32, %min3A_1 : i32, i32
  }
  func.func @transform_16(%arg0: i32) -> (i32, i32) {
    %c0_i32 = arith.constant 0 : i32
    %c0_i32_0 = arith.constant 0 : i32
    %c0_i32_1 = arith.constant 0 : i32
    return %c0_i32, %c0_i32_0 : i32, i32
  }
  func.func @transform_17(%arg0: i32) -> (i32, i32) {
    %c0_i32 = arith.constant 0 : i32
    %c0_i32_0 = arith.constant 0 : i32
    return %arg0, %c0_i32 : i32, i32
  }
}

module attributes {stable_mosaic.version = 14 : i64} {
  func.func @_head_body(%arg0: memref<4096x16xf32, #tpu.memory_space<vmem>>, %arg1: memref<4096x1xi32, #tpu.memory_space<vmem>>, %arg2: memref<1x2xf32, #tpu.memory_space<vmem>>, %arg3: memref<4096x2xf32, #tpu.memory_space<vmem>>) attributes {dimension_semantics = [], scalar_prefetch = 0 : i64, scratch_operands = 0 : i64, tpu.core_type = #tpu.core_type<tc>} {
    %get3A = arith.constant 0 : index
    %get3A_0 = arith.constant 0 : index
    %get3A_1 = vector.load %arg0[%get3A, %get3A_0] : memref<4096x16xf32, #tpu.memory_space<vmem>>, vector<4096x16xf32>
    %slice3A = vector.extract_strided_slice %get3A_1 {offsets = [0, 0], sizes = [4096, 1], strides = [1, 1]} : vector<4096x16xf32> to vector<4096x1xf32>
    %slice3A_2 = vector.extract_strided_slice %get3A_1 {offsets = [0, 8], sizes = [4096, 1], strides = [1, 1]} : vector<4096x16xf32> to vector<4096x1xf32>
    %add3A = arith.addf %slice3A, %slice3A_2 : vector<4096x1xf32>
    %slice3A_3 = vector.extract_strided_slice %get3A_1 {offsets = [0, 1], sizes = [4096, 1], strides = [1, 1]} : vector<4096x16xf32> to vector<4096x1xf32>
    %slice3A_4 = vector.extract_strided_slice %get3A_1 {offsets = [0, 9], sizes = [4096, 1], strides = [1, 1]} : vector<4096x16xf32> to vector<4096x1xf32>
    %add3A_5 = arith.addf %slice3A_3, %slice3A_4 : vector<4096x1xf32>
    %concatenate3A = tpu.concatenate %add3A, %add3A_5 in 1 : vector<4096x1xf32>, vector<4096x1xf32> -> vector<4096x2xf32>
    %get3A_6 = arith.constant 0 : index
    %get3A_7 = arith.constant 0 : index
    %get3A_8 = vector.load %arg1[%get3A_6, %get3A_7] : memref<4096x1xi32, #tpu.memory_space<vmem>>, vector<4096x1xi32>
    %convert_element_type3A = arith.sitofp %get3A_8 : vector<4096x1xi32> to vector<4096x1xf32>
    %add3A_9 = arith.constant 1.000000e+00 : f32
    %add3A_10 = vector.broadcast %add3A_9 : f32 to vector<4096x1xf32>
    %add3A_11 = arith.addf %convert_element_type3A, %add3A_10 : vector<4096x1xf32>
    %div3A = vector.broadcast %add3A_11 : vector<4096x1xf32> to vector<4096x2xf32>
    %div3A_12 = arith.divf %concatenate3A, %div3A : vector<4096x2xf32>
    %get3A_13 = arith.constant 0 : index
    %get3A_14 = arith.constant 0 : index
    %get3A_15 = vector.load %arg2[%get3A_13, %get3A_14] : memref<1x2xf32, #tpu.memory_space<vmem>>, vector<1x2xf32>
    %add3A_16 = vector.broadcast %get3A_15 : vector<1x2xf32> to vector<4096x2xf32>
    %add3A_17 = arith.addf %div3A_12, %add3A_16 : vector<4096x2xf32>
    %swap3A = arith.constant 0 : index
    %swap3A_18 = arith.constant 0 : index
    %swap3A_19 = vector.load %arg3[%swap3A, %swap3A_18] : memref<4096x2xf32, #tpu.memory_space<vmem>>, vector<4096x2xf32>
    tpu.vector_store %arg3[%swap3A, %swap3A_18], %add3A_17 {strides = array<i32>} : memref<4096x2xf32, #tpu.memory_space<vmem>>, vector<4096x2xf32>,
    return
  }
}

</mosaic_0001>

<sc_bundles>
// kernel: kernel.5.cloned.1.call-start
scs
__scs_entry_jumppad:
0x0: {  	(pc) =	sbr.rel $0x88, $3  }
0x1: {  	(tag) =	ssettag $0x0;
	lr =	simm.s32 $0x1  }
0x2: {  	[smem:$0x3F9C] =	sst lr;
	_ =	strace $0xD0000000  }
0x3: {  	_ = 	snop  }
0x4: {  	_ = 	snop  }
0x5: {  	_ = 	snop  }
0x6: {  	_ = 	snop  }
0x7: {  	_ = 	snop  }
__scs_overlays_trampoline_lowered:
0x8: {  	[smem:$0x3FAB] =	sst s0  }
0x9: {  	[smem:$0x3FAC] =	sst s1  }
0xa: {  	[smem:$0x3FAD] =	sst s2  }
0xb: {  	[smem:$0x3FAE] =	sst s3  }
0xc: {  	[smem:$0x3FAF] =	sst s4  }
0xd: {  	[smem:$0x3FB0] =	sst s5  }
0xe: {  	[smem:$0x3FB1] =	sst s6  }
0xf: {  	[smem:$0x3FB2] =	sst s7  }
0x10: {  	[smem:$0x3FB3] =	sst s8  }
0x11: {  	[smem:$0x3FB4] =	sst s9;
	s0 =	simm.s32 @!p0 $0x0  }
0x12: {  	s1 =	sld [smem:$0x3F9A];
	s0 =	simm.s32 @p0 $0x1  }
0x13: {  	[smem:$0x3FB5] =	sst s0;
	s0 =	simm.s32 @!p1 $0x0  }
0x14: {  	s2 =	sld [smem:$0x3F99];
	s0 =	simm.s32 @p1 $0x1  }
0x15: {  	[smem:$0x3FB6] =	sst s0;
	s0 =	simm.s32 @!p2 $0x0  }
0x16: {  	s3 =	sld [smem:$0x3FDB];
	s0 =	simm.s32 @p2 $0x1  }
0x17: {  	s4 =	simm.s32 $0x1BF5;
	[smem:$0x3FB8] =	sst s0  }
0x18: {  	s0 =	sld [smem:$0x3F9B];
	_ =	swait.ge [sflag:s4], $0x0  }
0x19: {  	s7 =	sld [smem:$0x3F9C]  }
0x1a: {  	s8 =	sadd.s32 $0xFFFFE003, lr  }
0x1b: {  	s9 =	sadd.s32 $0xFFFFFEF7, lr;
	s5 =	simm.s32 $0xFFFFFFFF;
	p2 =	slt.u32 s8, $0xFFFFF086  }
0x1c: {  	p1 =	slt.u32 s9, $0xF7A;
	s5 =	simm.s32 @!p2 $0x0  }
0x1d: {  	s5 =	simm.s32 @p1 $0x1;
	p0 =	seq.s32 s7, s2  }
0x1e: {  	s7 =	smul.u32 @!p0 $0xF7A, s2;
	p2 =	seq.s32 @!p0 s5, $0x0  }
0x1f: {  	s9 =	smul.u32 $0xF7A, s1;
	s8 =	simm.s32 @!p0 $0x1BF5;
	p2 =	por !p2, p0  }
0x20: {  	[sflag:s8] =	ssyncset.s32 @!p0 $0xFFFFF086;
	s6 =	sadd.s32 @!p0 s3, s7;
	s7 =	simm.s32 @!p0 $0x108  }
0x21: {  	s3 =	sadd.s32 s3, s9;
	s6 =	sadd.s32 @!p0 $0x88, s6;
	s7 =	simm.s32 @p2 $0x1082  }
0x22: {  	[simem:s7], [sflag:s8] =	dma.local @!p0 [hbm:s6], $0xF7A  }
0x23: {  	s9 =	sor.u32 $0xD0000000, s2;
	s6 =	simm.s32 $0x108;
	_ =	swait.ge @!p0 [sflag:s8], $0x0  }
0x24: {  	s3 =	sadd.s32 $0x88, s3;
	s6 =	simm.s32 @!p1 $0x1082;
	[sflag:s4] =	ssyncset.s32 $0xFFFFF086  }
0x25: {  	[simem:s6], [sflag:s4] =	dma.local [hbm:s3], $0xF7A  }
0x26: {  	[smem:$0x3F9C] =	sst s1;
	(tag) =	ssettag s2;
	_ =	strace s9  }
0x27: {  	s1 =	sld [smem:$0x3FAC]  }
0x28: {  	s2 =	sld [smem:$0x3FAD]  }
0x29: {  	s4 =	sld [smem:$0x3FAF]  }
0x2a: {  	p0 =	seq.s32 s5, $0x0;
	s5 =	sld [smem:$0x3FB0]  }
0x2b: {  	s6 =	sld [smem:$0x3FB1]  }
0x2c: {  	s7 =	sld [smem:$0x3FB2]  }
0x2d: {  	s3 =	simm.s32 $0x108;
	s8 =	sld [smem:$0x3FB3]  }
0x2e: {  	s3 =	simm.s32 @!p0 $0x1082;
	s9 =	sld [smem:$0x3FB4]  }
0x2f: {  	lr =	sadd.s32 s0, s3;
	s0 =	sld [smem:$0x3FAB]  }
0x30: {  	s3 =	sld [smem:$0x3FAE]  }
0x31: {  	[smem:$0x3FB7] =	sst s10  }
0x32: {  	s10 =	sld [smem:$0x3FB5];
	_ =	sdelay $0x3  }
0x33: {  	p0 =	seq.s32 s10, $0x1;
	s10 =	sld [smem:$0x3FB7];
	_ =	sdelay $0x3  }
0x34: {  	[smem:$0x3FB7] =	sst s10  }
0x35: {  	s10 =	sld [smem:$0x3FB6];
	_ =	sdelay $0x3  }
0x36: {  	p1 =	seq.s32 s10, $0x1;
	s10 =	sld [smem:$0x3FB7];
	_ =	sdelay $0x3  }
0x37: {  	[smem:$0x3FB7] =	sst s10  }
0x38: {  	s10 =	sld [smem:$0x3FB8]  }
0x39: {  	_ = 	snop;
	(pc) =	sbr.ind lr, $3  }
0x3a: {  	_ = 	snop  }
0x3b: {  	_ = 	snop  }
0x3c: {  	p2 =	seq.s32 s10, $0x1;
	s10 =	sld [smem:$0x3FB7]  }
0x3d: {  	_ =	shalt  }
0x3e: {  	_ =	shalt  }
0x3f: {  	_ =	shalt  }
0x40: {  	_ =	shalt  }
0x41: {  	_ =	shalt  }
0x42: {  	_ =	shalt  }
0x43: {  	_ =	shalt  }
0x44: {  	_ =	shalt  }
0x45: {  	_ =	shalt  }
0x46: {  	_ =	shalt  }
0x47: {  	_ =	shalt  }
0x48: {  	_ =	shalt  }
0x49: {  	_ =	shalt  }
0x4a: {  	_ =	shalt  }
0x4b: {  	_ =	shalt  }
0x4c: {  	_ =	shalt  }
0x4d: {  	_ =	shalt  }
0x4e: {  	_ =	shalt  }
0x4f: {  	_ =	shalt  }
0x50: {  	_ =	shalt  }
0x51: {  	_ =	shalt  }
0x52: {  	_ =	shalt  }
0x53: {  	_ =	shalt  }
0x54: {  	_ =	shalt  }
0x55: {  	_ =	shalt  }
0x56: {  	_ =	shalt  }
0x57: {  	_ =	shalt  }
0x58: {  	_ =	shalt  }
0x59: {  	_ =	shalt  }
0x5a: {  	_ =	shalt  }
0x5b: {  	_ =	shalt  }
0x5c: {  	_ =	shalt  }
0x5d: {  	_ =	shalt  }
0x5e: {  	_ =	shalt  }
0x5f: {  	_ =	shalt  }
0x60: {  	_ =	shalt  }
0x61: {  	_ =	shalt  }
0x62: {  	_ =	shalt  }
0x63: {  	_ =	shalt  }
0x64: {  	_ =	shalt  }
0x65: {  	_ =	shalt  }
0x66: {  	_ =	shalt  }
0x67: {  	_ =	shalt  }
0x68: {  	_ =	shalt  }
0x69: {  	_ =	shalt  }
0x6a: {  	_ =	shalt  }
0x6b: {  	_ =	shalt  }
0x6c: {  	_ =	shalt  }
0x6d: {  	_ =	shalt  }
0x6e: {  	_ =	shalt  }
0x6f: {  	_ =	shalt  }
0x70: {  	_ =	shalt  }
0x71: {  	_ =	shalt  }
0x72: {  	_ =	shalt  }
0x73: {  	_ =	shalt  }
0x74: {  	_ =	shalt  }
0x75: {  	_ =	shalt  }
0x76: {  	_ =	shalt  }
0x77: {  	_ =	shalt  }
0x78: {  	_ =	shalt  }
0x79: {  	_ =	shalt  }
0x7a: {  	_ =	shalt  }
0x7b: {  	_ =	shalt  }
0x7c: {  	_ =	shalt  }
0x7d: {  	_ =	shalt  }
0x7e: {  	_ =	shalt  }
0x7f: {  	_ =	shalt  }
0x80: {  	_ =	shalt  }
0x81: {  	_ =	shalt  }
0x82: {  	_ =	shalt  }
0x83: {  	_ =	shalt  }
0x84: {  	_ =	shalt  }
0x85: {  	_ =	shalt  }
0x86: {  	_ =	shalt  }
0x87: {  	_ =	shalt  }
.Lfunc_end0:
.L_simem_size_0:
called_computation_lowered:
.L_overlay_start_0:
0x88: {  	s2 =	sld [smem:$0x3FD9]  }
0x89: {  	s3 =	sld [smem:$0x3FFE];
	_ =	sdelay $0x1  }
0x8a: {  	s1 =	srdreg.scid  }
0x8b: {  	s0 =	sand.u32 $0x1, s1  }
0x8c: {  	s16 =	sshll.u32 s0, $0xA;
	s2 =	sadd.s32 s3, s2  }
0x8d: {  	s2 =	sadd.s32 s2, s16  }
0x8e: {  	[smem:$0x3FC3] =	sst s2  }
0x8f: {  	_ = 	snop  }
0x90: {  	(tm) =	ssettm $0x1  }
0x91: {  	s17 =	sld [smem:$0x3FFB];
	_ =	sdelay $0x3  }
0x92: {  	_ =	strace s17  }
0x93: {  	s2 =	sld [smem:$0x3FFC];
	_ =	sdelay $0x3  }
0x94: {  	_ =	strace s2  }
0x95: {  	s2 =	sld [smem:$0x3FFD];
	_ =	sdelay $0x3  }
0x96: {  	_ =	strace s2  }
0x97: {  	_ =	strace $0x8FFFFFFF  }
0x98: {  	s18 =	sld [smem:$0x3FDB];
	_ =	sdelay $0x1  }
0x99: {  	s19 =	simm.s32 $_scs_section_size  }
0x9a: {  	s4 =	simm.s32 $_size__tile_overlayer_lowered;
	s5 =	simm.s32 $_tile_overlayer_lowered  }
0x9b: {  	s22 =	simm.s32 $0x1BFF;
	s21 =	sshll.u32 s5, $0x1;
	s2 =	sadd.s32 s19, s18  }
0x9c: {  	s6 =	simm.s32 $0x0;
	s20 =	sshll.u32 s4, $0x1;
	s4 =	sadd.s32 s21, s2  }
0x9d: {  	[timem:s6], [sflag:s22] =	dma.local [hbm:s4], s20  }
0x9e: {  	_ =	swait.ge [sflag:s22], s20  }
0x9f: {  	s3 =	ssub.s32 $0x0, s20;
	[sflag:s22] =	ssyncset.done $0x0  }
0xa0: {  	[sflag:s22] =	ssyncadd.s32 s3;
	_ =	sdelay $0x1  }
0xa1: {  	s23 =	simm.s32 $0x1B8B  }
0xa2: {  	_ =	swait.ge [sflag:s23], $0x1  }
0xa3: {  	[sflag:s23] =	ssyncset.done $0x0  }
0xa4: {  	s25 =	simm.s32 $0x1B8E;
	s24 =	sld [smem:$0x3FFE];
	[sflag:s23] =	ssyncadd.s32 $0xFFFFFFFF  }
0xa5: {  	s26 =	simm.s32 $execute0_lowered;
	[smem:$0x3FD2] =	sst s25  }
0xa6: {  	s4 =	sshll.u32 s26, $0x1;
	_ =	strace $0x80000046;
	[dreg:$0x1] =	wrdreg $0xFFFFFFFF  }
0xa7: {  	s28 =	simm.s32 $_size_execute0_lowered;
	s2 =	sadd.s32 s2, s4;
	[dreg:$0x0] =	wrdreg $0x0  }
0xa8: {  	s4 =	sshll.u32 s28, $0x1;
	[dreg:$0x2] =	wrdreg s2  }
0xa9: {  	[dreg:$0x3] =	wrdreg s4  }
0xaa: {  	[dreg:$0x4] =	wrdreg $0xC0  }
0xab: {  	_ =	task [dreg:s6], $0x5FFFF  }
0xac: {  	[dreg:$0x1] =	wrdreg $0xFFFFFFFF  }
0xad: {  	[dreg:$0x0] =	wrdreg $0x60  }
0xae: {  	[dreg:$0x2] =	wrdreg s24  }
0xaf: {  	[dreg:$0x3] =	wrdreg $0x9  }
0xb0: {  	_ =	task.clear_ibuf [dreg:s6], $0x4FFFF;
	_ =	strace $0x90000046  }
0xb1: {  	s29 =	simm.s32 $0x9;
	_ =	strace $0x80000048  }
0xb2: {  	_ =	swait.ge [sflag:s29], $0x1  }
0xb3: {  	[sflag:s29] =	ssyncadd.s32 $0xFFFFFFFF  }
0xb4: {  	_ =	strace $0x90000048  }
0xb5: {  	_ =	sfence  }
0xb6: {  	s30 =	sld [smem:$0x0];
	_ =	sdelay $0x2  }
0xb7: {  	s31 =	sshll.u32 s1, $0xD;
	s1 =	sshrl.u32 s1, $0x2  }
0xb8: {  	s3 =	sand.u32 $0x4000, s31;
	s1 =	sadd.s32 s1, s30  }
0xb9: {  	s0 =	sor.u32 s3, s0;
	s1 =	sshll.u32 s1, $0x11  }
0xba: {  	s0 =	sor.u32 s1, s0  }
0xbb: {  	s0 =	sadd.s32 $0x8F2B, s0  }
0xbc: {  	[sflag:s0] =	ssyncadd.remote.s32 $0x1  }
0xbd: {  	_ =	sfence.sel $0xFFFF  }
0xbe: {  	[dreg:$0x0] =	wrdreg $0xFFFFFFFF;
	(pc) =	sbr.abs _section_cstart, $3  }
0xbf: {  	[dreg:$0x1] =	wrdreg $0xFFFFFFFF  }
0xc0: {  	_ =	task.clear_ibuf [dreg:s6], $0x2FFFF;
	_ =	strace $0x9FFFFFFF  }
0xc1: {  	(tm) =	ssettm $0x7FFFFFFF  }
tec
execute0_lowered:
.L_overlay_start_1:
0x0: {  	(tag) =	ssettag $0x1  }
0x1: {  	v0 =	vlaneseq.u32  }
0x2: {  	v1 =	vor.u32 $0x10, v0;
	v2 =	vor.u32 $0x20, v0;
	v3 =	vor.u32 $0x30, v0  }
0x3: {  	v4 =	vor.u32 $0x40, v0;
	v5 =	vor.u32 $0x50, v0;
	v6 =	vor.u32 $0x60, v0  }
0x4: {  	s0 =	srdreg.scid;
	v7 =	vor.u32 $0x70, v0;
	v8 =	vor.u32 $0x80, v0;
	v9 =	vor.u32 $0x90, v0  }
0x5: {  	s2 =	stileid.u32;
	s1 =	rddreg [dreg:$0x0];
	v10 =	vor.u32 $0xA0, v0;
	v11 =	vor.u32 $0xB0, v0;
	v12 =	vor.u32 $0xC0, v0  }
0x6: {  	s7 =	simm.s32 $0x9;
	s8 =	simm.s32 $0x68;
	s9 =	simm.s32 $0x6400;
	v13 =	vor.u32 $0xD0, v0;
	v14 =	vor.u32 $0xE0, v0;
	v15 =	vor.u32 $0xF0, v0  }
0x7: {  	s10 =	simm.s32 $0x60;
	s11 =	simm.s32 $0x6740;
	s13 =	simm.s32 $0x6A40;
	v16 =	vor.u32 $0x100, v0;
	v17 =	vor.u32 $0x110, v0;
	v18 =	vor.u32 $0x120, v0  }
0x8: {  	s15 =	simm.s32 $0x6D80;
	s17 =	simm.s32 $0x7080;
	s19 =	simm.s32 $0x73C0;
	v19 =	vor.u32 $0x130, v0;
	v20 =	vor.u32 $0x140, v0;
	v21 =	vor.u32 $0x150, v0  }
0x9: {  	s21 =	simm.s32 $0x76C0;
	s22 =	simm.s32 $0x7A00;
	s23 =	simm.s32 $0x1;
	v22 =	vor.u32 $0x160, v0;
	v23 =	vor.u32 $0x170, v0;
	v24 =	vor.u32 $0x180, v0  }
0xa: {  	s24 =	simm.s32 $0x2;
	s25 =	simm.s32 $0x3;
	s28 =	simm.s32 $0x5;
	v25 =	vor.u32 $0x190, v0;
	v26 =	vor.u32 $0x1A0, v0;
	v27 =	vor.u32 $0x1B0, v0  }
0xb: {  	s29 =	simm.s32 $0x6;
	s30 =	simm.s32 $0x7;
	s0 =	sand.u32 $0x1, s0;
	v28 =	vor.u32 $0x1C0, v0;
	v29 =	vor.u32 $0x1D0, v0;
	v30 =	vor.u32 $0x1E0, v0  }
0xc: {  	s3 =	sshll.u32 s2, $0x8;
	s2 =	simm.s32 $0x0;
	v31 =	vor.u32 $0x1F0, v0;
	v32 =	vor.u32 $0x200, v0;
	v33 =	vor.u32 $0x210, v0;
	s4 =	sshll.u32 s0, $0x7  }
0xd: {  	s31 =	simm.s32 $0x8;
	v34 =	vor.u32 $0x220, v0;
	v35 =	vor.u32 $0x230, v0;
	v36 =	vor.u32 $0x240, v0;
	[smem:$0x7FF] =	sst s2;
	s3 =	sor.u32 s4, s3  }
0xe: {  	v37 =	vor.u32 $0x250, v0;
	v38 =	vor.u32 $0x260, v0;
	v39 =	vor.u32 $0x270, v0;
	s0 =	ssub.s32 $0x2, s0;
	_ =	strace $0x80000047;
	s4 =	smul.u32 $0x19, s3  }
0xf: {  	v40 =	vor.u32 $0x280, v0;
	v41 =	vor.u32 $0x290, v0;
	v42 =	vor.u32 $0x2A0, v0;
	s26 =	sshrl.u32 s0, $0x1;
	s5 =	sshll.u32 s3, $0x1;
	s3 =	sadd.s32 $0x19A00, s1  }
0x10: {  	v43 =	vor.u32 $0x2B0, v0;
	v44 =	vor.u32 $0x2C0, v0;
	v45 =	vor.u32 $0x2D0, v0;
	s0 =	ssub.s32 s0, s26;
	s26 =	simm.s32 $0x4;
	s4 =	sadd.s32 s4, s1  }
0x11: {  	v46 =	vor.u32 $0x2E0, v0;
	v47 =	vor.u32 $0x2F0, v0;
	v48 =	vor.u32 $0x300, v0;
	s6 =	smax.u32 s0, $0x1;
	s1 =	sadd.s32 s5, s1;
	s4 =	sadd.s32 $0xA00, s4  }
0x12: {  	v49 =	vor.u32 $0x310, v0;
	v50 =	vor.u32 $0x320, v0;
	v51 =	vor.u32 $0x330, v0;
	s0 =	simm.s32 $0x0;
	s5 =	sadd.s32 $0x119A00, s1;
	[dreg:$0x2] =	wrdreg s4  }
.LBB2_1:
0x13: {  	s1 =	rddreg [dreg:$0x2]  }
0x14: {  	[tilespmem:s2], [sflag:$0x9] =	stream.linear.gather [hbm4b:s1+s2], $0x6400, $0x38;
	[tilespmem:$0x8500] =	vst v63  }
0x15: {  	_ =	swait.ge [sflag:s7], $0x6400  }
0x16: {  	[sflag:s7] =	ssyncset.done $0x0  }
0x17: {  	[sflag:s7] =	ssyncadd.s32 $0xFFFF9C00  }
0x18: {  	[tilespmem:s9], [sflag:$0x1] =	stream.indirect.gather [hbm4b:s3+s8], $0x8, s2, s8, $0xb8;
	[tilespmem:$0x8500] =	vst v63  }
0x19: {  	_ = 	snop  }
0x1a: {  	[tilespmem:s11], [sflag:$0x2] =	stream.indirect.gather [hbm4b:s3+s10], $0x8, s8, s10, $0xb8;
	[tilespmem:$0x8500] =	vst v63  }
0x1b: {  	s12 =	simm.s32 $0xC8  }
0x1c: {  	[tilespmem:s13], [sflag:$0x3] =	stream.indirect.gather [hbm4b:s3+s8], $0x8, s12, s8, $0xb8;
	[tilespmem:$0x8500] =	vst v63  }
0x1d: {  	s14 =	simm.s32 $0x130  }
0x1e: {  	[tilespmem:s15], [sflag:$0x4] =	stream.indirect.gather [hbm4b:s3+s10], $0x8, s14, s10, $0xb8;
	[tilespmem:$0x8500] =	vst v63  }
0x1f: {  	s16 =	simm.s32 $0x190  }
0x20: {  	[tilespmem:s17], [sflag:$0x5] =	stream.indirect.gather [hbm4b:s3+s8], $0x8, s16, s8, $0xb8;
	[tilespmem:$0x8500] =	vst v63  }
0x21: {  	s18 =	simm.s32 $0x1F8  }
0x22: {  	[tilespmem:s19], [sflag:$0x6] =	stream.indirect.gather [hbm4b:s3+s10], $0x8, s18, s10, $0xb8;
	[tilespmem:$0x8500] =	vst v63  }
0x23: {  	s20 =	simm.s32 $0x258;
	s12 =	simm.s32 $0x7D20;
	s14 =	simm.s32 $0x0  }
0x24: {  	[tilespmem:s21], [sflag:$0x7] =	stream.indirect.gather [hbm4b:s3+s8], $0x8, s20, s8, $0xb8;
	[tilespmem:$0x8500] =	vst v63  }
.LBB2_2:
0x25: {  	s16 =	sshra.s32 s14, $0x2  }
0x26: {  	s16 =	sadd.s32 $0x2C0, s16  }
0x27: {  	[tilespmem:s22], [sflag:$0x8] =	stream.indirect.gather [hbm4b:s3+s10], $0x8, s16, s10, $0xb8;
	[tilespmem:$0x8500] =	vst v63  }
0x28: {  	_ =	swait.ge [sflag:s23], $0x340  }
0x29: {  	[sflag:s23] =	ssyncset.done $0x0  }
0x2a: {  	[sflag:s23] =	ssyncadd.s32 $0xFFFFFCC0  }
0x2b: {  	v52 =	vld.idx.msk [tilespmem:v0+s9+$0x0], $0xffff;
	_ =	sdelay $0x1  }
0x2c: {  	v53 =	vld.idx.msk [tilespmem:v1+s9+$0x0], $0xffff;
	_ =	sdelay $0x1  }
0x2d: {  	v54 =	vld.idx.msk [tilespmem:v2+s9+$0x0], $0xffff  }
0x2e: {  	v52 =	vadd.f32 $0.0e+00, v52  }
0x2f: {  	v55 =	vld.idx.msk [tilespmem:v3+s9+$0x0], $0xffff  }
0x30: {  	v52 =	vadd.f32 v53, v52  }
0x31: {  	v62 =	vld.idx.msk [tilespmem:v4+s9+$0x0], $0xffff  }
0x32: {  	v52 =	vadd.f32 v54, v52  }
0x33: {  	v63 =	vld.idx.msk [tilespmem:v5+s9+$0x0], $0xffff  }
0x34: {  	v52 =	vadd.f32 v55, v52  }
0x35: {  	v57 =	vld.idx.msk [tilespmem:v6+s9+$0x0], $0xffff  }
0x36: {  	v52 =	vadd.f32 v62, v52  }
0x37: {  	v58 =	vld.idx.msk [tilespmem:v7+s9+$0x0], $0xffff  }
0x38: {  	v52 =	vadd.f32 v63, v52  }
0x39: {  	v59 =	vld.idx.msk [tilespmem:v8+s9+$0x0], $0xffff  }
0x3a: {  	v52 =	vadd.f32 v57, v52  }
0x3b: {  	v60 =	vld.idx.msk [tilespmem:v9+s9+$0x0], $0xffff  }
0x3c: {  	v52 =	vadd.f32 v58, v52  }
0x3d: {  	v61 =	vld.idx.msk [tilespmem:v10+s9+$0x0], $0xffff  }
0x3e: {  	v52 =	vadd.f32 v59, v52  }
0x3f: {  	v62 =	vld.idx.msk [tilespmem:v11+s9+$0x0], $0xffff  }
0x40: {  	v52 =	vadd.f32 v60, v52  }
0x41: {  	v63 =	vld.idx.msk [tilespmem:v12+s9+$0x0], $0xffff  }
0x42: {  	v52 =	vadd.f32 v61, v52  }
0x43: {  	v57 =	vld.idx.msk [tilespmem:v13+s9+$0x0], $0xffff  }
0x44: {  	v52 =	vadd.f32 v62, v52  }
0x45: {  	v58 =	vld.idx.msk [tilespmem:v14+s9+$0x0], $0xffff  }
0x46: {  	v52 =	vadd.f32 v63, v52  }
0x47: {  	v59 =	vld.idx.msk [tilespmem:v15+s9+$0x0], $0xffff  }
0x48: {  	v52 =	vadd.f32 v57, v52  }
0x49: {  	v60 =	vld.idx.msk [tilespmem:v16+s9+$0x0], $0xffff  }
0x4a: {  	v52 =	vadd.f32 v58, v52  }
0x4b: {  	v61 =	vld.idx.msk [tilespmem:v17+s9+$0x0], $0xffff  }
0x4c: {  	v52 =	vadd.f32 v59, v52  }
0x4d: {  	v62 =	vld.idx.msk [tilespmem:v18+s9+$0x0], $0xffff  }
0x4e: {  	v52 =	vadd.f32 v60, v52  }
0x4f: {  	v63 =	vld.idx.msk [tilespmem:v19+s9+$0x0], $0xffff  }
0x50: {  	v52 =	vadd.f32 v61, v52  }
0x51: {  	v57 =	vld.idx.msk [tilespmem:v20+s9+$0x0], $0xffff  }
0x52: {  	v52 =	vadd.f32 v62, v52  }
0x53: {  	v58 =	vld.idx.msk [tilespmem:v21+s9+$0x0], $0xffff  }
0x54: {  	v52 =	vadd.f32 v63, v52  }
0x55: {  	v59 =	vld.idx.msk [tilespmem:v22+s9+$0x0], $0xffff  }
0x56: {  	v52 =	vadd.f32 v57, v52  }
0x57: {  	v60 =	vld.idx.msk [tilespmem:v23+s9+$0x0], $0xffff  }
0x58: {  	v52 =	vadd.f32 v58, v52  }
0x59: {  	v61 =	vld.idx.msk [tilespmem:v24+s9+$0x0], $0xffff  }
0x5a: {  	v52 =	vadd.f32 v59, v52  }
0x5b: {  	v62 =	vld.idx.msk [tilespmem:v25+s9+$0x0], $0xffff  }
0x5c: {  	v52 =	vadd.f32 v60, v52  }
0x5d: {  	v63 =	vld.idx.msk [tilespmem:v26+s9+$0x0], $0xffff  }
0x5e: {  	v52 =	vadd.f32 v61, v52  }
0x5f: {  	v57 =	vld.idx.msk [tilespmem:v27+s9+$0x0], $0xffff  }
0x60: {  	v52 =	vadd.f32 v62, v52  }
0x61: {  	v58 =	vld.idx.msk [tilespmem:v28+s9+$0x0], $0xffff  }
0x62: {  	v52 =	vadd.f32 v63, v52  }
0x63: {  	v59 =	vld.idx.msk [tilespmem:v29+s9+$0x0], $0xffff  }
0x64: {  	v52 =	vadd.f32 v57, v52  }
0x65: {  	v60 =	vld.idx.msk [tilespmem:v30+s9+$0x0], $0xffff  }
0x66: {  	v52 =	vadd.f32 v58, v52  }
0x67: {  	v61 =	vld.idx.msk [tilespmem:v31+s9+$0x0], $0xffff  }
0x68: {  	v52 =	vadd.f32 v59, v52  }
0x69: {  	v62 =	vld.idx.msk [tilespmem:v32+s9+$0x0], $0xffff  }
0x6a: {  	v52 =	vadd.f32 v60, v52  }
0x6b: {  	v63 =	vld.idx.msk [tilespmem:v33+s9+$0x0], $0xffff  }
0x6c: {  	v52 =	vadd.f32 v61, v52  }
0x6d: {  	v57 =	vld.idx.msk [tilespmem:v34+s9+$0x0], $0xffff  }
0x6e: {  	v52 =	vadd.f32 v62, v52  }
0x6f: {  	v58 =	vld.idx.msk [tilespmem:v35+s9+$0x0], $0xffff  }
0x70: {  	v52 =	vadd.f32 v63, v52  }
0x71: {  	v59 =	vld.idx.msk [tilespmem:v36+s9+$0x0], $0xffff  }
0x72: {  	v52 =	vadd.f32 v57, v52  }
0x73: {  	v60 =	vld.idx.msk [tilespmem:v37+s9+$0x0], $0xffff  }
0x74: {  	v52 =	vadd.f32 v58, v52  }
0x75: {  	v61 =	vld.idx.msk [tilespmem:v38+s9+$0x0], $0xffff  }
0x76: {  	v52 =	vadd.f32 v59, v52  }
0x77: {  	v62 =	vld.idx.msk [tilespmem:v39+s9+$0x0], $0xffff  }
0x78: {  	v52 =	vadd.f32 v60, v52  }
0x79: {  	v63 =	vld.idx.msk [tilespmem:v40+s9+$0x0], $0xffff  }
0x7a: {  	v52 =	vadd.f32 v61, v52  }
0x7b: {  	v57 =	vld.idx.msk [tilespmem:v41+s9+$0x0], $0xffff  }
0x7c: {  	v52 =	vadd.f32 v62, v52  }
0x7d: {  	v58 =	vld.idx.msk [tilespmem:v42+s9+$0x0], $0xffff  }
0x7e: {  	v52 =	vadd.f32 v63, v52  }
0x7f: {  	v59 =	vld.idx.msk [tilespmem:v43+s9+$0x0], $0xffff  }
0x80: {  	v52 =	vadd.f32 v57, v52  }
0x81: {  	v60 =	vld.idx.msk [tilespmem:v44+s9+$0x0], $0xffff  }
0x82: {  	v52 =	vadd.f32 v58, v52  }
0x83: {  	v61 =	vld.idx.msk [tilespmem:v45+s9+$0x0], $0xffff  }
0x84: {  	v52 =	vadd.f32 v59, v52  }
0x85: {  	v62 =	vld.idx.msk [tilespmem:v46+s9+$0x0], $0xffff  }
0x86: {  	v52 =	vadd.f32 v60, v52  }
0x87: {  	v63 =	vld.idx.msk [tilespmem:v47+s9+$0x0], $0xffff  }
0x88: {  	v52 =	vadd.f32 v61, v52  }
0x89: {  	v60 =	vld.idx.msk [tilespmem:v48+s9+$0x0], $0xffff  }
0x8a: {  	p0 =	seq.s32 s14, $0x18380;
	v52 =	vadd.f32 v62, v52  }
0x8b: {  	s16 =	sshra.s32 @!p0 s14, $0x2;
	v61 =	vld.idx.msk [tilespmem:v49+s9+$0x0], $0xffff  }
0x8c: {  	s18 =	simm.s32 @!p0 $0x68;
	s1 =	simm.s32 @!p0 $0x6400;
	s20 =	sadd.s32 @!p0 $0x320, s16;
	v56 =	vld.idx.msk [tilespmem:v50+s9+$0x0], $0xffff;
	v52 =	vadd.f32 v63, v52  }
0x8d: {  	v62 =	vld.idx.msk [tilespmem:v51+s9+$0x0], $0xffff;
	[tilespmem:s1], [sflag:$0x1] =	stream.indirect.gather @!p0 [hbm4b:s3+s18], $0x8, s20, s18, $0xb8  }
0x8e: {  	_ =	swait.ge [sflag:s24], $0x300;
	v52 =	vadd.f32 v60, v52  }
0x8f: {  	[sflag:s24] =	ssyncset.done $0x0  }
0x90: {  	[sflag:s24] =	ssyncadd.s32 $0xFFFFFD00;
	v52 =	vadd.f32 v61, v52  }
0x91: {  	v63 =	vld.idx.msk [tilespmem:v0+s11+$0x0], $0xffff  }
0x92: {  	v52 =	vadd.f32 v56, v52  }
0x93: {  	v57 =	vld.idx.msk [tilespmem:v1+s11+$0x0], $0xffff  }
0x94: {  	v52 =	vadd.f32 v62, v52  }
0x95: {  	v58 =	vld.idx.msk [tilespmem:v2+s11+$0x0], $0xffff  }
0x96: {  	v52 =	vadd.f32 v63, v52  }
0x97: {  	v59 =	vld.idx.msk [tilespmem:v3+s11+$0x0], $0xffff  }
0x98: {  	v52 =	vadd.f32 v57, v52  }
0x99: {  	v60 =	vld.idx.msk [tilespmem:v4+s11+$0x0], $0xffff  }
0x9a: {  	v52 =	vadd.f32 v58, v52  }
0x9b: {  	v61 =	vld.idx.msk [tilespmem:v5+s11+$0x0], $0xffff  }
0x9c: {  	v52 =	vadd.f32 v59, v52  }
0x9d: {  	v62 =	vld.idx.msk [tilespmem:v6+s11+$0x0], $0xffff  }
0x9e: {  	v52 =	vadd.f32 v60, v52  }
0x9f: {  	v63 =	vld.idx.msk [tilespmem:v7+s11+$0x0], $0xffff  }
0xa0: {  	v52 =	vadd.f32 v61, v52  }
0xa1: {  	v57 =	vld.idx.msk [tilespmem:v8+s11+$0x0], $0xffff  }
0xa2: {  	v52 =	vadd.f32 v62, v52  }
0xa3: {  	v58 =	vld.idx.msk [tilespmem:v9+s11+$0x0], $0xffff  }
0xa4: {  	v52 =	vadd.f32 v63, v52  }
0xa5: {  	v59 =	vld.idx.msk [tilespmem:v10+s11+$0x0], $0xffff  }
0xa6: {  	v52 =	vadd.f32 v57, v52  }
0xa7: {  	v60 =	vld.idx.msk [tilespmem:v11+s11+$0x0], $0xffff  }
0xa8: {  	v52 =	vadd.f32 v58, v52  }
0xa9: {  	v61 =	vld.idx.msk [tilespmem:v12+s11+$0x0], $0xffff  }
0xaa: {  	v52 =	vadd.f32 v59, v52  }
0xab: {  	v62 =	vld.idx.msk [tilespmem:v13+s11+$0x0], $0xffff  }
0xac: {  	v52 =	vadd.f32 v60, v52  }
0xad: {  	v63 =	vld.idx.msk [tilespmem:v14+s11+$0x0], $0xffff  }
0xae: {  	v52 =	vadd.f32 v61, v52  }
0xaf: {  	v57 =	vld.idx.msk [tilespmem:v15+s11+$0x0], $0xffff  }
0xb0: {  	v52 =	vadd.f32 v62, v52  }
0xb1: {  	v58 =	vld.idx.msk [tilespmem:v16+s11+$0x0], $0xffff  }
0xb2: {  	v52 =	vadd.f32 v63, v52  }
0xb3: {  	v59 =	vld.idx.msk [tilespmem:v17+s11+$0x0], $0xffff  }
0xb4: {  	v52 =	vadd.f32 v57, v52  }
0xb5: {  	v60 =	vld.idx.msk [tilespmem:v18+s11+$0x0], $0xffff  }
0xb6: {  	v52 =	vadd.f32 v58, v52  }
0xb7: {  	v61 =	vld.idx.msk [tilespmem:v19+s11+$0x0], $0xffff  }
0xb8: {  	v52 =	vadd.f32 v59, v52  }
0xb9: {  	v62 =	vld.idx.msk [tilespmem:v20+s11+$0x0], $0xffff  }
0xba: {  	v52 =	vadd.f32 v60, v52  }
0xbb: {  	v63 =	vld.idx.msk [tilespmem:v21+s11+$0x0], $0xffff  }
0xbc: {  	v52 =	vadd.f32 v61, v52  }
0xbd: {  	v57 =	vld.idx.msk [tilespmem:v22+s11+$0x0], $0xffff  }
0xbe: {  	v52 =	vadd.f32 v62, v52  }
0xbf: {  	v58 =	vld.idx.msk [tilespmem:v23+s11+$0x0], $0xffff  }
0xc0: {  	v52 =	vadd.f32 v63, v52  }
0xc1: {  	v59 =	vld.idx.msk [tilespmem:v24+s11+$0x0], $0xffff  }
0xc2: {  	v52 =	vadd.f32 v57, v52  }
0xc3: {  	v60 =	vld.idx.msk [tilespmem:v25+s11+$0x0], $0xffff  }
0xc4: {  	v52 =	vadd.f32 v58, v52  }
0xc5: {  	v61 =	vld.idx.msk [tilespmem:v26+s11+$0x0], $0xffff  }
0xc6: {  	v52 =	vadd.f32 v59, v52  }
0xc7: {  	v62 =	vld.idx.msk [tilespmem:v27+s11+$0x0], $0xffff  }
0xc8: {  	v52 =	vadd.f32 v60, v52  }
0xc9: {  	v63 =	vld.idx.msk [tilespmem:v28+s11+$0x0], $0xffff  }
0xca: {  	v52 =	vadd.f32 v61, v52  }
0xcb: {  	v57 =	vld.idx.msk [tilespmem:v29+s11+$0x0], $0xffff  }
0xcc: {  	v52 =	vadd.f32 v62, v52  }
0xcd: {  	v58 =	vld.idx.msk [tilespmem:v30+s11+$0x0], $0xffff  }
0xce: {  	v52 =	vadd.f32 v63, v52  }
0xcf: {  	v59 =	vld.idx.msk [tilespmem:v31+s11+$0x0], $0xffff  }
0xd0: {  	v52 =	vadd.f32 v57, v52  }
0xd1: {  	v60 =	vld.idx.msk [tilespmem:v32+s11+$0x0], $0xffff  }
0xd2: {  	v52 =	vadd.f32 v58, v52  }
0xd3: {  	v61 =	vld.idx.msk [tilespmem:v33+s11+$0x0], $0xffff  }
0xd4: {  	v52 =	vadd.f32 v59, v52  }
0xd5: {  	v62 =	vld.idx.msk [tilespmem:v34+s11+$0x0], $0xffff  }
0xd6: {  	v52 =	vadd.f32 v60, v52  }
0xd7: {  	v63 =	vld.idx.msk [tilespmem:v35+s11+$0x0], $0xffff  }
0xd8: {  	v52 =	vadd.f32 v61, v52  }
0xd9: {  	v57 =	vld.idx.msk [tilespmem:v36+s11+$0x0], $0xffff  }
0xda: {  	v52 =	vadd.f32 v62, v52  }
0xdb: {  	v58 =	vld.idx.msk [tilespmem:v37+s11+$0x0], $0xffff  }
0xdc: {  	v52 =	vadd.f32 v63, v52  }
0xdd: {  	v59 =	vld.idx.msk [tilespmem:v38+s11+$0x0], $0xffff  }
0xde: {  	v52 =	vadd.f32 v57, v52  }
0xdf: {  	v60 =	vld.idx.msk [tilespmem:v39+s11+$0x0], $0xffff  }
0xe0: {  	v52 =	vadd.f32 v58, v52  }
0xe1: {  	v61 =	vld.idx.msk [tilespmem:v40+s11+$0x0], $0xffff  }
0xe2: {  	v52 =	vadd.f32 v59, v52  }
0xe3: {  	v62 =	vld.idx.msk [tilespmem:v41+s11+$0x0], $0xffff  }
0xe4: {  	v52 =	vadd.f32 v60, v52  }
0xe5: {  	v63 =	vld.idx.msk [tilespmem:v42+s11+$0x0], $0xffff  }
0xe6: {  	v52 =	vadd.f32 v61, v52  }
0xe7: {  	v57 =	vld.idx.msk [tilespmem:v43+s11+$0x0], $0xffff  }
0xe8: {  	v52 =	vadd.f32 v62, v52  }
0xe9: {  	v58 =	vld.idx.msk [tilespmem:v44+s11+$0x0], $0xffff  }
0xea: {  	v52 =	vadd.f32 v63, v52  }
0xeb: {  	v59 =	vld.idx.msk [tilespmem:v45+s11+$0x0], $0xffff  }
0xec: {  	v52 =	vadd.f32 v57, v52  }
0xed: {  	v60 =	vld.idx.msk [tilespmem:v46+s11+$0x0], $0xffff  }
0xee: {  	v52 =	vadd.f32 v58, v52  }
0xef: {  	v61 =	vld.idx.msk [tilespmem:v47+s11+$0x0], $0xffff  }
0xf0: {  	v52 =	vadd.f32 v59, v52;
	_ =	sdelay $0x1  }
0xf1: {  	v52 =	vadd.f32 v60, v52;
	_ =	sdelay $0x1  }
0xf2: {  	v52 =	vadd.f32 v61, v52;
	_ =	sdelay $0x1  }
0xf3: {  	s4 =	simm.s32 @!p0 $0x6740;
	s1 =	sadd.s32 @!p0 $0x388, s16;
	s20 =	simm.s32 @!p0 $0x60;
	[tilespmem:s12+$0xFFFFFFE0] =	vst v52  }
0xf4: {  	[tilespmem:s4], [sflag:$0x2] =	stream.indirect.gather @!p0 [hbm4b:s3+s20], $0x8, s1, s20, $0xb8;
	[tilespmem:$0x8500] =	vst v63  }
0xf5: {  	_ =	swait.ge [sflag:s25], $0x340  }
0xf6: {  	[sflag:s25] =	ssyncset.done $0x0  }
0xf7: {  	[sflag:s25] =	ssyncadd.s32 $0xFFFFFCC0  }
0xf8: {  	v62 =	vld.idx.msk [tilespmem:v0+s13+$0x0], $0xffff;
	_ =	sdelay $0x1  }
0xf9: {  	v63 =	vld.idx.msk [tilespmem:v1+s13+$0x0], $0xffff;
	_ =	sdelay $0x1  }
0xfa: {  	v57 =	vld.idx.msk [tilespmem:v2+s13+$0x0], $0xffff  }
0xfb: {  	v52 =	vadd.f32 $0.0e+00, v62  }
0xfc: {  	v58 =	vld.idx.msk [tilespmem:v3+s13+$0x0], $0xffff  }
0xfd: {  	v52 =	vadd.f32 v63, v52  }
0xfe: {  	v59 =	vld.idx.msk [tilespmem:v4+s13+$0x0], $0xffff  }
0xff: {  	v52 =	vadd.f32 v57, v52  }
0x100: {  	v60 =	vld.idx.msk [tilespmem:v5+s13+$0x0], $0xffff  }
0x101: {  	v52 =	vadd.f32 v58, v52  }
0x102: {  	v61 =	vld.idx.msk [tilespmem:v6+s13+$0x0], $0xffff  }
0x103: {  	v52 =	vadd.f32 v59, v52  }
0x104: {  	v62 =	vld.idx.msk [tilespmem:v7+s13+$0x0], $0xffff  }
0x105: {  	v52 =	vadd.f32 v60, v52  }
0x106: {  	v63 =	vld.idx.msk [tilespmem:v8+s13+$0x0], $0xffff  }
0x107: {  	v52 =	vadd.f32 v61, v52  }
0x108: {  	v57 =	vld.idx.msk [tilespmem:v9+s13+$0x0], $0xffff  }
0x109: {  	v52 =	vadd.f32 v62, v52  }
0x10a: {  	v58 =	vld.idx.msk [tilespmem:v10+s13+$0x0], $0xffff  }
0x10b: {  	v52 =	vadd.f32 v63, v52  }
0x10c: {  	v59 =	vld.idx.msk [tilespmem:v11+s13+$0x0], $0xffff  }
0x10d: {  	v52 =	vadd.f32 v57, v52  }
0x10e: {  	v60 =	vld.idx.msk [tilespmem:v12+s13+$0x0], $0xffff  }
0x10f: {  	v52 =	vadd.f32 v58, v52  }
0x110: {  	v61 =	vld.idx.msk [tilespmem:v13+s13+$0x0], $0xffff  }
0x111: {  	v52 =	vadd.f32 v59, v52  }
0x112: {  	v62 =	vld.idx.msk [tilespmem:v14+s13+$0x0], $0xffff  }
0x113: {  	v52 =	vadd.f32 v60, v52  }
0x114: {  	v63 =	vld.idx.msk [tilespmem:v15+s13+$0x0], $0xffff  }
0x115: {  	v52 =	vadd.f32 v61, v52  }
0x116: {  	v57 =	vld.idx.msk [tilespmem:v16+s13+$0x0], $0xffff  }
0x117: {  	v52 =	vadd.f32 v62, v52  }
0x118: {  	v58 =	vld.idx.msk [tilespmem:v17+s13+$0x0], $0xffff  }
0x119: {  	v52 =	vadd.f32 v63, v52  }
0x11a: {  	v59 =	vld.idx.msk [tilespmem:v18+s13+$0x0], $0xffff  }
0x11b: {  	v52 =	vadd.f32 v57, v52  }
0x11c: {  	v60 =	vld.idx.msk [tilespmem:v19+s13+$0x0], $0xffff  }
0x11d: {  	v52 =	vadd.f32 v58, v52  }
0x11e: {  	v61 =	vld.idx.msk [tilespmem:v20+s13+$0x0], $0xffff  }
0x11f: {  	v52 =	vadd.f32 v59, v52  }
0x120: {  	v62 =	vld.idx.msk [tilespmem:v21+s13+$0x0], $0xffff  }
0x121: {  	v52 =	vadd.f32 v60, v52  }
0x122: {  	v63 =	vld.idx.msk [tilespmem:v22+s13+$0x0], $0xffff  }
0x123: {  	v52 =	vadd.f32 v61, v52  }
0x124: {  	v57 =	vld.idx.msk [tilespmem:v23+s13+$0x0], $0xffff  }
0x125: {  	v52 =	vadd.f32 v62, v52  }
0x126: {  	v58 =	vld.idx.msk [tilespmem:v24+s13+$0x0], $0xffff  }
0x127: {  	v52 =	vadd.f32 v63, v52  }
0x128: {  	v59 =	vld.idx.msk [tilespmem:v25+s13+$0x0], $0xffff  }
0x129: {  	v52 =	vadd.f32 v57, v52  }
0x12a: {  	v60 =	vld.idx.msk [tilespmem:v26+s13+$0x0], $0xffff  }
0x12b: {  	v52 =	vadd.f32 v58, v52  }
0x12c: {  	v61 =	vld.idx.msk [tilespmem:v27+s13+$0x0], $0xffff  }
0x12d: {  	v52 =	vadd.f32 v59, v52  }
0x12e: {  	v62 =	vld.idx.msk [tilespmem:v28+s13+$0x0], $0xffff  }
0x12f: {  	v52 =	vadd.f32 v60, v52  }
0x130: {  	v63 =	vld.idx.msk [tilespmem:v29+s13+$0x0], $0xffff  }
0x131: {  	v52 =	vadd.f32 v61, v52  }
0x132: {  	v57 =	vld.idx.msk [tilespmem:v30+s13+$0x0], $0xffff  }
0x133: {  	v52 =	vadd.f32 v62, v52  }
0x134: {  	v58 =	vld.idx.msk [tilespmem:v31+s13+$0x0], $0xffff  }
0x135: {  	v52 =	vadd.f32 v63, v52  }
0x136: {  	v59 =	vld.idx.msk [tilespmem:v32+s13+$0x0], $0xffff  }
0x137: {  	v52 =	vadd.f32 v57, v52  }
0x138: {  	v60 =	vld.idx.msk [tilespmem:v33+s13+$0x0], $0xffff  }
0x139: {  	v52 =	vadd.f32 v58, v52  }
0x13a: {  	v61 =	vld.idx.msk [tilespmem:v34+s13+$0x0], $0xffff  }
0x13b: {  	v52 =	vadd.f32 v59, v52  }
0x13c: {  	v62 =	vld.idx.msk [tilespmem:v35+s13+$0x0], $0xffff  }
0x13d: {  	v52 =	vadd.f32 v60, v52  }
0x13e: {  	v63 =	vld.idx.msk [tilespmem:v36+s13+$0x0], $0xffff  }
0x13f: {  	v52 =	vadd.f32 v61, v52  }
0x140: {  	v57 =	vld.idx.msk [tilespmem:v37+s13+$0x0], $0xffff  }
0x141: {  	v52 =	vadd.f32 v62, v52  }
0x142: {  	v58 =	vld.idx.msk [tilespmem:v38+s13+$0x0], $0xffff  }
0x143: {  	v52 =	vadd.f32 v63, v52  }
0x144: {  	v59 =	vld.idx.msk [tilespmem:v39+s13+$0x0], $0xffff  }
0x145: {  	v52 =	vadd.f32 v57, v52  }
0x146: {  	v60 =	vld.idx.msk [tilespmem:v40+s13+$0x0], $0xffff  }
0x147: {  	v52 =	vadd.f32 v58, v52  }
0x148: {  	v61 =	vld.idx.msk [tilespmem:v41+s13+$0x0], $0xffff  }
0x149: {  	v52 =	vadd.f32 v59, v52  }
0x14a: {  	v62 =	vld.idx.msk [tilespmem:v42+s13+$0x0], $0xffff  }
0x14b: {  	v52 =	vadd.f32 v60, v52  }
0x14c: {  	v63 =	vld.idx.msk [tilespmem:v43+s13+$0x0], $0xffff  }
0x14d: {  	v52 =	vadd.f32 v61, v52  }
0x14e: {  	v57 =	vld.idx.msk [tilespmem:v44+s13+$0x0], $0xffff  }
0x14f: {  	v52 =	vadd.f32 v62, v52  }
0x150: {  	v58 =	vld.idx.msk [tilespmem:v45+s13+$0x0], $0xffff  }
0x151: {  	v52 =	vadd.f32 v63, v52  }
0x152: {  	v59 =	vld.idx.msk [tilespmem:v46+s13+$0x0], $0xffff  }
0x153: {  	v52 =	vadd.f32 v57, v52  }
0x154: {  	v60 =	vld.idx.msk [tilespmem:v47+s13+$0x0], $0xffff  }
0x155: {  	v52 =	vadd.f32 v58, v52  }
0x156: {  	v61 =	vld.idx.msk [tilespmem:v48+s13+$0x0], $0xffff  }
0x157: {  	v52 =	vadd.f32 v59, v52  }
0x158: {  	v62 =	vld.idx.msk [tilespmem:v49+s13+$0x0], $0xffff  }
0x159: {  	s1 =	sadd.s32 @!p0 $0x3E8, s16;
	s4 =	simm.s32 @!p0 $0x6A40;
	v63 =	vld.idx.msk [tilespmem:v50+s13+$0x0], $0xffff;
	v52 =	vadd.f32 v60, v52  }
0x15a: {  	v57 =	vld.idx.msk [tilespmem:v51+s13+$0x0], $0xffff;
	[tilespmem:s4], [sflag:$0x3] =	stream.indirect.gather @!p0 [hbm4b:s3+s18], $0x8, s1, s18, $0xb8  }
0x15b: {  	_ =	swait.ge [sflag:s26], $0x300;
	v52 =	vadd.f32 v61, v52  }
0x15c: {  	[sflag:s26] =	ssyncset.done $0x0  }
0x15d: {  	[sflag:s26] =	ssyncadd.s32 $0xFFFFFD00;
	v52 =	vadd.f32 v62, v52  }
0x15e: {  	v58 =	vld.idx.msk [tilespmem:v0+s15+$0x0], $0xffff  }
0x15f: {  	v52 =	vadd.f32 v63, v52  }
0x160: {  	v59 =	vld.idx.msk [tilespmem:v1+s15+$0x0], $0xffff  }
0x161: {  	v52 =	vadd.f32 v57, v52  }
0x162: {  	v60 =	vld.idx.msk [tilespmem:v2+s15+$0x0], $0xffff  }
0x163: {  	v52 =	vadd.f32 v58, v52  }
0x164: {  	v61 =	vld.idx.msk [tilespmem:v3+s15+$0x0], $0xffff  }
0x165: {  	v52 =	vadd.f32 v59, v52  }
0x166: {  	v62 =	vld.idx.msk [tilespmem:v4+s15+$0x0], $0xffff  }
0x167: {  	v52 =	vadd.f32 v60, v52  }
0x168: {  	v63 =	vld.idx.msk [tilespmem:v5+s15+$0x0], $0xffff  }
0x169: {  	v52 =	vadd.f32 v61, v52  }
0x16a: {  	v57 =	vld.idx.msk [tilespmem:v6+s15+$0x0], $0xffff  }
0x16b: {  	v52 =	vadd.f32 v62, v52  }
0x16c: {  	v58 =	vld.idx.msk [tilespmem:v7+s15+$0x0], $0xffff  }
0x16d: {  	v52 =	vadd.f32 v63, v52  }
0x16e: {  	v59 =	vld.idx.msk [tilespmem:v8+s15+$0x0], $0xffff  }
0x16f: {  	v52 =	vadd.f32 v57, v52  }
0x170: {  	v60 =	vld.idx.msk [tilespmem:v9+s15+$0x0], $0xffff  }
0x171: {  	v52 =	vadd.f32 v58, v52  }
0x172: {  	v61 =	vld.idx.msk [tilespmem:v10+s15+$0x0], $0xffff  }
0x173: {  	v52 =	vadd.f32 v59, v52  }
0x174: {  	v62 =	vld.idx.msk [tilespmem:v11+s15+$0x0], $0xffff  }
0x175: {  	v52 =	vadd.f32 v60, v52  }
0x176: {  	v63 =	vld.idx.msk [tilespmem:v12+s15+$0x0], $0xffff  }
0x177: {  	v52 =	vadd.f32 v61, v52  }
0x178: {  	v57 =	vld.idx.msk [tilespmem:v13+s15+$0x0], $0xffff  }
0x179: {  	v52 =	vadd.f32 v62, v52  }
0x17a: {  	v58 =	vld.idx.msk [tilespmem:v14+s15+$0x0], $0xffff  }
0x17b: {  	v52 =	vadd.f32 v63, v52  }
0x17c: {  	v59 =	vld.idx.msk [tilespmem:v15+s15+$0x0], $0xffff  }
0x17d: {  	v52 =	vadd.f32 v57, v52  }
0x17e: {  	v60 =	vld.idx.msk [tilespmem:v16+s15+$0x0], $0xffff  }
0x17f: {  	v52 =	vadd.f32 v58, v52  }
0x180: {  	v61 =	vld.idx.msk [tilespmem:v17+s15+$0x0], $0xffff  }
0x181: {  	v52 =	vadd.f32 v59, v52  }
0x182: {  	v62 =	vld.idx.msk [tilespmem:v18+s15+$0x0], $0xffff  }
0x183: {  	v52 =	vadd.f32 v60, v52  }
0x184: {  	v63 =	vld.idx.msk [tilespmem:v19+s15+$0x0], $0xffff  }
0x185: {  	v52 =	vadd.f32 v61, v52  }
0x186: {  	v57 =	vld.idx.msk [tilespmem:v20+s15+$0x0], $0xffff  }
0x187: {  	v52 =	vadd.f32 v62, v52  }
0x188: {  	v58 =	vld.idx.msk [tilespmem:v21+s15+$0x0], $0xffff  }
0x189: {  	v52 =	vadd.f32 v63, v52  }
0x18a: {  	v59 =	vld.idx.msk [tilespmem:v22+s15+$0x0], $0xffff  }
0x18b: {  	v52 =	vadd.f32 v57, v52  }
0x18c: {  	v60 =	vld.idx.msk [tilespmem:v23+s15+$0x0], $0xffff  }
0x18d: {  	v52 =	vadd.f32 v58, v52  }
0x18e: {  	v61 =	vld.idx.msk [tilespmem:v24+s15+$0x0], $0xffff  }
0x18f: {  	v52 =	vadd.f32 v59, v52  }
0x190: {  	v62 =	vld.idx.msk [tilespmem:v25+s15+$0x0], $0xffff  }
0x191: {  	v52 =	vadd.f32 v60, v52  }
0x192: {  	v63 =	vld.idx.msk [tilespmem:v26+s15+$0x0], $0xffff  }
0x193: {  	v52 =	vadd.f32 v61, v52  }
0x194: {  	v57 =	vld.idx.msk [tilespmem:v27+s15+$0x0], $0xffff  }
0x195: {  	v52 =	vadd.f32 v62, v52  }
0x196: {  	v58 =	vld.idx.msk [tilespmem:v28+s15+$0x0], $0xffff  }
0x197: {  	v52 =	vadd.f32 v63, v52  }
0x198: {  	v59 =	vld.idx.msk [tilespmem:v29+s15+$0x0], $0xffff  }
0x199: {  	v52 =	vadd.f32 v57, v52  }
0x19a: {  	v60 =	vld.idx.msk [tilespmem:v30+s15+$0x0], $0xffff  }
0x19b: {  	v52 =	vadd.f32 v58, v52  }
0x19c: {  	v61 =	vld.idx.msk [tilespmem:v31+s15+$0x0], $0xffff  }
0x19d: {  	v52 =	vadd.f32 v59, v52  }
0x19e: {  	v62 =	vld.idx.msk [tilespmem:v32+s15+$0x0], $0xffff  }
0x19f: {  	v52 =	vadd.f32 v60, v52  }
0x1a0: {  	v63 =	vld.idx.msk [tilespmem:v33+s15+$0x0], $0xffff  }
0x1a1: {  	v52 =	vadd.f32 v61, v52  }
0x1a2: {  	v57 =	vld.idx.msk [tilespmem:v34+s15+$0x0], $0xffff  }
0x1a3: {  	v52 =	vadd.f32 v62, v52  }
0x1a4: {  	v58 =	vld.idx.msk [tilespmem:v35+s15+$0x0], $0xffff  }
0x1a5: {  	v52 =	vadd.f32 v63, v52  }
0x1a6: {  	v59 =	vld.idx.msk [tilespmem:v36+s15+$0x0], $0xffff  }
0x1a7: {  	v52 =	vadd.f32 v57, v52  }
0x1a8: {  	v60 =	vld.idx.msk [tilespmem:v37+s15+$0x0], $0xffff  }
0x1a9: {  	v52 =	vadd.f32 v58, v52  }
0x1aa: {  	v61 =	vld.idx.msk [tilespmem:v38+s15+$0x0], $0xffff  }
0x1ab: {  	v52 =	vadd.f32 v59, v52  }
0x1ac: {  	v62 =	vld.idx.msk [tilespmem:v39+s15+$0x0], $0xffff  }
0x1ad: {  	v52 =	vadd.f32 v60, v52  }
0x1ae: {  	v63 =	vld.idx.msk [tilespmem:v40+s15+$0x0], $0xffff  }
0x1af: {  	v52 =	vadd.f32 v61, v52  }
0x1b0: {  	v57 =	vld.idx.msk [tilespmem:v41+s15+$0x0], $0xffff  }
0x1b1: {  	v52 =	vadd.f32 v62, v52  }
0x1b2: {  	v58 =	vld.idx.msk [tilespmem:v42+s15+$0x0], $0xffff  }
0x1b3: {  	v52 =	vadd.f32 v63, v52  }
0x1b4: {  	v59 =	vld.idx.msk [tilespmem:v43+s15+$0x0], $0xffff  }
0x1b5: {  	v52 =	vadd.f32 v57, v52  }
0x1b6: {  	v60 =	vld.idx.msk [tilespmem:v44+s15+$0x0], $0xffff  }
0x1b7: {  	v52 =	vadd.f32 v58, v52  }
0x1b8: {  	v61 =	vld.idx.msk [tilespmem:v45+s15+$0x0], $0xffff  }
0x1b9: {  	v52 =	vadd.f32 v59, v52  }
0x1ba: {  	v62 =	vld.idx.msk [tilespmem:v46+s15+$0x0], $0xffff  }
0x1bb: {  	v52 =	vadd.f32 v60, v52  }
0x1bc: {  	v63 =	vld.idx.msk [tilespmem:v47+s15+$0x0], $0xffff  }
0x1bd: {  	v52 =	vadd.f32 v61, v52;
	_ =	sdelay $0x1  }
0x1be: {  	v52 =	vadd.f32 v62, v52;
	_ =	sdelay $0x1  }
0x1bf: {  	v52 =	vadd.f32 v63, v52;
	_ =	sdelay $0x1  }
0x1c0: {  	s1 =	sadd.s32 @!p0 $0x450, s16;
	s4 =	simm.s32 @!p0 $0x6D80;
	[tilespmem:s12+$0xFFFFFFF0] =	vst v52  }
0x1c1: {  	[tilespmem:s4], [sflag:$0x4] =	stream.indirect.gather @!p0 [hbm4b:s3+s20], $0x8, s1, s20, $0xb8;
	[tilespmem:$0x8500] =	vst v63  }
0x1c2: {  	_ =	swait.ge [sflag:s28], $0x340  }
0x1c3: {  	[sflag:s28] =	ssyncset.done $0x0  }
0x1c4: {  	[sflag:s28] =	ssyncadd.s32 $0xFFFFFCC0  }
0x1c5: {  	v57 =	vld.idx.msk [tilespmem:v0+s17+$0x0], $0xffff;
	_ =	sdelay $0x1  }
0x1c6: {  	v58 =	vld.idx.msk [tilespmem:v1+s17+$0x0], $0xffff;
	_ =	sdelay $0x1  }
0x1c7: {  	v59 =	vld.idx.msk [tilespmem:v2+s17+$0x0], $0xffff  }
0x1c8: {  	v52 =	vadd.f32 $0.0e+00, v57  }
0x1c9: {  	v60 =	vld.idx.msk [tilespmem:v3+s17+$0x0], $0xffff  }
0x1ca: {  	v52 =	vadd.f32 v58, v52  }
0x1cb: {  	v61 =	vld.idx.msk [tilespmem:v4+s17+$0x0], $0xffff  }
0x1cc: {  	v52 =	vadd.f32 v59, v52  }
0x1cd: {  	v62 =	vld.idx.msk [tilespmem:v5+s17+$0x0], $0xffff  }
0x1ce: {  	v52 =	vadd.f32 v60, v52  }
0x1cf: {  	v63 =	vld.idx.msk [tilespmem:v6+s17+$0x0], $0xffff  }
0x1d0: {  	v52 =	vadd.f32 v61, v52  }
0x1d1: {  	v57 =	vld.idx.msk [tilespmem:v7+s17+$0x0], $0xffff  }
0x1d2: {  	v52 =	vadd.f32 v62, v52  }
0x1d3: {  	v58 =	vld.idx.msk [tilespmem:v8+s17+$0x0], $0xffff  }
0x1d4: {  	v52 =	vadd.f32 v63, v52  }
0x1d5: {  	v59 =	vld.idx.msk [tilespmem:v9+s17+$0x0], $0xffff  }
0x1d6: {  	v52 =	vadd.f32 v57, v52  }
0x1d7: {  	v60 =	vld.idx.msk [tilespmem:v10+s17+$0x0], $0xffff  }
0x1d8: {  	v52 =	vadd.f32 v58, v52  }
0x1d9: {  	v61 =	vld.idx.msk [tilespmem:v11+s17+$0x0], $0xffff  }
0x1da: {  	v52 =	vadd.f32 v59, v52  }
0x1db: {  	v62 =	vld.idx.msk [tilespmem:v12+s17+$0x0], $0xffff  }
0x1dc: {  	v52 =	vadd.f32 v60, v52  }
0x1dd: {  	v63 =	vld.idx.msk [tilespmem:v13+s17+$0x0], $0xffff  }
0x1de: {  	v52 =	vadd.f32 v61, v52  }
0x1df: {  	v57 =	vld.idx.msk [tilespmem:v14+s17+$0x0], $0xffff  }
0x1e0: {  	v52 =	vadd.f32 v62, v52  }
0x1e1: {  	v58 =	vld.idx.msk [tilespmem:v15+s17+$0x0], $0xffff  }
0x1e2: {  	v52 =	vadd.f32 v63, v52  }
0x1e3: {  	v59 =	vld.idx.msk [tilespmem:v16+s17+$0x0], $0xffff  }
0x1e4: {  	v52 =	vadd.f32 v57, v52  }
0x1e5: {  	v60 =	vld.idx.msk [tilespmem:v17+s17+$0x0], $0xffff  }
0x1e6: {  	v52 =	vadd.f32 v58, v52  }
0x1e7: {  	v61 =	vld.idx.msk [tilespmem:v18+s17+$0x0], $0xffff  }
0x1e8: {  	v52 =	vadd.f32 v59, v52  }
0x1e9: {  	v62 =	vld.idx.msk [tilespmem:v19+s17+$0x0], $0xffff  }
0x1ea: {  	v52 =	vadd.f32 v60, v52  }
0x1eb: {  	v63 =	vld.idx.msk [tilespmem:v20+s17+$0x0], $0xffff  }
0x1ec: {  	v52 =	vadd.f32 v61, v52  }
0x1ed: {  	v57 =	vld.idx.msk [tilespmem:v21+s17+$0x0], $0xffff  }
0x1ee: {  	v52 =	vadd.f32 v62, v52  }
0x1ef: {  	v58 =	vld.idx.msk [tilespmem:v22+s17+$0x0], $0xffff  }
0x1f0: {  	v52 =	vadd.f32 v63, v52  }
0x1f1: {  	v59 =	vld.idx.msk [tilespmem:v23+s17+$0x0], $0xffff  }
0x1f2: {  	v52 =	vadd.f32 v57, v52  }
0x1f3: {  	v60 =	vld.idx.msk [tilespmem:v24+s17+$0x0], $0xffff  }
0x1f4: {  	v52 =	vadd.f32 v58, v52  }
0x1f5: {  	v61 =	vld.idx.msk [tilespmem:v25+s17+$0x0], $0xffff  }
0x1f6: {  	v52 =	vadd.f32 v59, v52  }
0x1f7: {  	v62 =	vld.idx.msk [tilespmem:v26+s17+$0x0], $0xffff  }
0x1f8: {  	v52 =	vadd.f32 v60, v52  }
0x1f9: {  	v63 =	vld.idx.msk [tilespmem:v27+s17+$0x0], $0xffff  }
0x1fa: {  	v52 =	vadd.f32 v61, v52  }
0x1fb: {  	v57 =	vld.idx.msk [tilespmem:v28+s17+$0x0], $0xffff  }
0x1fc: {  	v52 =	vadd.f32 v62, v52  }
0x1fd: {  	v58 =	vld.idx.msk [tilespmem:v29+s17+$0x0], $0xffff  }
0x1fe: {  	v52 =	vadd.f32 v63, v52  }
0x1ff: {  	v59 =	vld.idx.msk [tilespmem:v30+s17+$0x0], $0xffff  }
0x200: {  	v52 =	vadd.f32 v57, v52  }
0x201: {  	v60 =	vld.idx.msk [tilespmem:v31+s17+$0x0], $0xffff  }
0x202: {  	v52 =	vadd.f32 v58, v52  }
0x203: {  	v61 =	vld.idx.msk [tilespmem:v32+s17+$0x0], $0xffff  }
0x204: {  	v52 =	vadd.f32 v59, v52  }
0x205: {  	v62 =	vld.idx.msk [tilespmem:v33+s17+$0x0], $0xffff  }
0x206: {  	v52 =	vadd.f32 v60, v52  }
0x207: {  	v63 =	vld.idx.msk [tilespmem:v34+s17+$0x0], $0xffff  }
0x208: {  	v52 =	vadd.f32 v61, v52  }
0x209: {  	v57 =	vld.idx.msk [tilespmem:v35+s17+$0x0], $0xffff  }
0x20a: {  	v52 =	vadd.f32 v62, v52  }
0x20b: {  	v58 =	vld.idx.msk [tilespmem:v36+s17+$0x0], $0xffff  }
0x20c: {  	v52 =	vadd.f32 v63, v52  }
0x20d: {  	v59 =	vld.idx.msk [tilespmem:v37+s17+$0x0], $0xffff  }
0x20e: {  	v52 =	vadd.f32 v57, v52  }
0x20f: {  	v60 =	vld.idx.msk [tilespmem:v38+s17+$0x0], $0xffff  }
0x210: {  	v52 =	vadd.f32 v58, v52  }
0x211: {  	v61 =	vld.idx.msk [tilespmem:v39+s17+$0x0], $0xffff  }
0x212: {  	v52 =	vadd.f32 v59, v52  }
0x213: {  	v62 =	vld.idx.msk [tilespmem:v40+s17+$0x0], $0xffff  }
0x214: {  	v52 =	vadd.f32 v60, v52  }
0x215: {  	v63 =	vld.idx.msk [tilespmem:v41+s17+$0x0], $0xffff  }
0x216: {  	v52 =	vadd.f32 v61, v52  }
0x217: {  	v57 =	vld.idx.msk [tilespmem:v42+s17+$0x0], $0xffff  }
0x218: {  	v52 =	vadd.f32 v62, v52  }
0x219: {  	v58 =	vld.idx.msk [tilespmem:v43+s17+$0x0], $0xffff  }
0x21a: {  	v52 =	vadd.f32 v63, v52  }
0x21b: {  	v59 =	vld.idx.msk [tilespmem:v44+s17+$0x0], $0xffff  }
0x21c: {  	v52 =	vadd.f32 v57, v52  }
0x21d: {  	v60 =	vld.idx.msk [tilespmem:v45+s17+$0x0], $0xffff  }
0x21e: {  	v52 =	vadd.f32 v58, v52  }
0x21f: {  	v61 =	vld.idx.msk [tilespmem:v46+s17+$0x0], $0xffff  }
0x220: {  	v52 =	vadd.f32 v59, v52  }
0x221: {  	v62 =	vld.idx.msk [tilespmem:v47+s17+$0x0], $0xffff  }
0x222: {  	v52 =	vadd.f32 v60, v52  }
0x223: {  	v63 =	vld.idx.msk [tilespmem:v48+s17+$0x0], $0xffff  }
0x224: {  	v52 =	vadd.f32 v61, v52  }
0x225: {  	v60 =	vld.idx.msk [tilespmem:v49+s17+$0x0], $0xffff  }
0x226: {  	s1 =	sadd.s32 @!p0 $0x4B0, s16;
	s4 =	simm.s32 @!p0 $0x7080;
	v61 =	vld.idx.msk [tilespmem:v50+s17+$0x0], $0xffff;
	v52 =	vadd.f32 v62, v52  }
0x227: {  	v62 =	vld.idx.msk [tilespmem:v51+s17+$0x0], $0xffff;
	[tilespmem:s4], [sflag:$0x5] =	stream.indirect.gather @!p0 [hbm4b:s3+s18], $0x8, s1, s18, $0xb8  }
0x228: {  	_ =	swait.ge [sflag:s29], $0x300;
	v52 =	vadd.f32 v63, v52  }
0x229: {  	[sflag:s29] =	ssyncset.done $0x0  }
0x22a: {  	[sflag:s29] =	ssyncadd.s32 $0xFFFFFD00;
	v52 =	vadd.f32 v60, v52  }
0x22b: {  	v63 =	vld.idx.msk [tilespmem:v0+s19+$0x0], $0xffff  }
0x22c: {  	v52 =	vadd.f32 v61, v52  }
0x22d: {  	v57 =	vld.idx.msk [tilespmem:v1+s19+$0x0], $0xffff  }
0x22e: {  	v52 =	vadd.f32 v62, v52  }
0x22f: {  	v58 =	vld.idx.msk [tilespmem:v2+s19+$0x0], $0xffff  }
0x230: {  	v52 =	vadd.f32 v63, v52  }
0x231: {  	v59 =	vld.idx.msk [tilespmem:v3+s19+$0x0], $0xffff  }
0x232: {  	v52 =	vadd.f32 v57, v52  }
0x233: {  	v60 =	vld.idx.msk [tilespmem:v4+s19+$0x0], $0xffff  }
0x234: {  	v52 =	vadd.f32 v58, v52  }
0x235: {  	v61 =	vld.idx.msk [tilespmem:v5+s19+$0x0], $0xffff  }
0x236: {  	v52 =	vadd.f32 v59, v52  }
0x237: {  	v62 =	vld.idx.msk [tilespmem:v6+s19+$0x0], $0xffff  }
0x238: {  	v52 =	vadd.f32 v60, v52  }
0x239: {  	v63 =	vld.idx.msk [tilespmem:v7+s19+$0x0], $0xffff  }
0x23a: {  	v52 =	vadd.f32 v61, v52  }
0x23b: {  	v57 =	vld.idx.msk [tilespmem:v8+s19+$0x0], $0xffff  }
0x23c: {  	v52 =	vadd.f32 v62, v52  }
0x23d: {  	v58 =	vld.idx.msk [tilespmem:v9+s19+$0x0], $0xffff  }
0x23e: {  	v52 =	vadd.f32 v63, v52  }
0x23f: {  	v59 =	vld.idx.msk [tilespmem:v10+s19+$0x0], $0xffff  }
0x240: {  	v52 =	vadd.f32 v57, v52  }
0x241: {  	v60 =	vld.idx.msk [tilespmem:v11+s19+$0x0], $0xffff  }
0x242: {  	v52 =	vadd.f32 v58, v52  }
0x243: {  	v61 =	vld.idx.msk [tilespmem:v12+s19+$0x0], $0xffff  }
0x244: {  	v52 =	vadd.f32 v59, v52  }
0x245: {  	v62 =	vld.idx.msk [tilespmem:v13+s19+$0x0], $0xffff  }
0x246: {  	v52 =	vadd.f32 v60, v52  }
0x247: {  	v63 =	vld.idx.msk [tilespmem:v14+s19+$0x0], $0xffff  }
0x248: {  	v52 =	vadd.f32 v61, v52  }
0x249: {  	v57 =	vld.idx.msk [tilespmem:v15+s19+$0x0], $0xffff  }
0x24a: {  	v52 =	vadd.f32 v62, v52  }
0x24b: {  	v58 =	vld.idx.msk [tilespmem:v16+s19+$0x0], $0xffff  }
0x24c: {  	v52 =	vadd.f32 v63, v52  }
0x24d: {  	v59 =	vld.idx.msk [tilespmem:v17+s19+$0x0], $0xffff  }
0x24e: {  	v52 =	vadd.f32 v57, v52  }
0x24f: {  	v60 =	vld.idx.msk [tilespmem:v18+s19+$0x0], $0xffff  }
0x250: {  	v52 =	vadd.f32 v58, v52  }
0x251: {  	v61 =	vld.idx.msk [tilespmem:v19+s19+$0x0], $0xffff  }
0x252: {  	v52 =	vadd.f32 v59, v52  }
0x253: {  	v62 =	vld.idx.msk [tilespmem:v20+s19+$0x0], $0xffff  }
0x254: {  	v52 =	vadd.f32 v60, v52  }
0x255: {  	v63 =	vld.idx.msk [tilespmem:v21+s19+$0x0], $0xffff  }
0x256: {  	v52 =	vadd.f32 v61, v52  }
0x257: {  	v57 =	vld.idx.msk [tilespmem:v22+s19+$0x0], $0xffff  }
0x258: {  	v52 =	vadd.f32 v62, v52  }
0x259: {  	v58 =	vld.idx.msk [tilespmem:v23+s19+$0x0], $0xffff  }
0x25a: {  	v52 =	vadd.f32 v63, v52  }
0x25b: {  	v59 =	vld.idx.msk [tilespmem:v24+s19+$0x0], $0xffff  }
0x25c: {  	v52 =	vadd.f32 v57, v52  }
0x25d: {  	v60 =	vld.idx.msk [tilespmem:v25+s19+$0x0], $0xffff  }
0x25e: {  	v52 =	vadd.f32 v58, v52  }
0x25f: {  	v61 =	vld.idx.msk [tilespmem:v26+s19+$0x0], $0xffff  }
0x260: {  	v52 =	vadd.f32 v59, v52  }
0x261: {  	v62 =	vld.idx.msk [tilespmem:v27+s19+$0x0], $0xffff  }
0x262: {  	v52 =	vadd.f32 v60, v52  }
0x263: {  	v63 =	vld.idx.msk [tilespmem:v28+s19+$0x0], $0xffff  }
0x264: {  	v52 =	vadd.f32 v61, v52  }
0x265: {  	v57 =	vld.idx.msk [tilespmem:v29+s19+$0x0], $0xffff  }
0x266: {  	v52 =	vadd.f32 v62, v52  }
0x267: {  	v58 =	vld.idx.msk [tilespmem:v30+s19+$0x0], $0xffff  }
0x268: {  	v52 =	vadd.f32 v63, v52  }
0x269: {  	v59 =	vld.idx.msk [tilespmem:v31+s19+$0x0], $0xffff  }
0x26a: {  	v52 =	vadd.f32 v57, v52  }
0x26b: {  	v60 =	vld.idx.msk [tilespmem:v32+s19+$0x0], $0xffff  }
0x26c: {  	v52 =	vadd.f32 v58, v52  }
0x26d: {  	v61 =	vld.idx.msk [tilespmem:v33+s19+$0x0], $0xffff  }
0x26e: {  	v52 =	vadd.f32 v59, v52  }
0x26f: {  	v62 =	vld.idx.msk [tilespmem:v34+s19+$0x0], $0xffff  }
0x270: {  	v52 =	vadd.f32 v60, v52  }
0x271: {  	v63 =	vld.idx.msk [tilespmem:v35+s19+$0x0], $0xffff  }
0x272: {  	v52 =	vadd.f32 v61, v52  }
0x273: {  	v57 =	vld.idx.msk [tilespmem:v36+s19+$0x0], $0xffff  }
0x274: {  	v52 =	vadd.f32 v62, v52  }
0x275: {  	v58 =	vld.idx.msk [tilespmem:v37+s19+$0x0], $0xffff  }
0x276: {  	v52 =	vadd.f32 v63, v52  }
0x277: {  	v59 =	vld.idx.msk [tilespmem:v38+s19+$0x0], $0xffff  }
0x278: {  	v52 =	vadd.f32 v57, v52  }
0x279: {  	v60 =	vld.idx.msk [tilespmem:v39+s19+$0x0], $0xffff  }
0x27a: {  	v52 =	vadd.f32 v58, v52  }
0x27b: {  	v61 =	vld.idx.msk [tilespmem:v40+s19+$0x0], $0xffff  }
0x27c: {  	v52 =	vadd.f32 v59, v52  }
0x27d: {  	v62 =	vld.idx.msk [tilespmem:v41+s19+$0x0], $0xffff  }
0x27e: {  	v52 =	vadd.f32 v60, v52  }
0x27f: {  	v63 =	vld.idx.msk [tilespmem:v42+s19+$0x0], $0xffff  }
0x280: {  	v52 =	vadd.f32 v61, v52  }
0x281: {  	v57 =	vld.idx.msk [tilespmem:v43+s19+$0x0], $0xffff  }
0x282: {  	v52 =	vadd.f32 v62, v52  }
0x283: {  	v58 =	vld.idx.msk [tilespmem:v44+s19+$0x0], $0xffff  }
0x284: {  	v52 =	vadd.f32 v63, v52  }
0x285: {  	v59 =	vld.idx.msk [tilespmem:v45+s19+$0x0], $0xffff  }
0x286: {  	v52 =	vadd.f32 v57, v52  }
0x287: {  	v60 =	vld.idx.msk [tilespmem:v46+s19+$0x0], $0xffff  }
0x288: {  	v52 =	vadd.f32 v58, v52  }
0x289: {  	v61 =	vld.idx.msk [tilespmem:v47+s19+$0x0], $0xffff  }
0x28a: {  	v52 =	vadd.f32 v59, v52;
	_ =	sdelay $0x1  }
0x28b: {  	v52 =	vadd.f32 v60, v52;
	_ =	sdelay $0x1  }
0x28c: {  	v52 =	vadd.f32 v61, v52;
	_ =	sdelay $0x1  }
0x28d: {  	s1 =	sadd.s32 @!p0 $0x518, s16;
	s4 =	simm.s32 @!p0 $0x73C0;
	[tilespmem:s12+$0x0] =	vst v52  }
0x28e: {  	[tilespmem:s4], [sflag:$0x6] =	stream.indirect.gather @!p0 [hbm4b:s3+s20], $0x8, s1, s20, $0xb8;
	[tilespmem:$0x8500] =	vst v63  }
0x28f: {  	_ =	swait.ge [sflag:s30], $0x340  }
0x290: {  	[sflag:s30] =	ssyncset.done $0x0  }
0x291: {  	[sflag:s30] =	ssyncadd.s32 $0xFFFFFCC0  }
0x292: {  	v62 =	vld.idx.msk [tilespmem:v0+s21+$0x0], $0xffff;
	_ =	sdelay $0x1  }
0x293: {  	v63 =	vld.idx.msk [tilespmem:v1+s21+$0x0], $0xffff;
	_ =	sdelay $0x1  }
0x294: {  	v57 =	vld.idx.msk [tilespmem:v2+s21+$0x0], $0xffff  }
0x295: {  	v52 =	vadd.f32 $0.0e+00, v62  }
0x296: {  	v58 =	vld.idx.msk [tilespmem:v3+s21+$0x0], $0xffff  }
0x297: {  	v52 =	vadd.f32 v63, v52  }
0x298: {  	v59 =	vld.idx.msk [tilespmem:v4+s21+$0x0], $0xffff  }
0x299: {  	v52 =	vadd.f32 v57, v52  }
0x29a: {  	v60 =	vld.idx.msk [tilespmem:v5+s21+$0x0], $0xffff  }
0x29b: {  	v52 =	vadd.f32 v58, v52  }
0x29c: {  	v61 =	vld.idx.msk [tilespmem:v6+s21+$0x0], $0xffff  }
0x29d: {  	v52 =	vadd.f32 v59, v52  }
0x29e: {  	v62 =	vld.idx.msk [tilespmem:v7+s21+$0x0], $0xffff  }
0x29f: {  	v52 =	vadd.f32 v60, v52  }
0x2a0: {  	v63 =	vld.idx.msk [tilespmem:v8+s21+$0x0], $0xffff  }
0x2a1: {  	v52 =	vadd.f32 v61, v52  }
0x2a2: {  	v57 =	vld.idx.msk [tilespmem:v9+s21+$0x0], $0xffff  }
0x2a3: {  	v52 =	vadd.f32 v62, v52  }
0x2a4: {  	v58 =	vld.idx.msk [tilespmem:v10+s21+$0x0], $0xffff  }
0x2a5: {  	v52 =	vadd.f32 v63, v52  }
0x2a6: {  	v59 =	vld.idx.msk [tilespmem:v11+s21+$0x0], $0xffff  }
0x2a7: {  	v52 =	vadd.f32 v57, v52  }
0x2a8: {  	v60 =	vld.idx.msk [tilespmem:v12+s21+$0x0], $0xffff  }
0x2a9: {  	v52 =	vadd.f32 v58, v52  }
0x2aa: {  	v61 =	vld.idx.msk [tilespmem:v13+s21+$0x0], $0xffff  }
0x2ab: {  	v52 =	vadd.f32 v59, v52  }
0x2ac: {  	v62 =	vld.idx.msk [tilespmem:v14+s21+$0x0], $0xffff  }
0x2ad: {  	v52 =	vadd.f32 v60, v52  }
0x2ae: {  	v63 =	vld.idx.msk [tilespmem:v15+s21+$0x0], $0xffff  }
0x2af: {  	v52 =	vadd.f32 v61, v52  }
0x2b0: {  	v57 =	vld.idx.msk [tilespmem:v16+s21+$0x0], $0xffff  }
0x2b1: {  	v52 =	vadd.f32 v62, v52  }
0x2b2: {  	v58 =	vld.idx.msk [tilespmem:v17+s21+$0x0], $0xffff  }
0x2b3: {  	v52 =	vadd.f32 v63, v52  }
0x2b4: {  	v59 =	vld.idx.msk [tilespmem:v18+s21+$0x0], $0xffff  }
0x2b5: {  	v52 =	vadd.f32 v57, v52  }
0x2b6: {  	v60 =	vld.idx.msk [tilespmem:v19+s21+$0x0], $0xffff  }
0x2b7: {  	v52 =	vadd.f32 v58, v52  }
0x2b8: {  	v61 =	vld.idx.msk [tilespmem:v20+s21+$0x0], $0xffff  }
0x2b9: {  	v52 =	vadd.f32 v59, v52  }
0x2ba: {  	v62 =	vld.idx.msk [tilespmem:v21+s21+$0x0], $0xffff  }
0x2bb: {  	v52 =	vadd.f32 v60, v52  }
0x2bc: {  	v63 =	vld.idx.msk [tilespmem:v22+s21+$0x0], $0xffff  }
0x2bd: {  	v52 =	vadd.f32 v61, v52  }
0x2be: {  	v57 =	vld.idx.msk [tilespmem:v23+s21+$0x0], $0xffff  }
0x2bf: {  	v52 =	vadd.f32 v62, v52  }
0x2c0: {  	v58 =	vld.idx.msk [tilespmem:v24+s21+$0x0], $0xffff  }
0x2c1: {  	v52 =	vadd.f32 v63, v52  }
0x2c2: {  	v59 =	vld.idx.msk [tilespmem:v25+s21+$0x0], $0xffff  }
0x2c3: {  	v52 =	vadd.f32 v57, v52  }
0x2c4: {  	v60 =	vld.idx.msk [tilespmem:v26+s21+$0x0], $0xffff  }
0x2c5: {  	v52 =	vadd.f32 v58, v52  }
0x2c6: {  	v61 =	vld.idx.msk [tilespmem:v27+s21+$0x0], $0xffff  }
0x2c7: {  	v52 =	vadd.f32 v59, v52  }
0x2c8: {  	v62 =	vld.idx.msk [tilespmem:v28+s21+$0x0], $0xffff  }
0x2c9: {  	v52 =	vadd.f32 v60, v52  }
0x2ca: {  	v63 =	vld.idx.msk [tilespmem:v29+s21+$0x0], $0xffff  }
0x2cb: {  	v52 =	vadd.f32 v61, v52  }
0x2cc: {  	v57 =	vld.idx.msk [tilespmem:v30+s21+$0x0], $0xffff  }
0x2cd: {  	v52 =	vadd.f32 v62, v52  }
0x2ce: {  	v58 =	vld.idx.msk [tilespmem:v31+s21+$0x0], $0xffff  }
0x2cf: {  	v52 =	vadd.f32 v63, v52  }
0x2d0: {  	v59 =	vld.idx.msk [tilespmem:v32+s21+$0x0], $0xffff  }
0x2d1: {  	v52 =	vadd.f32 v57, v52  }
0x2d2: {  	v60 =	vld.idx.msk [tilespmem:v33+s21+$0x0], $0xffff  }
0x2d3: {  	v52 =	vadd.f32 v58, v52  }
0x2d4: {  	v61 =	vld.idx.msk [tilespmem:v34+s21+$0x0], $0xffff  }
0x2d5: {  	v52 =	vadd.f32 v59, v52  }
0x2d6: {  	v62 =	vld.idx.msk [tilespmem:v35+s21+$0x0], $0xffff  }
0x2d7: {  	v52 =	vadd.f32 v60, v52  }
0x2d8: {  	v63 =	vld.idx.msk [tilespmem:v36+s21+$0x0], $0xffff  }
0x2d9: {  	v52 =	vadd.f32 v61, v52  }
0x2da: {  	v57 =	vld.idx.msk [tilespmem:v37+s21+$0x0], $0xffff  }
0x2db: {  	v52 =	vadd.f32 v62, v52  }
0x2dc: {  	v58 =	vld.idx.msk [tilespmem:v38+s21+$0x0], $0xffff  }
0x2dd: {  	v52 =	vadd.f32 v63, v52  }
0x2de: {  	v59 =	vld.idx.msk [tilespmem:v39+s21+$0x0], $0xffff  }
0x2df: {  	v52 =	vadd.f32 v57, v52  }
0x2e0: {  	v60 =	vld.idx.msk [tilespmem:v40+s21+$0x0], $0xffff  }
0x2e1: {  	v52 =	vadd.f32 v58, v52  }
0x2e2: {  	v61 =	vld.idx.msk [tilespmem:v41+s21+$0x0], $0xffff  }
0x2e3: {  	v52 =	vadd.f32 v59, v52  }
0x2e4: {  	v62 =	vld.idx.msk [tilespmem:v42+s21+$0x0], $0xffff  }
0x2e5: {  	v52 =	vadd.f32 v60, v52  }
0x2e6: {  	v63 =	vld.idx.msk [tilespmem:v43+s21+$0x0], $0xffff  }
0x2e7: {  	v52 =	vadd.f32 v61, v52  }
0x2e8: {  	v57 =	vld.idx.msk [tilespmem:v44+s21+$0x0], $0xffff  }
0x2e9: {  	v52 =	vadd.f32 v62, v52  }
0x2ea: {  	v58 =	vld.idx.msk [tilespmem:v45+s21+$0x0], $0xffff  }
0x2eb: {  	v52 =	vadd.f32 v63, v52  }
0x2ec: {  	v59 =	vld.idx.msk [tilespmem:v46+s21+$0x0], $0xffff  }
0x2ed: {  	v52 =	vadd.f32 v57, v52  }
0x2ee: {  	v60 =	vld.idx.msk [tilespmem:v47+s21+$0x0], $0xffff  }
0x2ef: {  	v52 =	vadd.f32 v58, v52  }
0x2f0: {  	v61 =	vld.idx.msk [tilespmem:v48+s21+$0x0], $0xffff  }
0x2f1: {  	v52 =	vadd.f32 v59, v52  }
0x2f2: {  	v62 =	vld.idx.msk [tilespmem:v49+s21+$0x0], $0xffff  }
0x2f3: {  	s1 =	sadd.s32 @!p0 $0x578, s16;
	s4 =	simm.s32 @!p0 $0x76C0;
	v63 =	vld.idx.msk [tilespmem:v50+s21+$0x0], $0xffff;
	v52 =	vadd.f32 v60, v52  }
0x2f4: {  	v57 =	vld.idx.msk [tilespmem:v51+s21+$0x0], $0xffff;
	[tilespmem:s4], [sflag:$0x7] =	stream.indirect.gather @!p0 [hbm4b:s3+s18], $0x8, s1, s18, $0xb8  }
0x2f5: {  	_ =	swait.ge [sflag:s31], $0x300;
	v52 =	vadd.f32 v61, v52  }
0x2f6: {  	[sflag:s31] =	ssyncset.done $0x0  }
0x2f7: {  	[sflag:s31] =	ssyncadd.s32 $0xFFFFFD00;
	v52 =	vadd.f32 v62, v52  }
0x2f8: {  	v58 =	vld.idx.msk [tilespmem:v0+s22+$0x0], $0xffff  }
0x2f9: {  	v52 =	vadd.f32 v63, v52  }
0x2fa: {  	v59 =	vld.idx.msk [tilespmem:v1+s22+$0x0], $0xffff  }
0x2fb: {  	v52 =	vadd.f32 v57, v52  }
0x2fc: {  	v60 =	vld.idx.msk [tilespmem:v2+s22+$0x0], $0xffff  }
0x2fd: {  	v52 =	vadd.f32 v58, v52  }
0x2fe: {  	v61 =	vld.idx.msk [tilespmem:v3+s22+$0x0], $0xffff  }
0x2ff: {  	v52 =	vadd.f32 v59, v52  }
0x300: {  	v62 =	vld.idx.msk [tilespmem:v4+s22+$0x0], $0xffff  }
0x301: {  	v52 =	vadd.f32 v60, v52  }
0x302: {  	v63 =	vld.idx.msk [tilespmem:v5+s22+$0x0], $0xffff  }
0x303: {  	v52 =	vadd.f32 v61, v52  }
0x304: {  	v57 =	vld.idx.msk [tilespmem:v6+s22+$0x0], $0xffff  }
0x305: {  	v52 =	vadd.f32 v62, v52  }
0x306: {  	v58 =	vld.idx.msk [tilespmem:v7+s22+$0x0], $0xffff  }
0x307: {  	v52 =	vadd.f32 v63, v52  }
0x308: {  	v59 =	vld.idx.msk [tilespmem:v8+s22+$0x0], $0xffff  }
0x309: {  	v52 =	vadd.f32 v57, v52  }
0x30a: {  	v60 =	vld.idx.msk [tilespmem:v9+s22+$0x0], $0xffff  }
0x30b: {  	v52 =	vadd.f32 v58, v52  }
0x30c: {  	v61 =	vld.idx.msk [tilespmem:v10+s22+$0x0], $0xffff  }
0x30d: {  	v52 =	vadd.f32 v59, v52  }
0x30e: {  	v62 =	vld.idx.msk [tilespmem:v11+s22+$0x0], $0xffff  }
0x30f: {  	v52 =	vadd.f32 v60, v52  }
0x310: {  	v63 =	vld.idx.msk [tilespmem:v12+s22+$0x0], $0xffff  }
0x311: {  	v52 =	vadd.f32 v61, v52  }
0x312: {  	v57 =	vld.idx.msk [tilespmem:v13+s22+$0x0], $0xffff  }
0x313: {  	v52 =	vadd.f32 v62, v52  }
0x314: {  	v58 =	vld.idx.msk [tilespmem:v14+s22+$0x0], $0xffff  }
0x315: {  	v52 =	vadd.f32 v63, v52  }
0x316: {  	v59 =	vld.idx.msk [tilespmem:v15+s22+$0x0], $0xffff  }
0x317: {  	v52 =	vadd.f32 v57, v52  }
0x318: {  	v60 =	vld.idx.msk [tilespmem:v16+s22+$0x0], $0xffff  }
0x319: {  	v52 =	vadd.f32 v58, v52  }
0x31a: {  	v61 =	vld.idx.msk [tilespmem:v17+s22+$0x0], $0xffff  }
0x31b: {  	v52 =	vadd.f32 v59, v52  }
0x31c: {  	v62 =	vld.idx.msk [tilespmem:v18+s22+$0x0], $0xffff  }
0x31d: {  	v52 =	vadd.f32 v60, v52  }
0x31e: {  	v63 =	vld.idx.msk [tilespmem:v19+s22+$0x0], $0xffff  }
0x31f: {  	v52 =	vadd.f32 v61, v52  }
0x320: {  	v57 =	vld.idx.msk [tilespmem:v20+s22+$0x0], $0xffff  }
0x321: {  	v52 =	vadd.f32 v62, v52  }
0x322: {  	v58 =	vld.idx.msk [tilespmem:v21+s22+$0x0], $0xffff  }
0x323: {  	v52 =	vadd.f32 v63, v52  }
0x324: {  	v59 =	vld.idx.msk [tilespmem:v22+s22+$0x0], $0xffff  }
0x325: {  	v52 =	vadd.f32 v57, v52  }
0x326: {  	v60 =	vld.idx.msk [tilespmem:v23+s22+$0x0], $0xffff  }
0x327: {  	v52 =	vadd.f32 v58, v52  }
0x328: {  	v61 =	vld.idx.msk [tilespmem:v24+s22+$0x0], $0xffff  }
0x329: {  	v52 =	vadd.f32 v59, v52  }
0x32a: {  	v62 =	vld.idx.msk [tilespmem:v25+s22+$0x0], $0xffff  }
0x32b: {  	v52 =	vadd.f32 v60, v52  }
0x32c: {  	v63 =	vld.idx.msk [tilespmem:v26+s22+$0x0], $0xffff  }
0x32d: {  	v52 =	vadd.f32 v61, v52  }
0x32e: {  	v57 =	vld.idx.msk [tilespmem:v27+s22+$0x0], $0xffff  }
0x32f: {  	v52 =	vadd.f32 v62, v52  }
0x330: {  	v58 =	vld.idx.msk [tilespmem:v28+s22+$0x0], $0xffff  }
0x331: {  	v52 =	vadd.f32 v63, v52  }
0x332: {  	v59 =	vld.idx.msk [tilespmem:v29+s22+$0x0], $0xffff  }
0x333: {  	v52 =	vadd.f32 v57, v52  }
0x334: {  	v60 =	vld.idx.msk [tilespmem:v30+s22+$0x0], $0xffff  }
0x335: {  	v52 =	vadd.f32 v58, v52  }
0x336: {  	v61 =	vld.idx.msk [tilespmem:v31+s22+$0x0], $0xffff  }
0x337: {  	v52 =	vadd.f32 v59, v52  }
0x338: {  	v62 =	vld.idx.msk [tilespmem:v32+s22+$0x0], $0xffff  }
0x339: {  	v52 =	vadd.f32 v60, v52  }
0x33a: {  	v63 =	vld.idx.msk [tilespmem:v33+s22+$0x0], $0xffff  }
0x33b: {  	v52 =	vadd.f32 v61, v52  }
0x33c: {  	v57 =	vld.idx.msk [tilespmem:v34+s22+$0x0], $0xffff  }
0x33d: {  	v52 =	vadd.f32 v62, v52  }
0x33e: {  	v58 =	vld.idx.msk [tilespmem:v35+s22+$0x0], $0xffff  }
0x33f: {  	v52 =	vadd.f32 v63, v52  }
0x340: {  	v59 =	vld.idx.msk [tilespmem:v36+s22+$0x0], $0xffff  }
0x341: {  	v52 =	vadd.f32 v57, v52  }
0x342: {  	v60 =	vld.idx.msk [tilespmem:v37+s22+$0x0], $0xffff  }
0x343: {  	v52 =	vadd.f32 v58, v52  }
0x344: {  	v61 =	vld.idx.msk [tilespmem:v38+s22+$0x0], $0xffff  }
0x345: {  	v52 =	vadd.f32 v59, v52  }
0x346: {  	v62 =	vld.idx.msk [tilespmem:v39+s22+$0x0], $0xffff  }
0x347: {  	v52 =	vadd.f32 v60, v52  }
0x348: {  	v63 =	vld.idx.msk [tilespmem:v40+s22+$0x0], $0xffff  }
0x349: {  	v52 =	vadd.f32 v61, v52  }
0x34a: {  	v57 =	vld.idx.msk [tilespmem:v41+s22+$0x0], $0xffff  }
0x34b: {  	v52 =	vadd.f32 v62, v52  }
0x34c: {  	v58 =	vld.idx.msk [tilespmem:v42+s22+$0x0], $0xffff  }
0x34d: {  	v52 =	vadd.f32 v63, v52  }
0x34e: {  	v59 =	vld.idx.msk [tilespmem:v43+s22+$0x0], $0xffff  }
0x34f: {  	v52 =	vadd.f32 v57, v52  }
0x350: {  	v60 =	vld.idx.msk [tilespmem:v44+s22+$0x0], $0xffff  }
0x351: {  	v52 =	vadd.f32 v58, v52  }
0x352: {  	v61 =	vld.idx.msk [tilespmem:v45+s22+$0x0], $0xffff  }
0x353: {  	v52 =	vadd.f32 v59, v52  }
0x354: {  	v62 =	vld.idx.msk [tilespmem:v46+s22+$0x0], $0xffff  }
0x355: {  	v52 =	vadd.f32 v60, v52  }
0x356: {  	v63 =	vld.idx.msk [tilespmem:v47+s22+$0x0], $0xffff  }
0x357: {  	s14 =	sadd.s32 $0xC80, s14;
	v52 =	vadd.f32 v61, v52  }
0x358: {  	p0 =	sne.s32 s14, $0x19000  }
.Ltmp0:
0x359: {  	v52 =	vadd.f32 v62, v52;
	(pc) =	sbr.rel @p0 .LBB2_2-.Ltmp0, $3  }
0x35a: {  	_ = 	snop  }
0x35b: {  	v52 =	vadd.f32 v63, v52;
	_ =	sdelay $0x1  }
0x35c: {  	[tilespmem:s12+$0x10] =	vst v52;
	s12 =	sadd.s32 $0x40, s12  }
0x35d: {  	s0 =	sadd.s32 $0x1, s0  }
0x35e: {  	p0 =	sne.s32 s0, s6  }
.Ltmp1:
0x35f: {  	s1 =	simm.s32 $0x7D00;
	(pc) =	sbr.rel @p0 .LBB2_1-.Ltmp1, $4  }
0x360: {  	[hbm4b:s5+s2] =	stream.linear.scatter [tilespmem:s1], [sflag:$0x9], $0x800, $0x38;
	[tilespmem:$0x8500] =	vst v63  }
0x361: {  	_ =	swait.ge [sflag:s7], $0x800  }
0x362: {  	[sflag:s7] =	ssyncset.done $0x0  }
0x363: {  	[sflag:s7] =	ssyncadd.s32 $0xFFFFF800  }
0x364: {  	_ =	sfence.sel $0x180000  }
0x365: {  	[bflag:$0x0] =	sbarrier.arrive $0xFFFF  }
0x366: {  	_ =	strace $0x90000047  }
0x367: {  	s0 =	stileid.u32;
	[bflag:$0x2] =	sbarrier.arrive $0xFFFF  }
0x368: {  	p0 =	sne.s32 s0, $0x0;
	s0 =	rddreg [dreg:$0x1]  }
0x369: {  	s0 =	sadd.s32 @!p0 $0x100000, s0  }
0x36a: {  	[sflag:s0] =	ssyncadd.tile.s32 @!p0 $0x1;
	_ =	shalt  }
.Lfunc_end2:
_tile_overlayer_lowered:
.L_overlay_start_2:
0x36b: {  	(tag) =	ssettag $0x2  }
0x36c: {  	s0 =	rddreg [dreg:$0x0];
	s2 =	stileid.u32  }
0x36d: {  	s1 =	rddreg [dreg:$0x1];
	p0 =	sne.s32 s2, $0x0  }
0x36e: {  	s3 =	rddreg [dreg:$0x2];
	[bflag:$0x3] =	sbarrier.arrive $0xFFFF;
	s2 =	simm.s32 @!p0 $0x1C09  }
0x36f: {  	[timem:s3], [sflag:s2] =	dma.local @!p0 [hbm:s0], s1  }
0x370: {  	s0 =	simm.s32 @!p0 $0x9  }
0x371: {  	_ =	swait.ge @!p0 [sflag:s0], s1  }
0x372: {  	s1 =	ssub.s32 @!p0 $0x0, s1;
	[sflag:s0] =	ssyncset.done @!p0 $0x0  }
0x373: {  	[sflag:s0] =	ssyncadd.s32 @!p0 s1  }
0x374: {  	[bflag:$0x3] =	sbarrier.arrive $0xFFFF  }
0x375: {  	_ =	shalt  }

</sc_bundles>
